<compile_context>
chip_gen: v7x
topology: tpu7x:2x2x1
jax: 0.10.2.dev20260603
libtpu: 0.0.44.dev20260713+nightly
codegen_flags: <defaults>
</compile_context>

<pallas_src>
import functools

import numpy as np
import jax
import jax.numpy as jnp
from jax import lax
from jax.experimental import pallas as pl
from jax.experimental.pallas import tpu as pltpu
from jax.experimental.pallas import tpu_sc as plsc

NUM_EMBEDDINGS = 1000000
EMBEDDING_DIM = 64
NUM_BUCKETS = 100000
NUM_HASHES = 2
SEED = 42


def _is_prime(x):
    limit = int(np.sqrt(x))
    d = 2
    chunk = 1000000
    while d < limit:
        end = min(d + chunk, limit)
        ds = np.arange(d, end, dtype=np.int64)
        if np.any(x % ds == 0):
            return False
        d = end
    return True


def _next_prime(n):
    while not _is_prime(n):
        n += 1
    return n


def _hash_params():
    np.random.seed(SEED)
    moduler = _next_prime(int(np.random.randint(NUM_BUCKETS + 1, int(1000000000000000.0))))
    a_list, b_list = [], []
    sampled_a, sampled_b = set(), set()
    for _ in range(NUM_HASHES):
        np.random.seed(SEED)
        a = None
        while a is None or a in sampled_a:
            a = int(np.random.randint(1, moduler - 1))
        sampled_a.add(a)
        np.random.seed(SEED)
        b = None
        while b is None or b in sampled_b:
            b = int(np.random.randint(0, moduler - 1))
        sampled_b.add(b)
        a_list.append(a)
        b_list.append(b)
    return moduler, a_list, b_list


def _build_hash_tables():
    moduler, a_list, b_list = _hash_params()
    x = np.arange(NUM_EMBEDDINGS, dtype=np.int64)
    tabs = []
    for i in range(NUM_HASHES):
        prod = np.int64(a_list[i]) * x + np.int64(b_list[i])
        tabs.append(((prod % np.int64(moduler)) % np.int64(NUM_BUCKETS)).astype(np.int32))
    return tabs


_H0TAB, _H1TAB = _build_hash_tables()

_NC, _NS, _L = 2, 16, 16
_NW = _NC * _NS

_B, _F = 16384, 26
_N = _B * _F
_PW = _N // _NW
_BR = 128
_NB = _PW // _BR
_DOUT = EMBEDDING_DIM + NUM_HASHES


@functools.cache
def _make_embed_kernel():
    @functools.partial(
        pl.kernel,
        mesh=plsc.VectorSubcoreMesh(core_axis_name="c", subcore_axis_name="s"),
        out_type=(
            jax.ShapeDtypeStruct((_N // 2, 128), jnp.float32),
            jax.ShapeDtypeStruct((_N,), jnp.float32),
            jax.ShapeDtypeStruct((_N,), jnp.float32),
        ),
        compiler_params=pltpu.CompilerParams(
            needs_layout_passes=False, use_tc_tiling_on_sc=True),
        scratch_types=(
            [pltpu.VMEM((_BR,), jnp.int32)] * 2
            + [pltpu.VMEM((_BR,), jnp.int32)] * 2
            + [pltpu.VMEM((_BR,), jnp.float32)] * 2
            + [pltpu.VMEM((_BR,), jnp.int32)] * 2
            + [pltpu.VMEM((_BR,), jnp.float32)] * 2
            + [pltpu.VMEM((_BR, 128), jnp.float32)] * 4
            + [pltpu.VMEM((_BR // 2, 128), jnp.float32)] * 2
            + [pltpu.VMEM((_BR,), jnp.float32)] * 4
            + [pltpu.SemaphoreType.DMA] * 6
        ),
    )
    def _embed_kernel(idx_hbm, h0t_hbm, h1t_hbm, emb_hbm, w0t_hbm, w1t_hbm,
                      out_hbm, w0out_hbm, w1out_hbm,
                      idxA, idxB, h0A, h1A, w0A, w1A, h0B, h1B, w0B, w1B,
                      e0A, e1A, e0B, e1B, outA, outB, wo0A, wo1A, wo0B, wo1B,
                      sem_i, sem_m, sem_eA, sem_eB, sem_oA, sem_oB):
        wid = lax.axis_index("s") * _NC + lax.axis_index("c")
        lane = lax.iota(jnp.int32, _L)
        bufA = (idxA, h0A, h1A, w0A, w1A, e0A, e1A, outA, wo0A, wo1A)
        bufB = (idxB, h0B, h1B, w0B, w1B, e0B, e1B, outB, wo0B, wo1B)

        def idx_slice(blk):
            return idx_hbm.at[pl.ds(wid * jnp.int32(_PW) + blk * jnp.int32(_BR), _BR)]

        def out_slices(blk):
            base = wid * jnp.int32(_PW) + blk * jnp.int32(_BR)
            return (
                out_hbm.at[pl.ds(wid * jnp.int32(_PW // 2) + blk * jnp.int32(_BR // 2),
                                 _BR // 2)],
                w0out_hbm.at[pl.ds(base, _BR)],
                w1out_hbm.at[pl.ds(base, _BR)],
            )

        def issue_idx(blk, buf):
            pltpu.async_copy(idx_slice(blk), buf[0], sem_i)

        def wait_idx(buf):
            pltpu.make_async_copy(idx_slice(jnp.int32(0)), buf[0], sem_i).wait()

        def issue_meta(buf):
            pltpu.async_copy(h0t_hbm.at[buf[0]], buf[1], sem_m)
            pltpu.async_copy(h1t_hbm.at[buf[0]], buf[2], sem_m)
            pltpu.async_copy(w0t_hbm.at[buf[0]], buf[3], sem_m)
            pltpu.async_copy(w1t_hbm.at[buf[0]], buf[4], sem_m)

        def wait_meta(buf):
            pltpu.make_async_copy(h0t_hbm.at[buf[0]], buf[1], sem_m).wait()
            pltpu.make_async_copy(h1t_hbm.at[buf[0]], buf[2], sem_m).wait()
            pltpu.make_async_copy(w0t_hbm.at[buf[0]], buf[3], sem_m).wait()
            pltpu.make_async_copy(w1t_hbm.at[buf[0]], buf[4], sem_m).wait()

        def issue_e(buf, sem):
            pltpu.async_copy(emb_hbm.at[buf[1]], buf[5], sem)
            pltpu.async_copy(emb_hbm.at[buf[2]], buf[6], sem)

        def wait_e(buf, sem):
            pltpu.make_async_copy(emb_hbm.at[buf[1]], buf[5], sem).wait()
            pltpu.make_async_copy(emb_hbm.at[buf[2]], buf[6], sem).wait()

        def issue_out(blk, buf, sem):
            om, ow0, ow1 = out_slices(blk)
            pltpu.async_copy(buf[7], om, sem)
            pltpu.async_copy(buf[8], ow0, sem)
            pltpu.async_copy(buf[9], ow1, sem)

        def wait_out(sem):
            om, ow0, ow1 = out_slices(jnp.int32(0))
            pltpu.make_async_copy(outA, om, sem).wait()
            pltpu.make_async_copy(wo0A, ow0, sem).wait()
            pltpu.make_async_copy(wo1A, ow1, sem).wait()

        def compute(buf):
            _, _, _, w0_v, w1_v, e0_v, e1_v, out_v, wo0_v, wo1_v = buf

            @plsc.parallel_loop(
                jnp.int32(0), jnp.int32(_BR // 4), jnp.int32(1), unroll=4)
            def row4(g):
                for u in range(4):
                    r = jnp.int32(4) * g + jnp.int32(u)
                    w0 = plsc.load_gather(w0_v, [jnp.full((_L,), r, jnp.int32)])
                    w1 = plsc.load_gather(w1_v, [jnp.full((_L,), r, jnp.int32)])
                    ro = jnp.int32(2) * g + jnp.int32(u // 2)
                    co = 64 * (u % 2)
                    for c in range(EMBEDDING_DIM // _L):
                        out_v[ro, pl.ds(co + _L * c, _L)] = (
                            w0 * e0_v[r, pl.ds(_L * c, _L)]
                            + w1 * e1_v[r, pl.ds(_L * c, _L)])

            @plsc.parallel_loop(
                jnp.int32(0), jnp.int32(_BR // _L), jnp.int32(1), unroll=2)
            def wstage(k):
                s = pl.ds(_L * k, _L)
                wo0_v[s] = w0_v[s]
                wo1_v[s] = w1_v[s]

        def process(b, cur, nxt, sem_e_cur, sem_e_nxt, sem_o_cur):
            @pl.when(b < jnp.int32(_NB - 1))
            def _():
                wait_meta(nxt)
                issue_e(nxt, sem_e_nxt)

            @pl.when(b < jnp.int32(_NB - 2))
            def _():
                issue_idx(b + jnp.int32(2), cur)

            wait_e(cur, sem_e_cur)
            compute(cur)

            @pl.when(b >= jnp.int32(2))
            def _():
                wait_out(sem_o_cur)

            issue_out(b, cur, sem_o_cur)

            @pl.when(b < jnp.int32(_NB - 2))
            def _():
                wait_idx(cur)
                issue_meta(cur)

        issue_idx(jnp.int32(0), bufA)
        wait_idx(bufA)
        issue_meta(bufA)
        wait_meta(bufA)
        issue_e(bufA, sem_eA)
        issue_idx(jnp.int32(1), bufB)
        wait_idx(bufB)
        issue_meta(bufB)

        def pair(jj, carry):
            b0 = jnp.int32(2) * jj
            process(b0, bufA, bufB, sem_eA, sem_eB, sem_oA)
            process(b0 + jnp.int32(1), bufB, bufA, sem_eB, sem_eA, sem_oB)
            return carry

        lax.fori_loop(jnp.int32(0), jnp.int32(_NB // 2), pair, 0)

        wait_out(sem_oA)
        wait_out(sem_oB)

    return _embed_kernel


def kernel(indices, shared_embeddings, importance_weights):
    idx32 = (indices.astype(jnp.int32) % jnp.int32(NUM_EMBEDDINGS)).reshape(_N)
    emb128 = jnp.pad(shared_embeddings, ((0, 0), (0, 128 - EMBEDDING_DIM)))
    main, w0o, w1o = _make_embed_kernel()(
        idx32,
        jnp.asarray(_H0TAB),
        jnp.asarray(_H1TAB),
        emb128,
        importance_weights[:, 0],
        importance_weights[:, 1],
    )
    out = jnp.concatenate(
        [main.reshape(_N, EMBEDDING_DIM), w0o[:, None], w1o[:, None]], axis=1)
    return out.reshape(_B, _F, _DOUT)

# --- scband reference (transcript-rebuilt; emitter-appended) ---
"""Pipeline reference for scband-hash-embedding-66614942761612 (READ-ONLY COPY).

The authoritative reference and input builder live on the scoring server;
editing this copy changes nothing except your own understanding.
"""

import jax, jax.numpy as jnp
import numpy as np

jax.config.update("jax_enable_x64", True)

NUM_EMBEDDINGS = 1000000
EMBEDDING_DIM = 64
NUM_BUCKETS = 100000
NUM_HASHES = 2
SEED = 42


def _is_prime(x):
    # faithful to: any divisor d in range(2, int(np.sqrt(x))) -> composite
    limit = int(np.sqrt(x))
    d = 2
    chunk = 1000000
    while d < limit:
        end = min(d + chunk, limit)
        ds = np.arange(d, end, dtype=np.int64)
        if np.any(x % ds == 0):
            return False
        d = end
    return True


def _next_prime(n):
    while not _is_prime(n):
        n += 1
    return n


def _hash_params():
    # Replicates HashFamily(bins=NUM_BUCKETS, random_seed=42).draw_hashes(NUM_HASHES):
    # moduler drawn once with seed, then each draw_hash resets the seed so the i-th
    # accepted a/b is the i-th value of the seeded randint stream (earlier ones collide).
    np.random.seed(SEED)
    moduler = _next_prime(int(np.random.randint(NUM_BUCKETS + 1, int(1000000000000000.0))))
    a_list, b_list = [], []
    sampled_a, sampled_b = set(), set()
    for _ in range(NUM_HASHES):
        np.random.seed(SEED)
        a = None
        while a is None or a in sampled_a:
            a = int(np.random.randint(1, moduler - 1))
        sampled_a.add(a)
        np.random.seed(SEED)
        b = None
        while b is None or b in sampled_b:
            b = int(np.random.randint(0, moduler - 1))
        sampled_b.add(b)
        a_list.append(a)
        b_list.append(b)
    return moduler, a_list, b_list


MODULER, A_LIST, B_LIST = _hash_params()


def setup_inputs(seed: int = 0) -> dict:
    key = jax.random.key(seed)
    k1, k2, k3 = jax.random.split(key, 3)
    indices = jax.random.randint(k1, (16384, 26), 0, NUM_EMBEDDINGS, dtype=jnp.int64)
    shared_embeddings = jax.random.normal(k2, (NUM_BUCKETS, EMBEDDING_DIM), dtype=jnp.float32) * 0.02
    importance_weights = jax.random.normal(k3, (NUM_EMBEDDINGS, NUM_HASHES), dtype=jnp.float32) * 0.02
    return {"indices": indices, "shared_embeddings": shared_embeddings, "importance_weights": importance_weights}


def reference(indices, shared_embeddings, importance_weights):
    # D1: token -> id (identity modulo num_embeddings, improved algorithm)
    idx_w = indices % NUM_EMBEDDINGS
    # D2^i: id -> bucket via universal hash h_i(x) = ((a_i*x + b_i) % p) % B (mask_zero=False)
    # int64 wrap-around on a*x matches torch LongTensor semantics; x64 is enabled above.
    hashed = [((A_LIST[i] * idx_w + B_LIST[i]) % MODULER) % NUM_BUCKETS for i in range(NUM_HASHES)]
    # gather component vectors H_i(w): (B, F, k, d)
    shared = jnp.stack([jnp.take(shared_embeddings, h, axis=0) for h in hashed], axis=-2)
    # importance weights p_w: (B, F, k)
    imp = jnp.take(importance_weights, idx_w, axis=0)
    # e_hat = p_w . c_w  (aggregation_mode='sum')
    word = jnp.sum(imp[..., None] * shared, axis=-2)
    # append_weight=True: e_w = concat(e_hat, p_w) -> (B, F, d + k)
    word = jnp.concatenate([word, imp], axis=-1)
    return word

if __name__ == "__main__":
    import jax
    _d = setup_inputs()
    print(jax.jit(kernel)(*tuple(_d.values())))

</pallas_src>

<mosaic_0001>
#map = affine_map<(d0, d1) -> (0)>
#map1 = affine_map<(d0, d1) -> (0, 0)>
module attributes {stable_mosaic.version = 14 : i64} {
  func.func @_embed_kernel(%arg0: i32, %arg1: i32, %arg2: memref<425984xi32, #tpu.memory_space<hbm>>, %arg3: memref<1000000xi32, #tpu.memory_space<hbm>>, %arg4: memref<1000000xi32, #tpu.memory_space<hbm>>, %arg5: memref<100000x128xf32, #tpu.memory_space<hbm>>, %arg6: memref<1000000xf32, #tpu.memory_space<hbm>>, %arg7: memref<1000000xf32, #tpu.memory_space<hbm>>, %arg8: memref<212992x128xf32, #tpu.memory_space<hbm>>, %arg9: memref<425984xf32, #tpu.memory_space<hbm>>, %arg10: memref<425984xf32, #tpu.memory_space<hbm>>, %arg11: memref<128xi32, #tpu.memory_space<vmem>>, %arg12: memref<128xi32, #tpu.memory_space<vmem>>, %arg13: memref<128xi32, #tpu.memory_space<vmem>>, %arg14: memref<128xi32, #tpu.memory_space<vmem>>, %arg15: memref<128xf32, #tpu.memory_space<vmem>>, %arg16: memref<128xf32, #tpu.memory_space<vmem>>, %arg17: memref<128xi32, #tpu.memory_space<vmem>>, %arg18: memref<128xi32, #tpu.memory_space<vmem>>, %arg19: memref<128xf32, #tpu.memory_space<vmem>>, %arg20: memref<128xf32, #tpu.memory_space<vmem>>, %arg21: memref<128x128xf32, #tpu.memory_space<vmem>>, %arg22: memref<128x128xf32, #tpu.memory_space<vmem>>, %arg23: memref<128x128xf32, #tpu.memory_space<vmem>>, %arg24: memref<128x128xf32, #tpu.memory_space<vmem>>, %arg25: memref<64x128xf32, #tpu.memory_space<vmem>>, %arg26: memref<64x128xf32, #tpu.memory_space<vmem>>, %arg27: memref<128xf32, #tpu.memory_space<vmem>>, %arg28: memref<128xf32, #tpu.memory_space<vmem>>, %arg29: memref<128xf32, #tpu.memory_space<vmem>>, %arg30: memref<128xf32, #tpu.memory_space<vmem>>, %arg31: memref<!tpu.dma_semaphore, #tpu.memory_space<semaphore_mem>>, %arg32: memref<!tpu.dma_semaphore, #tpu.memory_space<semaphore_mem>>, %arg33: memref<!tpu.dma_semaphore, #tpu.memory_space<semaphore_mem>>, %arg34: memref<!tpu.dma_semaphore, #tpu.memory_space<semaphore_mem>>, %arg35: memref<!tpu.dma_semaphore, #tpu.memory_space<semaphore_mem>>, %arg36: memref<!tpu.dma_semaphore, #tpu.memory_space<semaphore_mem>>) attributes {dimension_semantics = [#tpu.dimension_semantics<core_parallel>, #tpu.dimension_semantics<subcore_parallel>], iteration_bounds = array<i64: 2, 16>, scalar_prefetch = 0 : i64, scratch_operands = 26 : i64, tpu.core_type = #tpu.core_type<sc_vector_subcore>, window_params = [{transform_indices = #map}, {transform_indices = #map}, {transform_indices = #map}, {transform_indices = #map1}, {transform_indices = #map}, {transform_indices = #map}, {transform_indices = #map1}, {transform_indices = #map}, {transform_indices = #map}]} {
    %mul3A = arith.constant 2 : i32
    %mul3A_0 = arith.muli %arg1, %mul3A : i32
    %add3A = arith.addi %mul3A_0, %arg0 : i32
    %iota3A = tpu.iota {dimensions = array<i32: 0>} : vector<16xi32>
    %mul3A_1 = arith.constant 13312 : i32
    %mul3A_2 = arith.muli %add3A, %mul3A_1 : i32
    %mul3A_3 = arith.constant 0 : i32
    %mul3A_4 = arith.constant 128 : i32
    %mul3A_5 = arith.muli %mul3A_3, %mul3A_4 : i32
    %add3A_6 = arith.addi %mul3A_2, %mul3A_5 : i32
    %dma_start3A = tpu.memref_slice %arg2[%add3A_6] : memref<425984xi32, #tpu.memory_space<hbm>> -> memref<128xi32, #tpu.memory_space<hbm>>
    %dma_start3A_7 = tpu.memref_slice %arg2[%add3A_6] : memref<425984xi32, #tpu.memory_space<hbm>> -> memref<128xi32, #tpu.memory_space<hbm>>
    tpu.enqueue_dma source(%dma_start3A_7 : memref<128xi32, #tpu.memory_space<hbm>>) target(%arg11 : memref<128xi32, #tpu.memory_space<vmem>>) target_semaphore(%arg31 : memref<!tpu.dma_semaphore, #tpu.memory_space<semaphore_mem>>)
    %mul3A_8 = arith.constant 13312 : i32
    %mul3A_9 = arith.muli %add3A, %mul3A_8 : i32
    %mul3A_10 = arith.constant 0 : i32
    %mul3A_11 = arith.constant 128 : i32
    %mul3A_12 = arith.muli %mul3A_10, %mul3A_11 : i32
    %add3A_13 = arith.addi %mul3A_9, %mul3A_12 : i32
    %dma_wait3A = tpu.memref_slice %arg2[%add3A_13] : memref<425984xi32, #tpu.memory_space<hbm>> -> memref<128xi32, #tpu.memory_space<hbm>>
    %dma_wait3A_14 = tpu.memref_slice %arg2[%add3A_13] : memref<425984xi32, #tpu.memory_space<hbm>> -> memref<128xi32, #tpu.memory_space<hbm>>
    tpu.wait_dma2 semaphore(%arg31 : memref<!tpu.dma_semaphore, #tpu.memory_space<semaphore_mem>>) src(%dma_wait3A_14 : memref<128xi32, #tpu.memory_space<hbm>>) dst(%arg11 : memref<128xi32, #tpu.memory_space<vmem>>)
    %dma_start3A_15 = arith.constant 0 : i32
    %dma_start3A_16 = tpu.memref_slice %arg3[%dma_start3A_15] : memref<1000000xi32, #tpu.memory_space<hbm>> -> memref<1000000xi32, #tpu.memory_space<hbm>>
    tpu.enqueue_indirect_dma source(%dma_start3A_16 : memref<1000000xi32, #tpu.memory_space<hbm>>) target(%arg13 : memref<128xi32, #tpu.memory_space<vmem>>) offsets(%arg11 : memref<128xi32, #tpu.memory_space<vmem>>) semaphore(%arg32 : memref<!tpu.dma_semaphore, #tpu.memory_space<semaphore_mem>>)
    %dma_start3A_17 = arith.constant 0 : i32
    %dma_start3A_18 = tpu.memref_slice %arg4[%dma_start3A_17] : memref<1000000xi32, #tpu.memory_space<hbm>> -> memref<1000000xi32, #tpu.memory_space<hbm>>
    tpu.enqueue_indirect_dma source(%dma_start3A_18 : memref<1000000xi32, #tpu.memory_space<hbm>>) target(%arg14 : memref<128xi32, #tpu.memory_space<vmem>>) offsets(%arg11 : memref<128xi32, #tpu.memory_space<vmem>>) semaphore(%arg32 : memref<!tpu.dma_semaphore, #tpu.memory_space<semaphore_mem>>)
    %dma_start3A_19 = arith.constant 0 : i32
    %dma_start3A_20 = tpu.memref_slice %arg6[%dma_start3A_19] : memref<1000000xf32, #tpu.memory_space<hbm>> -> memref<1000000xf32, #tpu.memory_space<hbm>>
    tpu.enqueue_indirect_dma source(%dma_start3A_20 : memref<1000000xf32, #tpu.memory_space<hbm>>) target(%arg15 : memref<128xf32, #tpu.memory_space<vmem>>) offsets(%arg11 : memref<128xi32, #tpu.memory_space<vmem>>) semaphore(%arg32 : memref<!tpu.dma_semaphore, #tpu.memory_space<semaphore_mem>>)
    %dma_start3A_21 = arith.constant 0 : i32
    %dma_start3A_22 = tpu.memref_slice %arg7[%dma_start3A_21] : memref<1000000xf32, #tpu.memory_space<hbm>> -> memref<1000000xf32, #tpu.memory_space<hbm>>
    tpu.enqueue_indirect_dma source(%dma_start3A_22 : memref<1000000xf32, #tpu.memory_space<hbm>>) target(%arg16 : memref<128xf32, #tpu.memory_space<vmem>>) offsets(%arg11 : memref<128xi32, #tpu.memory_space<vmem>>) semaphore(%arg32 : memref<!tpu.dma_semaphore, #tpu.memory_space<semaphore_mem>>)
    %dma_wait3A_23 = arith.constant 0 : i32
    %dma_wait3A_24 = tpu.memref_slice %arg3[%dma_wait3A_23] : memref<1000000xi32, #tpu.memory_space<hbm>> -> memref<1000000xi32, #tpu.memory_space<hbm>>
    tpu.wait_indirect_dma semaphore(%arg32 : memref<!tpu.dma_semaphore, #tpu.memory_space<semaphore_mem>>) src(%dma_wait3A_24 : memref<1000000xi32, #tpu.memory_space<hbm>>) dst(%arg13 : memref<128xi32, #tpu.memory_space<vmem>>)
    %dma_wait3A_25 = arith.constant 0 : i32
    %dma_wait3A_26 = tpu.memref_slice %arg4[%dma_wait3A_25] : memref<1000000xi32, #tpu.memory_space<hbm>> -> memref<1000000xi32, #tpu.memory_space<hbm>>
    tpu.wait_indirect_dma semaphore(%arg32 : memref<!tpu.dma_semaphore, #tpu.memory_space<semaphore_mem>>) src(%dma_wait3A_26 : memref<1000000xi32, #tpu.memory_space<hbm>>) dst(%arg14 : memref<128xi32, #tpu.memory_space<vmem>>)
    %dma_wait3A_27 = arith.constant 0 : i32
    %dma_wait3A_28 = tpu.memref_slice %arg6[%dma_wait3A_27] : memref<1000000xf32, #tpu.memory_space<hbm>> -> memref<1000000xf32, #tpu.memory_space<hbm>>
    tpu.wait_indirect_dma semaphore(%arg32 : memref<!tpu.dma_semaphore, #tpu.memory_space<semaphore_mem>>) src(%dma_wait3A_28 : memref<1000000xf32, #tpu.memory_space<hbm>>) dst(%arg15 : memref<128xf32, #tpu.memory_space<vmem>>)
    %dma_wait3A_29 = arith.constant 0 : i32
    %dma_wait3A_30 = tpu.memref_slice %arg7[%dma_wait3A_29] : memref<1000000xf32, #tpu.memory_space<hbm>> -> memref<1000000xf32, #tpu.memory_space<hbm>>
    tpu.wait_indirect_dma semaphore(%arg32 : memref<!tpu.dma_semaphore, #tpu.memory_space<semaphore_mem>>) src(%dma_wait3A_30 : memref<1000000xf32, #tpu.memory_space<hbm>>) dst(%arg16 : memref<128xf32, #tpu.memory_space<vmem>>)
    %dma_start3A_31 = arith.constant 0 : i32
    %dma_start3A_32 = arith.constant 0 : i32
    %dma_start3A_33 = tpu.memref_slice %arg5[%dma_start3A_31, %dma_start3A_32] : memref<100000x128xf32, #tpu.memory_space<hbm>> -> memref<100000x128xf32, #tpu.memory_space<hbm>>
    tpu.enqueue_indirect_dma source(%dma_start3A_33 : memref<100000x128xf32, #tpu.memory_space<hbm>>) target(%arg21 : memref<128x128xf32, #tpu.memory_space<vmem>>) offsets(%arg13 : memref<128xi32, #tpu.memory_space<vmem>>) semaphore(%arg33 : memref<!tpu.dma_semaphore, #tpu.memory_space<semaphore_mem>>)
    %dma_start3A_34 = arith.constant 0 : i32
    %dma_start3A_35 = arith.constant 0 : i32
    %dma_start3A_36 = tpu.memref_slice %arg5[%dma_start3A_34, %dma_start3A_35] : memref<100000x128xf32, #tpu.memory_space<hbm>> -> memref<100000x128xf32, #tpu.memory_space<hbm>>
    tpu.enqueue_indirect_dma source(%dma_start3A_36 : memref<100000x128xf32, #tpu.memory_space<hbm>>) target(%arg22 : memref<128x128xf32, #tpu.memory_space<vmem>>) offsets(%arg14 : memref<128xi32, #tpu.memory_space<vmem>>) semaphore(%arg33 : memref<!tpu.dma_semaphore, #tpu.memory_space<semaphore_mem>>)
    %mul3A_37 = arith.constant 13312 : i32
    %mul3A_38 = arith.muli %add3A, %mul3A_37 : i32
    %mul3A_39 = arith.constant 1 : i32
    %mul3A_40 = arith.constant 128 : i32
    %mul3A_41 = arith.muli %mul3A_39, %mul3A_40 : i32
    %add3A_42 = arith.addi %mul3A_38, %mul3A_41 : i32
    %dma_start3A_43 = tpu.memref_slice %arg2[%add3A_42] : memref<425984xi32, #tpu.memory_space<hbm>> -> memref<128xi32, #tpu.memory_space<hbm>>
    %dma_start3A_44 = tpu.memref_slice %arg2[%add3A_42] : memref<425984xi32, #tpu.memory_space<hbm>> -> memref<128xi32, #tpu.memory_space<hbm>>
    tpu.enqueue_dma source(%dma_start3A_44 : memref<128xi32, #tpu.memory_space<hbm>>) target(%arg12 : memref<128xi32, #tpu.memory_space<vmem>>) target_semaphore(%arg31 : memref<!tpu.dma_semaphore, #tpu.memory_space<semaphore_mem>>)
    %mul3A_45 = arith.constant 13312 : i32
    %mul3A_46 = arith.muli %add3A, %mul3A_45 : i32
    %mul3A_47 = arith.constant 0 : i32
    %mul3A_48 = arith.constant 128 : i32
    %mul3A_49 = arith.muli %mul3A_47, %mul3A_48 : i32
    %add3A_50 = arith.addi %mul3A_46, %mul3A_49 : i32
    %dma_wait3A_51 = tpu.memref_slice %arg2[%add3A_50] : memref<425984xi32, #tpu.memory_space<hbm>> -> memref<128xi32, #tpu.memory_space<hbm>>
    %dma_wait3A_52 = tpu.memref_slice %arg2[%add3A_50] : memref<425984xi32, #tpu.memory_space<hbm>> -> memref<128xi32, #tpu.memory_space<hbm>>
    tpu.wait_dma2 semaphore(%arg31 : memref<!tpu.dma_semaphore, #tpu.memory_space<semaphore_mem>>) src(%dma_wait3A_52 : memref<128xi32, #tpu.memory_space<hbm>>) dst(%arg12 : memref<128xi32, #tpu.memory_space<vmem>>)
    %dma_start3A_53 = arith.constant 0 : i32
    %dma_start3A_54 = tpu.memref_slice %arg3[%dma_start3A_53] : memref<1000000xi32, #tpu.memory_space<hbm>> -> memref<1000000xi32, #tpu.memory_space<hbm>>
    tpu.enqueue_indirect_dma source(%dma_start3A_54 : memref<1000000xi32, #tpu.memory_space<hbm>>) target(%arg17 : memref<128xi32, #tpu.memory_space<vmem>>) offsets(%arg12 : memref<128xi32, #tpu.memory_space<vmem>>) semaphore(%arg32 : memref<!tpu.dma_semaphore, #tpu.memory_space<semaphore_mem>>)
    %dma_start3A_55 = arith.constant 0 : i32
    %dma_start3A_56 = tpu.memref_slice %arg4[%dma_start3A_55] : memref<1000000xi32, #tpu.memory_space<hbm>> -> memref<1000000xi32, #tpu.memory_space<hbm>>
    tpu.enqueue_indirect_dma source(%dma_start3A_56 : memref<1000000xi32, #tpu.memory_space<hbm>>) target(%arg18 : memref<128xi32, #tpu.memory_space<vmem>>) offsets(%arg12 : memref<128xi32, #tpu.memory_space<vmem>>) semaphore(%arg32 : memref<!tpu.dma_semaphore, #tpu.memory_space<semaphore_mem>>)
    %dma_start3A_57 = arith.constant 0 : i32
    %dma_start3A_58 = tpu.memref_slice %arg6[%dma_start3A_57] : memref<1000000xf32, #tpu.memory_space<hbm>> -> memref<1000000xf32, #tpu.memory_space<hbm>>
    tpu.enqueue_indirect_dma source(%dma_start3A_58 : memref<1000000xf32, #tpu.memory_space<hbm>>) target(%arg19 : memref<128xf32, #tpu.memory_space<vmem>>) offsets(%arg12 : memref<128xi32, #tpu.memory_space<vmem>>) semaphore(%arg32 : memref<!tpu.dma_semaphore, #tpu.memory_space<semaphore_mem>>)
    %dma_start3A_59 = arith.constant 0 : i32
    %dma_start3A_60 = tpu.memref_slice %arg7[%dma_start3A_59] : memref<1000000xf32, #tpu.memory_space<hbm>> -> memref<1000000xf32, #tpu.memory_space<hbm>>
    tpu.enqueue_indirect_dma source(%dma_start3A_60 : memref<1000000xf32, #tpu.memory_space<hbm>>) target(%arg20 : memref<128xf32, #tpu.memory_space<vmem>>) offsets(%arg12 : memref<128xi32, #tpu.memory_space<vmem>>) semaphore(%arg32 : memref<!tpu.dma_semaphore, #tpu.memory_space<semaphore_mem>>)
    %while3A = arith.constant 0 : i64
    %while3A_61 = arith.constant 0 : i32
    %while3A_62 = arith.constant 52 : i32
    %while3A_63 = arith.subi %while3A_62, %while3A_61 : i32
    %while3A_64 = arith.addi %while3A_61, %while3A_63 : i32
    %while3A_65 = arith.constant 1 : i32
    %while3A_66 = arith.divsi %while3A_63, %while3A_65 : i32
    %while3A_67 = arith.muli %while3A_66, %while3A_65 : i32
    %while3A_68 = arith.addi %while3A_61, %while3A_67 : i32
    %while3A_69 = arith.constant 1 : i32
    scf.for %while3A_111 = %while3A_61 to %while3A_68 step %while3A_69  : i32 {
      %mul3A_112 = arith.constant 2 : i32
      %mul3A_113 = arith.muli %mul3A_112, %while3A_111 : i32
      %lt3A = arith.constant 103 : i32
      %lt3A_114 = arith.cmpi slt, %mul3A_113, %lt3A : i32
      %convert_element_type3A = arith.extui %lt3A_114 : i1 to i32
      %cond3A = arith.constant 0 : i32
      %cond3A_115 = arith.cmpi ne, %convert_element_type3A, %cond3A : i32
      scf.if %cond3A_115 {
        %dma_wait3A_211 = arith.constant 0 : i32
        %dma_wait3A_212 = tpu.memref_slice %arg3[%dma_wait3A_211] : memref<1000000xi32, #tpu.memory_space<hbm>> -> memref<1000000xi32, #tpu.memory_space<hbm>>
        tpu.wait_indirect_dma semaphore(%arg32 : memref<!tpu.dma_semaphore, #tpu.memory_space<semaphore_mem>>) src(%dma_wait3A_212 : memref<1000000xi32, #tpu.memory_space<hbm>>) dst(%arg17 : memref<128xi32, #tpu.memory_space<vmem>>)
        %dma_wait3A_213 = arith.constant 0 : i32
        %dma_wait3A_214 = tpu.memref_slice %arg4[%dma_wait3A_213] : memref<1000000xi32, #tpu.memory_space<hbm>> -> memref<1000000xi32, #tpu.memory_space<hbm>>
        tpu.wait_indirect_dma semaphore(%arg32 : memref<!tpu.dma_semaphore, #tpu.memory_space<semaphore_mem>>) src(%dma_wait3A_214 : memref<1000000xi32, #tpu.memory_space<hbm>>) dst(%arg18 : memref<128xi32, #tpu.memory_space<vmem>>)
        %dma_wait3A_215 = arith.constant 0 : i32
        %dma_wait3A_216 = tpu.memref_slice %arg6[%dma_wait3A_215] : memref<1000000xf32, #tpu.memory_space<hbm>> -> memref<1000000xf32, #tpu.memory_space<hbm>>
        tpu.wait_indirect_dma semaphore(%arg32 : memref<!tpu.dma_semaphore, #tpu.memory_space<semaphore_mem>>) src(%dma_wait3A_216 : memref<1000000xf32, #tpu.memory_space<hbm>>) dst(%arg19 : memref<128xf32, #tpu.memory_space<vmem>>)
        %dma_wait3A_217 = arith.constant 0 : i32
        %dma_wait3A_218 = tpu.memref_slice %arg7[%dma_wait3A_217] : memref<1000000xf32, #tpu.memory_space<hbm>> -> memref<1000000xf32, #tpu.memory_space<hbm>>
        tpu.wait_indirect_dma semaphore(%arg32 : memref<!tpu.dma_semaphore, #tpu.memory_space<semaphore_mem>>) src(%dma_wait3A_218 : memref<1000000xf32, #tpu.memory_space<hbm>>) dst(%arg20 : memref<128xf32, #tpu.memory_space<vmem>>)
        %dma_start3A_219 = arith.constant 0 : i32
        %dma_start3A_220 = arith.constant 0 : i32
        %dma_start3A_221 = tpu.memref_slice %arg5[%dma_start3A_219, %dma_start3A_220] : memref<100000x128xf32, #tpu.memory_space<hbm>> -> memref<100000x128xf32, #tpu.memory_space<hbm>>
        tpu.enqueue_indirect_dma source(%dma_start3A_221 : memref<100000x128xf32, #tpu.memory_space<hbm>>) target(%arg23 : memref<128x128xf32, #tpu.memory_space<vmem>>) offsets(%arg17 : memref<128xi32, #tpu.memory_space<vmem>>) semaphore(%arg34 : memref<!tpu.dma_semaphore, #tpu.memory_space<semaphore_mem>>)
        %dma_start3A_222 = arith.constant 0 : i32
        %dma_start3A_223 = arith.constant 0 : i32
        %dma_start3A_224 = tpu.memref_slice %arg5[%dma_start3A_222, %dma_start3A_223] : memref<100000x128xf32, #tpu.memory_space<hbm>> -> memref<100000x128xf32, #tpu.memory_space<hbm>>
        tpu.enqueue_indirect_dma source(%dma_start3A_224 : memref<100000x128xf32, #tpu.memory_space<hbm>>) target(%arg24 : memref<128x128xf32, #tpu.memory_space<vmem>>) offsets(%arg18 : memref<128xi32, #tpu.memory_space<vmem>>) semaphore(%arg34 : memref<!tpu.dma_semaphore, #tpu.memory_space<semaphore_mem>>)
      } else {
      }
      %lt3A_116 = arith.constant 102 : i32
      %lt3A_117 = arith.cmpi slt, %mul3A_113, %lt3A_116 : i32
      %convert_element_type3A_118 = arith.extui %lt3A_117 : i1 to i32
      %cond3A_119 = arith.constant 0 : i32
      %cond3A_120 = arith.cmpi ne, %convert_element_type3A_118, %cond3A_119 : i32
      scf.if %cond3A_120 {
        %add3A_211 = arith.constant 2 : i32
        %add3A_212 = arith.addi %mul3A_113, %add3A_211 : i32
        %mul3A_213 = arith.constant 13312 : i32
        %mul3A_214 = arith.muli %add3A, %mul3A_213 : i32
        %mul3A_215 = arith.constant 128 : i32
        %mul3A_216 = arith.muli %add3A_212, %mul3A_215 : i32
        %add3A_217 = arith.addi %mul3A_214, %mul3A_216 : i32
        %dma_start3A_218 = tpu.memref_slice %arg2[%add3A_217] : memref<425984xi32, #tpu.memory_space<hbm>> -> memref<128xi32, #tpu.memory_space<hbm>>
        %dma_start3A_219 = tpu.memref_slice %arg2[%add3A_217] : memref<425984xi32, #tpu.memory_space<hbm>> -> memref<128xi32, #tpu.memory_space<hbm>>
        tpu.enqueue_dma source(%dma_start3A_219 : memref<128xi32, #tpu.memory_space<hbm>>) target(%arg11 : memref<128xi32, #tpu.memory_space<vmem>>) target_semaphore(%arg31 : memref<!tpu.dma_semaphore, #tpu.memory_space<semaphore_mem>>)
      } else {
      }
      %dma_wait3A_121 = arith.constant 0 : i32
      %dma_wait3A_122 = arith.constant 0 : i32
      %dma_wait3A_123 = tpu.memref_slice %arg5[%dma_wait3A_121, %dma_wait3A_122] : memref<100000x128xf32, #tpu.memory_space<hbm>> -> memref<100000x128xf32, #tpu.memory_space<hbm>>
      tpu.wait_indirect_dma semaphore(%arg33 : memref<!tpu.dma_semaphore, #tpu.memory_space<semaphore_mem>>) src(%dma_wait3A_123 : memref<100000x128xf32, #tpu.memory_space<hbm>>) dst(%arg21 : memref<128x128xf32, #tpu.memory_space<vmem>>)
      %dma_wait3A_124 = arith.constant 0 : i32
      %dma_wait3A_125 = arith.constant 0 : i32
      %dma_wait3A_126 = tpu.memref_slice %arg5[%dma_wait3A_124, %dma_wait3A_125] : memref<100000x128xf32, #tpu.memory_space<hbm>> -> memref<100000x128xf32, #tpu.memory_space<hbm>>
      tpu.wait_indirect_dma semaphore(%arg33 : memref<!tpu.dma_semaphore, #tpu.memory_space<semaphore_mem>>) src(%dma_wait3A_126 : memref<100000x128xf32, #tpu.memory_space<hbm>>) dst(%arg22 : memref<128x128xf32, #tpu.memory_space<vmem>>)
      %parallel_loop3A = arith.constant 0 : i32
      %parallel_loop3A_127 = arith.constant 32 : i32
      %parallel_loop3A_128 = arith.constant 1 : i32
      scf.for %parallel_loop3A_211 = %parallel_loop3A to %parallel_loop3A_127 step %parallel_loop3A_128  : i32 {
        %parallel_loop3A_212 = arith.constant 4 : i32
        %parallel_loop3A_213 = arith.muli %parallel_loop3A_212, %parallel_loop3A_211 : i32
        %parallel_loop3A_214 = arith.constant 0 : i32
        %parallel_loop3A_215 = arith.addi %parallel_loop3A_213, %parallel_loop3A_214 : i32
        %parallel_loop3A_216 = vector.broadcast %parallel_loop3A_215 : i32 to vector<16xi32>
        %parallel_loop3A_217 = tpu.vector_load_idx %arg15[%parallel_loop3A_216] : memref<128xf32, #tpu.memory_space<vmem>>[vector<16xi32>], vector<16xf32>,
        %parallel_loop3A_218 = vector.broadcast %parallel_loop3A_215 : i32 to vector<16xi32>
        %parallel_loop3A_219 = tpu.vector_load_idx %arg16[%parallel_loop3A_218] : memref<128xf32, #tpu.memory_space<vmem>>[vector<16xi32>], vector<16xf32>,
        %parallel_loop3A_220 = arith.constant 2 : i32
        %parallel_loop3A_221 = arith.muli %parallel_loop3A_220, %parallel_loop3A_211 : i32
        %parallel_loop3A_222 = arith.constant 0 : i32
        %parallel_loop3A_223 = arith.addi %parallel_loop3A_221, %parallel_loop3A_222 : i32
        %parallel_loop3A_224 = arith.index_cast %parallel_loop3A_215 : i32 to index
        %parallel_loop3A_225 = arith.constant 0 : index
        %parallel_loop3A_226 = tpu.vector_load %arg21[%parallel_loop3A_224, %parallel_loop3A_225] {strides = array<i32>} : memref<128x128xf32, #tpu.memory_space<vmem>>, vector<16xf32>,
        %parallel_loop3A_227 = arith.mulf %parallel_loop3A_217, %parallel_loop3A_226 : vector<16xf32>
        %parallel_loop3A_228 = arith.index_cast %parallel_loop3A_215 : i32 to index
        %parallel_loop3A_229 = arith.constant 0 : index
        %parallel_loop3A_230 = tpu.vector_load %arg22[%parallel_loop3A_228, %parallel_loop3A_229] {strides = array<i32>} : memref<128x128xf32, #tpu.memory_space<vmem>>, vector<16xf32>,
        %parallel_loop3A_231 = arith.mulf %parallel_loop3A_219, %parallel_loop3A_230 : vector<16xf32>
        %parallel_loop3A_232 = arith.addf %parallel_loop3A_227, %parallel_loop3A_231 : vector<16xf32>
        %parallel_loop3A_233 = arith.index_cast %parallel_loop3A_223 : i32 to index
        %parallel_loop3A_234 = arith.constant 0 : index
        %parallel_loop3A_235 = tpu.vector_load %arg25[%parallel_loop3A_233, %parallel_loop3A_234] {strides = array<i32>} : memref<64x128xf32, #tpu.memory_space<vmem>>, vector<16xf32>,
        tpu.vector_store %arg25[%parallel_loop3A_233, %parallel_loop3A_234], %parallel_loop3A_232 {strides = array<i32>} : memref<64x128xf32, #tpu.memory_space<vmem>>, vector<16xf32>,
        %parallel_loop3A_236 = arith.index_cast %parallel_loop3A_215 : i32 to index
        %parallel_loop3A_237 = arith.constant 16 : index
        %parallel_loop3A_238 = tpu.vector_load %arg21[%parallel_loop3A_236, %parallel_loop3A_237] {strides = array<i32>} : memref<128x128xf32, #tpu.memory_space<vmem>>, vector<16xf32>,
        %parallel_loop3A_239 = arith.mulf %parallel_loop3A_217, %parallel_loop3A_238 : vector<16xf32>
        %parallel_loop3A_240 = arith.index_cast %parallel_loop3A_215 : i32 to index
        %parallel_loop3A_241 = arith.constant 16 : index
        %parallel_loop3A_242 = tpu.vector_load %arg22[%parallel_loop3A_240, %parallel_loop3A_241] {strides = array<i32>} : memref<128x128xf32, #tpu.memory_space<vmem>>, vector<16xf32>,
        %parallel_loop3A_243 = arith.mulf %parallel_loop3A_219, %parallel_loop3A_242 : vector<16xf32>
        %parallel_loop3A_244 = arith.addf %parallel_loop3A_239, %parallel_loop3A_243 : vector<16xf32>
        %parallel_loop3A_245 = arith.index_cast %parallel_loop3A_223 : i32 to index
        %parallel_loop3A_246 = arith.constant 16 : index
        %parallel_loop3A_247 = tpu.vector_load %arg25[%parallel_loop3A_245, %parallel_loop3A_246] {strides = array<i32>} : memref<64x128xf32, #tpu.memory_space<vmem>>, vector<16xf32>,
        tpu.vector_store %arg25[%parallel_loop3A_245, %parallel_loop3A_246], %parallel_loop3A_244 {strides = array<i32>} : memref<64x128xf32, #tpu.memory_space<vmem>>, vector<16xf32>,
        %parallel_loop3A_248 = arith.index_cast %parallel_loop3A_215 : i32 to index
        %parallel_loop3A_249 = arith.constant 32 : index
        %parallel_loop3A_250 = tpu.vector_load %arg21[%parallel_loop3A_248, %parallel_loop3A_249] {strides = array<i32>} : memref<128x128xf32, #tpu.memory_space<vmem>>, vector<16xf32>,
        %parallel_loop3A_251 = arith.mulf %parallel_loop3A_217, %parallel_loop3A_250 : vector<16xf32>
        %parallel_loop3A_252 = arith.index_cast %parallel_loop3A_215 : i32 to index
        %parallel_loop3A_253 = arith.constant 32 : index
        %parallel_loop3A_254 = tpu.vector_load %arg22[%parallel_loop3A_252, %parallel_loop3A_253] {strides = array<i32>} : memref<128x128xf32, #tpu.memory_space<vmem>>, vector<16xf32>,
        %parallel_loop3A_255 = arith.mulf %parallel_loop3A_219, %parallel_loop3A_254 : vector<16xf32>
        %parallel_loop3A_256 = arith.addf %parallel_loop3A_251, %parallel_loop3A_255 : vector<16xf32>
        %parallel_loop3A_257 = arith.index_cast %parallel_loop3A_223 : i32 to index
        %parallel_loop3A_258 = arith.constant 32 : index
        %parallel_loop3A_259 = tpu.vector_load %arg25[%parallel_loop3A_257, %parallel_loop3A_258] {strides = array<i32>} : memref<64x128xf32, #tpu.memory_space<vmem>>, vector<16xf32>,
        tpu.vector_store %arg25[%parallel_loop3A_257, %parallel_loop3A_258], %parallel_loop3A_256 {strides = array<i32>} : memref<64x128xf32, #tpu.memory_space<vmem>>, vector<16xf32>,
        %parallel_loop3A_260 = arith.index_cast %parallel_loop3A_215 : i32 to index
        %parallel_loop3A_261 = arith.constant 48 : index
        %parallel_loop3A_262 = tpu.vector_load %arg21[%parallel_loop3A_260, %parallel_loop3A_261] {strides = array<i32>} : memref<128x128xf32, #tpu.memory_space<vmem>>, vector<16xf32>,
        %parallel_loop3A_263 = arith.mulf %parallel_loop3A_217, %parallel_loop3A_262 : vector<16xf32>
        %parallel_loop3A_264 = arith.index_cast %parallel_loop3A_215 : i32 to index
        %parallel_loop3A_265 = arith.constant 48 : index
        %parallel_loop3A_266 = tpu.vector_load %arg22[%parallel_loop3A_264, %parallel_loop3A_265] {strides = array<i32>} : memref<128x128xf32, #tpu.memory_space<vmem>>, vector<16xf32>,
        %parallel_loop3A_267 = arith.mulf %parallel_loop3A_219, %parallel_loop3A_266 : vector<16xf32>
        %parallel_loop3A_268 = arith.addf %parallel_loop3A_263, %parallel_loop3A_267 : vector<16xf32>
        %parallel_loop3A_269 = arith.index_cast %parallel_loop3A_223 : i32 to index
        %parallel_loop3A_270 = arith.constant 48 : index
        %parallel_loop3A_271 = tpu.vector_load %arg25[%parallel_loop3A_269, %parallel_loop3A_270] {strides = array<i32>} : memref<64x128xf32, #tpu.memory_space<vmem>>, vector<16xf32>,
        tpu.vector_store %arg25[%parallel_loop3A_269, %parallel_loop3A_270], %parallel_loop3A_268 {strides = array<i32>} : memref<64x128xf32, #tpu.memory_space<vmem>>, vector<16xf32>,
        %parallel_loop3A_272 = arith.constant 4 : i32
        %parallel_loop3A_273 = arith.muli %parallel_loop3A_272, %parallel_loop3A_211 : i32
        %parallel_loop3A_274 = arith.constant 1 : i32
        %parallel_loop3A_275 = arith.addi %parallel_loop3A_273, %parallel_loop3A_274 : i32
        %parallel_loop3A_276 = vector.broadcast %parallel_loop3A_275 : i32 to vector<16xi32>
        %parallel_loop3A_277 = tpu.vector_load_idx %arg15[%parallel_loop3A_276] : memref<128xf32, #tpu.memory_space<vmem>>[vector<16xi32>], vector<16xf32>,
        %parallel_loop3A_278 = vector.broadcast %parallel_loop3A_275 : i32 to vector<16xi32>
        %parallel_loop3A_279 = tpu.vector_load_idx %arg16[%parallel_loop3A_278] : memref<128xf32, #tpu.memory_space<vmem>>[vector<16xi32>], vector<16xf32>,
        %parallel_loop3A_280 = arith.constant 2 : i32
        %parallel_loop3A_281 = arith.muli %parallel_loop3A_280, %parallel_loop3A_211 : i32
        %parallel_loop3A_282 = arith.constant 0 : i32
        %parallel_loop3A_283 = arith.addi %parallel_loop3A_281, %parallel_loop3A_282 : i32
        %parallel_loop3A_284 = arith.index_cast %parallel_loop3A_275 : i32 to index
        %parallel_loop3A_285 = arith.constant 0 : index
        %parallel_loop3A_286 = tpu.vector_load %arg21[%parallel_loop3A_284, %parallel_loop3A_285] {strides = array<i32>} : memref<128x128xf32, #tpu.memory_space<vmem>>, vector<16xf32>,
        %parallel_loop3A_287 = arith.mulf %parallel_loop3A_277, %parallel_loop3A_286 : vector<16xf32>
        %parallel_loop3A_288 = arith.index_cast %parallel_loop3A_275 : i32 to index
        %parallel_loop3A_289 = arith.constant 0 : index
        %parallel_loop3A_290 = tpu.vector_load %arg22[%parallel_loop3A_288, %parallel_loop3A_289] {strides = array<i32>} : memref<128x128xf32, #tpu.memory_space<vmem>>, vector<16xf32>,
        %parallel_loop3A_291 = arith.mulf %parallel_loop3A_279, %parallel_loop3A_290 : vector<16xf32>
        %parallel_loop3A_292 = arith.addf %parallel_loop3A_287, %parallel_loop3A_291 : vector<16xf32>
        %parallel_loop3A_293 = arith.index_cast %parallel_loop3A_283 : i32 to index
        %parallel_loop3A_294 = arith.constant 64 : index
        %parallel_loop3A_295 = tpu.vector_load %arg25[%parallel_loop3A_293, %parallel_loop3A_294] {strides = array<i32>} : memref<64x128xf32, #tpu.memory_space<vmem>>, vector<16xf32>,
        tpu.vector_store %arg25[%parallel_loop3A_293, %parallel_loop3A_294], %parallel_loop3A_292 {strides = array<i32>} : memref<64x128xf32, #tpu.memory_space<vmem>>, vector<16xf32>,
        %parallel_loop3A_296 = arith.index_cast %parallel_loop3A_275 : i32 to index
        %parallel_loop3A_297 = arith.constant 16 : index
        %parallel_loop3A_298 = tpu.vector_load %arg21[%parallel_loop3A_296, %parallel_loop3A_297] {strides = array<i32>} : memref<128x128xf32, #tpu.memory_space<vmem>>, vector<16xf32>,
        %parallel_loop3A_299 = arith.mulf %parallel_loop3A_277, %parallel_loop3A_298 : vector<16xf32>
        %parallel_loop3A_300 = arith.index_cast %parallel_loop3A_275 : i32 to index
        %parallel_loop3A_301 = arith.constant 16 : index
        %parallel_loop3A_302 = tpu.vector_load %arg22[%parallel_loop3A_300, %parallel_loop3A_301] {strides = array<i32>} : memref<128x128xf32, #tpu.memory_space<vmem>>, vector<16xf32>,
        %parallel_loop3A_303 = arith.mulf %parallel_loop3A_279, %parallel_loop3A_302 : vector<16xf32>
        %parallel_loop3A_304 = arith.addf %parallel_loop3A_299, %parallel_loop3A_303 : vector<16xf32>
        %parallel_loop3A_305 = arith.index_cast %parallel_loop3A_283 : i32 to index
        %parallel_loop3A_306 = arith.constant 80 : index
        %parallel_loop3A_307 = tpu.vector_load %arg25[%parallel_loop3A_305, %parallel_loop3A_306] {strides = array<i32>} : memref<64x128xf32, #tpu.memory_space<vmem>>, vector<16xf32>,
        tpu.vector_store %arg25[%parallel_loop3A_305, %parallel_loop3A_306], %parallel_loop3A_304 {strides = array<i32>} : memref<64x128xf32, #tpu.memory_space<vmem>>, vector<16xf32>,
        %parallel_loop3A_308 = arith.index_cast %parallel_loop3A_275 : i32 to index
        %parallel_loop3A_309 = arith.constant 32 : index
        %parallel_loop3A_310 = tpu.vector_load %arg21[%parallel_loop3A_308, %parallel_loop3A_309] {strides = array<i32>} : memref<128x128xf32, #tpu.memory_space<vmem>>, vector<16xf32>,
        %parallel_loop3A_311 = arith.mulf %parallel_loop3A_277, %parallel_loop3A_310 : vector<16xf32>
        %parallel_loop3A_312 = arith.index_cast %parallel_loop3A_275 : i32 to index
        %parallel_loop3A_313 = arith.constant 32 : index
        %parallel_loop3A_314 = tpu.vector_load %arg22[%parallel_loop3A_312, %parallel_loop3A_313] {strides = array<i32>} : memref<128x128xf32, #tpu.memory_space<vmem>>, vector<16xf32>,
        %parallel_loop3A_315 = arith.mulf %parallel_loop3A_279, %parallel_loop3A_314 : vector<16xf32>
        %parallel_loop3A_316 = arith.addf %parallel_loop3A_311, %parallel_loop3A_315 : vector<16xf32>
        %parallel_loop3A_317 = arith.index_cast %parallel_loop3A_283 : i32 to index
        %parallel_loop3A_318 = arith.constant 96 : index
        %parallel_loop3A_319 = tpu.vector_load %arg25[%parallel_loop3A_317, %parallel_loop3A_318] {strides = array<i32>} : memref<64x128xf32, #tpu.memory_space<vmem>>, vector<16xf32>,
        tpu.vector_store %arg25[%parallel_loop3A_317, %parallel_loop3A_318], %parallel_loop3A_316 {strides = array<i32>} : memref<64x128xf32, #tpu.memory_space<vmem>>, vector<16xf32>,
        %parallel_loop3A_320 = arith.index_cast %parallel_loop3A_275 : i32 to index
        %parallel_loop3A_321 = arith.constant 48 : index
        %parallel_loop3A_322 = tpu.vector_load %arg21[%parallel_loop3A_320, %parallel_loop3A_321] {strides = array<i32>} : memref<128x128xf32, #tpu.memory_space<vmem>>, vector<16xf32>,
        %parallel_loop3A_323 = arith.mulf %parallel_loop3A_277, %parallel_loop3A_322 : vector<16xf32>
        %parallel_loop3A_324 = arith.index_cast %parallel_loop3A_275 : i32 to index
        %parallel_loop3A_325 = arith.constant 48 : index
        %parallel_loop3A_326 = tpu.vector_load %arg22[%parallel_loop3A_324, %parallel_loop3A_325] {strides = array<i32>} : memref<128x128xf32, #tpu.memory_space<vmem>>, vector<16xf32>,
        %parallel_loop3A_327 = arith.mulf %parallel_loop3A_279, %parallel_loop3A_326 : vector<16xf32>
        %parallel_loop3A_328 = arith.addf %parallel_loop3A_323, %parallel_loop3A_327 : vector<16xf32>
        %parallel_loop3A_329 = arith.index_cast %parallel_loop3A_283 : i32 to index
        %parallel_loop3A_330 = arith.constant 112 : index
        %parallel_loop3A_331 = tpu.vector_load %arg25[%parallel_loop3A_329, %parallel_loop3A_330] {strides = array<i32>} : memref<64x128xf32, #tpu.memory_space<vmem>>, vector<16xf32>,
        tpu.vector_store %arg25[%parallel_loop3A_329, %parallel_loop3A_330], %parallel_loop3A_328 {strides = array<i32>} : memref<64x128xf32, #tpu.memory_space<vmem>>, vector<16xf32>,
        %parallel_loop3A_332 = arith.constant 4 : i32
        %parallel_loop3A_333 = arith.muli %parallel_loop3A_332, %parallel_loop3A_211 : i32
        %parallel_loop3A_334 = arith.constant 2 : i32
        %parallel_loop3A_335 = arith.addi %parallel_loop3A_333, %parallel_loop3A_334 : i32
        %parallel_loop3A_336 = vector.broadcast %parallel_loop3A_335 : i32 to vector<16xi32>
        %parallel_loop3A_337 = tpu.vector_load_idx %arg15[%parallel_loop3A_336] : memref<128xf32, #tpu.memory_space<vmem>>[vector<16xi32>], vector<16xf32>,
        %parallel_loop3A_338 = vector.broadcast %parallel_loop3A_335 : i32 to vector<16xi32>
        %parallel_loop3A_339 = tpu.vector_load_idx %arg16[%parallel_loop3A_338] : memref<128xf32, #tpu.memory_space<vmem>>[vector<16xi32>], vector<16xf32>,
        %parallel_loop3A_340 = arith.constant 2 : i32
        %parallel_loop3A_341 = arith.muli %parallel_loop3A_340, %parallel_loop3A_211 : i32
        %parallel_loop3A_342 = arith.constant 1 : i32
        %parallel_loop3A_343 = arith.addi %parallel_loop3A_341, %parallel_loop3A_342 : i32
        %parallel_loop3A_344 = arith.index_cast %parallel_loop3A_335 : i32 to index
        %parallel_loop3A_345 = arith.constant 0 : index
        %parallel_loop3A_346 = tpu.vector_load %arg21[%parallel_loop3A_344, %parallel_loop3A_345] {strides = array<i32>} : memref<128x128xf32, #tpu.memory_space<vmem>>, vector<16xf32>,
        %parallel_loop3A_347 = arith.mulf %parallel_loop3A_337, %parallel_loop3A_346 : vector<16xf32>
        %parallel_loop3A_348 = arith.index_cast %parallel_loop3A_335 : i32 to index
        %parallel_loop3A_349 = arith.constant 0 : index
        %parallel_loop3A_350 = tpu.vector_load %arg22[%parallel_loop3A_348, %parallel_loop3A_349] {strides = array<i32>} : memref<128x128xf32, #tpu.memory_space<vmem>>, vector<16xf32>,
        %parallel_loop3A_351 = arith.mulf %parallel_loop3A_339, %parallel_loop3A_350 : vector<16xf32>
        %parallel_loop3A_352 = arith.addf %parallel_loop3A_347, %parallel_loop3A_351 : vector<16xf32>
        %parallel_loop3A_353 = arith.index_cast %parallel_loop3A_343 : i32 to index
        %parallel_loop3A_354 = arith.constant 0 : index
        %parallel_loop3A_355 = tpu.vector_load %arg25[%parallel_loop3A_353, %parallel_loop3A_354] {strides = array<i32>} : memref<64x128xf32, #tpu.memory_space<vmem>>, vector<16xf32>,
        tpu.vector_store %arg25[%parallel_loop3A_353, %parallel_loop3A_354], %parallel_loop3A_352 {strides = array<i32>} : memref<64x128xf32, #tpu.memory_space<vmem>>, vector<16xf32>,
        %parallel_loop3A_356 = arith.index_cast %parallel_loop3A_335 : i32 to index
        %parallel_loop3A_357 = arith.constant 16 : index
        %parallel_loop3A_358 = tpu.vector_load %arg21[%parallel_loop3A_356, %parallel_loop3A_357] {strides = array<i32>} : memref<128x128xf32, #tpu.memory_space<vmem>>, vector<16xf32>,
        %parallel_loop3A_359 = arith.mulf %parallel_loop3A_337, %parallel_loop3A_358 : vector<16xf32>
        %parallel_loop3A_360 = arith.index_cast %parallel_loop3A_335 : i32 to index
        %parallel_loop3A_361 = arith.constant 16 : index
        %parallel_loop3A_362 = tpu.vector_load %arg22[%parallel_loop3A_360, %parallel_loop3A_361] {strides = array<i32>} : memref<128x128xf32, #tpu.memory_space<vmem>>, vector<16xf32>,
        %parallel_loop3A_363 = arith.mulf %parallel_loop3A_339, %parallel_loop3A_362 : vector<16xf32>
        %parallel_loop3A_364 = arith.addf %parallel_loop3A_359, %parallel_loop3A_363 : vector<16xf32>
        %parallel_loop3A_365 = arith.index_cast %parallel_loop3A_343 : i32 to index
        %parallel_loop3A_366 = arith.constant 16 : index
        %parallel_loop3A_367 = tpu.vector_load %arg25[%parallel_loop3A_365, %parallel_loop3A_366] {strides = array<i32>} : memref<64x128xf32, #tpu.memory_space<vmem>>, vector<16xf32>,
        tpu.vector_store %arg25[%parallel_loop3A_365, %parallel_loop3A_366], %parallel_loop3A_364 {strides = array<i32>} : memref<64x128xf32, #tpu.memory_space<vmem>>, vector<16xf32>,
        %parallel_loop3A_368 = arith.index_cast %parallel_loop3A_335 : i32 to index
        %parallel_loop3A_369 = arith.constant 32 : index
        %parallel_loop3A_370 = tpu.vector_load %arg21[%parallel_loop3A_368, %parallel_loop3A_369] {strides = array<i32>} : memref<128x128xf32, #tpu.memory_space<vmem>>, vector<16xf32>,
        %parallel_loop3A_371 = arith.mulf %parallel_loop3A_337, %parallel_loop3A_370 : vector<16xf32>
        %parallel_loop3A_372 = arith.index_cast %parallel_loop3A_335 : i32 to index
        %parallel_loop3A_373 = arith.constant 32 : index
        %parallel_loop3A_374 = tpu.vector_load %arg22[%parallel_loop3A_372, %parallel_loop3A_373] {strides = array<i32>} : memref<128x128xf32, #tpu.memory_space<vmem>>, vector<16xf32>,
        %parallel_loop3A_375 = arith.mulf %parallel_loop3A_339, %parallel_loop3A_374 : vector<16xf32>
        %parallel_loop3A_376 = arith.addf %parallel_loop3A_371, %parallel_loop3A_375 : vector<16xf32>
        %parallel_loop3A_377 = arith.index_cast %parallel_loop3A_343 : i32 to index
        %parallel_loop3A_378 = arith.constant 32 : index
        %parallel_loop3A_379 = tpu.vector_load %arg25[%parallel_loop3A_377, %parallel_loop3A_378] {strides = array<i32>} : memref<64x128xf32, #tpu.memory_space<vmem>>, vector<16xf32>,
        tpu.vector_store %arg25[%parallel_loop3A_377, %parallel_loop3A_378], %parallel_loop3A_376 {strides = array<i32>} : memref<64x128xf32, #tpu.memory_space<vmem>>, vector<16xf32>,
        %parallel_loop3A_380 = arith.index_cast %parallel_loop3A_335 : i32 to index
        %parallel_loop3A_381 = arith.constant 48 : index
        %parallel_loop3A_382 = tpu.vector_load %arg21[%parallel_loop3A_380, %parallel_loop3A_381] {strides = array<i32>} : memref<128x128xf32, #tpu.memory_space<vmem>>, vector<16xf32>,
        %parallel_loop3A_383 = arith.mulf %parallel_loop3A_337, %parallel_loop3A_382 : vector<16xf32>
        %parallel_loop3A_384 = arith.index_cast %parallel_loop3A_335 : i32 to index
        %parallel_loop3A_385 = arith.constant 48 : index
        %parallel_loop3A_386 = tpu.vector_load %arg22[%parallel_loop3A_384, %parallel_loop3A_385] {strides = array<i32>} : memref<128x128xf32, #tpu.memory_space<vmem>>, vector<16xf32>,
        %parallel_loop3A_387 = arith.mulf %parallel_loop3A_339, %parallel_loop3A_386 : vector<16xf32>
        %parallel_loop3A_388 = arith.addf %parallel_loop3A_383, %parallel_loop3A_387 : vector<16xf32>
        %parallel_loop3A_389 = arith.index_cast %parallel_loop3A_343 : i32 to index
        %parallel_loop3A_390 = arith.constant 48 : index
        %parallel_loop3A_391 = tpu.vector_load %arg25[%parallel_loop3A_389, %parallel_loop3A_390] {strides = array<i32>} : memref<64x128xf32, #tpu.memory_space<vmem>>, vector<16xf32>,
        tpu.vector_store %arg25[%parallel_loop3A_389, %parallel_loop3A_390], %parallel_loop3A_388 {strides = array<i32>} : memref<64x128xf32, #tpu.memory_space<vmem>>, vector<16xf32>,
        %parallel_loop3A_392 = arith.constant 4 : i32
        %parallel_loop3A_393 = arith.muli %parallel_loop3A_392, %parallel_loop3A_211 : i32
        %parallel_loop3A_394 = arith.constant 3 : i32
        %parallel_loop3A_395 = arith.addi %parallel_loop3A_393, %parallel_loop3A_394 : i32
        %parallel_loop3A_396 = vector.broadcast %parallel_loop3A_395 : i32 to vector<16xi32>
        %parallel_loop3A_397 = tpu.vector_load_idx %arg15[%parallel_loop3A_396] : memref<128xf32, #tpu.memory_space<vmem>>[vector<16xi32>], vector<16xf32>,
        %parallel_loop3A_398 = vector.broadcast %parallel_loop3A_395 : i32 to vector<16xi32>
        %parallel_loop3A_399 = tpu.vector_load_idx %arg16[%parallel_loop3A_398] : memref<128xf32, #tpu.memory_space<vmem>>[vector<16xi32>], vector<16xf32>,
        %parallel_loop3A_400 = arith.constant 2 : i32
        %parallel_loop3A_401 = arith.muli %parallel_loop3A_400, %parallel_loop3A_211 : i32
        %parallel_loop3A_402 = arith.constant 1 : i32
        %parallel_loop3A_403 = arith.addi %parallel_loop3A_401, %parallel_loop3A_402 : i32
        %parallel_loop3A_404 = arith.index_cast %parallel_loop3A_395 : i32 to index
        %parallel_loop3A_405 = arith.constant 0 : index
        %parallel_loop3A_406 = tpu.vector_load %arg21[%parallel_loop3A_404, %parallel_loop3A_405] {strides = array<i32>} : memref<128x128xf32, #tpu.memory_space<vmem>>, vector<16xf32>,
        %parallel_loop3A_407 = arith.mulf %parallel_loop3A_397, %parallel_loop3A_406 : vector<16xf32>
        %parallel_loop3A_408 = arith.index_cast %parallel_loop3A_395 : i32 to index
        %parallel_loop3A_409 = arith.constant 0 : index
        %parallel_loop3A_410 = tpu.vector_load %arg22[%parallel_loop3A_408, %parallel_loop3A_409] {strides = array<i32>} : memref<128x128xf32, #tpu.memory_space<vmem>>, vector<16xf32>,
        %parallel_loop3A_411 = arith.mulf %parallel_loop3A_399, %parallel_loop3A_410 : vector<16xf32>
        %parallel_loop3A_412 = arith.addf %parallel_loop3A_407, %parallel_loop3A_411 : vector<16xf32>
        %parallel_loop3A_413 = arith.index_cast %parallel_loop3A_403 : i32 to index
        %parallel_loop3A_414 = arith.constant 64 : index
        %parallel_loop3A_415 = tpu.vector_load %arg25[%parallel_loop3A_413, %parallel_loop3A_414] {strides = array<i32>} : memref<64x128xf32, #tpu.memory_space<vmem>>, vector<16xf32>,
        tpu.vector_store %arg25[%parallel_loop3A_413, %parallel_loop3A_414], %parallel_loop3A_412 {strides = array<i32>} : memref<64x128xf32, #tpu.memory_space<vmem>>, vector<16xf32>,
        %parallel_loop3A_416 = arith.index_cast %parallel_loop3A_395 : i32 to index
        %parallel_loop3A_417 = arith.constant 16 : index
        %parallel_loop3A_418 = tpu.vector_load %arg21[%parallel_loop3A_416, %parallel_loop3A_417] {strides = array<i32>} : memref<128x128xf32, #tpu.memory_space<vmem>>, vector<16xf32>,
        %parallel_loop3A_419 = arith.mulf %parallel_loop3A_397, %parallel_loop3A_418 : vector<16xf32>
        %parallel_loop3A_420 = arith.index_cast %parallel_loop3A_395 : i32 to index
        %parallel_loop3A_421 = arith.constant 16 : index
        %parallel_loop3A_422 = tpu.vector_load %arg22[%parallel_loop3A_420, %parallel_loop3A_421] {strides = array<i32>} : memref<128x128xf32, #tpu.memory_space<vmem>>, vector<16xf32>,
        %parallel_loop3A_423 = arith.mulf %parallel_loop3A_399, %parallel_loop3A_422 : vector<16xf32>
        %parallel_loop3A_424 = arith.addf %parallel_loop3A_419, %parallel_loop3A_423 : vector<16xf32>
        %parallel_loop3A_425 = arith.index_cast %parallel_loop3A_403 : i32 to index
        %parallel_loop3A_426 = arith.constant 80 : index
        %parallel_loop3A_427 = tpu.vector_load %arg25[%parallel_loop3A_425, %parallel_loop3A_426] {strides = array<i32>} : memref<64x128xf32, #tpu.memory_space<vmem>>, vector<16xf32>,
        tpu.vector_store %arg25[%parallel_loop3A_425, %parallel_loop3A_426], %parallel_loop3A_424 {strides = array<i32>} : memref<64x128xf32, #tpu.memory_space<vmem>>, vector<16xf32>,
        %parallel_loop3A_428 = arith.index_cast %parallel_loop3A_395 : i32 to index
        %parallel_loop3A_429 = arith.constant 32 : index
        %parallel_loop3A_430 = tpu.vector_load %arg21[%parallel_loop3A_428, %parallel_loop3A_429] {strides = array<i32>} : memref<128x128xf32, #tpu.memory_space<vmem>>, vector<16xf32>,
        %parallel_loop3A_431 = arith.mulf %parallel_loop3A_397, %parallel_loop3A_430 : vector<16xf32>
        %parallel_loop3A_432 = arith.index_cast %parallel_loop3A_395 : i32 to index
        %parallel_loop3A_433 = arith.constant 32 : index
        %parallel_loop3A_434 = tpu.vector_load %arg22[%parallel_loop3A_432, %parallel_loop3A_433] {strides = array<i32>} : memref<128x128xf32, #tpu.memory_space<vmem>>, vector<16xf32>,
        %parallel_loop3A_435 = arith.mulf %parallel_loop3A_399, %parallel_loop3A_434 : vector<16xf32>
        %parallel_loop3A_436 = arith.addf %parallel_loop3A_431, %parallel_loop3A_435 : vector<16xf32>
        %parallel_loop3A_437 = arith.index_cast %parallel_loop3A_403 : i32 to index
        %parallel_loop3A_438 = arith.constant 96 : index
        %parallel_loop3A_439 = tpu.vector_load %arg25[%parallel_loop3A_437, %parallel_loop3A_438] {strides = array<i32>} : memref<64x128xf32, #tpu.memory_space<vmem>>, vector<16xf32>,
        tpu.vector_store %arg25[%parallel_loop3A_437, %parallel_loop3A_438], %parallel_loop3A_436 {strides = array<i32>} : memref<64x128xf32, #tpu.memory_space<vmem>>, vector<16xf32>,
        %parallel_loop3A_440 = arith.index_cast %parallel_loop3A_395 : i32 to index
        %parallel_loop3A_441 = arith.constant 48 : index
        %parallel_loop3A_442 = tpu.vector_load %arg21[%parallel_loop3A_440, %parallel_loop3A_441] {strides = array<i32>} : memref<128x128xf32, #tpu.memory_space<vmem>>, vector<16xf32>,
        %parallel_loop3A_443 = arith.mulf %parallel_loop3A_397, %parallel_loop3A_442 : vector<16xf32>
        %parallel_loop3A_444 = arith.index_cast %parallel_loop3A_395 : i32 to index
        %parallel_loop3A_445 = arith.constant 48 : index
        %parallel_loop3A_446 = tpu.vector_load %arg22[%parallel_loop3A_444, %parallel_loop3A_445] {strides = array<i32>} : memref<128x128xf32, #tpu.memory_space<vmem>>, vector<16xf32>,
        %parallel_loop3A_447 = arith.mulf %parallel_loop3A_399, %parallel_loop3A_446 : vector<16xf32>
        %parallel_loop3A_448 = arith.addf %parallel_loop3A_443, %parallel_loop3A_447 : vector<16xf32>
        %parallel_loop3A_449 = arith.index_cast %parallel_loop3A_403 : i32 to index
        %parallel_loop3A_450 = arith.constant 112 : index
        %parallel_loop3A_451 = tpu.vector_load %arg25[%parallel_loop3A_449, %parallel_loop3A_450] {strides = array<i32>} : memref<64x128xf32, #tpu.memory_space<vmem>>, vector<16xf32>,
        tpu.vector_store %arg25[%parallel_loop3A_449, %parallel_loop3A_450], %parallel_loop3A_448 {strides = array<i32>} : memref<64x128xf32, #tpu.memory_space<vmem>>, vector<16xf32>,
      } {sc.loop_unroll_factor = 4 : i64, sc.parallel_access}
      %parallel_loop3A_129 = arith.constant 0 : i32
      %parallel_loop3A_130 = arith.constant 8 : i32
      %parallel_loop3A_131 = arith.constant 1 : i32
      scf.for %parallel_loop3A_211 = %parallel_loop3A_129 to %parallel_loop3A_130 step %parallel_loop3A_131  : i32 {
        %parallel_loop3A_212 = arith.constant 16 : i32
        %parallel_loop3A_213 = arith.muli %parallel_loop3A_212, %parallel_loop3A_211 : i32
        %parallel_loop3A_214 = arith.index_cast %parallel_loop3A_213 : i32 to index
        %parallel_loop3A_215 = tpu.vector_load %arg15[%parallel_loop3A_214] {strides = array<i32>} : memref<128xf32, #tpu.memory_space<vmem>>, vector<16xf32>,
        %parallel_loop3A_216 = arith.index_cast %parallel_loop3A_213 : i32 to index
        %parallel_loop3A_217 = tpu.vector_load %arg27[%parallel_loop3A_216] {strides = array<i32>} : memref<128xf32, #tpu.memory_space<vmem>>, vector<16xf32>,
        tpu.vector_store %arg27[%parallel_loop3A_216], %parallel_loop3A_215 {strides = array<i32>} : memref<128xf32, #tpu.memory_space<vmem>>, vector<16xf32>,
        %parallel_loop3A_218 = arith.index_cast %parallel_loop3A_213 : i32 to index
        %parallel_loop3A_219 = tpu.vector_load %arg16[%parallel_loop3A_218] {strides = array<i32>} : memref<128xf32, #tpu.memory_space<vmem>>, vector<16xf32>,
        %parallel_loop3A_220 = arith.index_cast %parallel_loop3A_213 : i32 to index
        %parallel_loop3A_221 = tpu.vector_load %arg28[%parallel_loop3A_220] {strides = array<i32>} : memref<128xf32, #tpu.memory_space<vmem>>, vector<16xf32>,
        tpu.vector_store %arg28[%parallel_loop3A_220], %parallel_loop3A_219 {strides = array<i32>} : memref<128xf32, #tpu.memory_space<vmem>>, vector<16xf32>,
      } {sc.loop_unroll_factor = 2 : i64, sc.parallel_access}
      %ge3A = arith.constant 2 : i32
      %ge3A_132 = arith.cmpi sge, %mul3A_113, %ge3A : i32
      %convert_element_type3A_133 = arith.extui %ge3A_132 : i1 to i32
      %cond3A_134 = arith.constant 0 : i32
      %cond3A_135 = arith.cmpi ne, %convert_element_type3A_133, %cond3A_134 : i32
      scf.if %cond3A_135 {
        %mul3A_211 = arith.constant 13312 : i32
        %mul3A_212 = arith.muli %add3A, %mul3A_211 : i32
        %mul3A_213 = arith.constant 0 : i32
        %mul3A_214 = arith.constant 128 : i32
        %mul3A_215 = arith.muli %mul3A_213, %mul3A_214 : i32
        %add3A_216 = arith.addi %mul3A_212, %mul3A_215 : i32
        %mul3A_217 = arith.constant 6656 : i32
        %mul3A_218 = arith.muli %add3A, %mul3A_217 : i32
        %mul3A_219 = arith.constant 0 : i32
        %mul3A_220 = arith.constant 64 : i32
        %mul3A_221 = arith.muli %mul3A_219, %mul3A_220 : i32
        %add3A_222 = arith.addi %mul3A_218, %mul3A_221 : i32
        %dma_wait3A_223 = arith.constant 0 : i32
        %dma_wait3A_224 = tpu.memref_slice %arg8[%add3A_222, %dma_wait3A_223] : memref<212992x128xf32, #tpu.memory_space<hbm>> -> memref<64x128xf32, #tpu.memory_space<hbm>>
        %dma_wait3A_225 = arith.constant 0 : i32
        %dma_wait3A_226 = tpu.memref_slice %arg8[%add3A_222, %dma_wait3A_225] : memref<212992x128xf32, #tpu.memory_space<hbm>> -> memref<64x128xf32, #tpu.memory_space<hbm>>
        tpu.wait_dma2 semaphore(%arg35 : memref<!tpu.dma_semaphore, #tpu.memory_space<semaphore_mem>>) src(%arg25 : memref<64x128xf32, #tpu.memory_space<vmem>>) dst(%dma_wait3A_226 : memref<64x128xf32, #tpu.memory_space<hbm>>)
        %dma_wait3A_227 = tpu.memref_slice %arg9[%add3A_216] : memref<425984xf32, #tpu.memory_space<hbm>> -> memref<128xf32, #tpu.memory_space<hbm>>
        %dma_wait3A_228 = tpu.memref_slice %arg9[%add3A_216] : memref<425984xf32, #tpu.memory_space<hbm>> -> memref<128xf32, #tpu.memory_space<hbm>>
        tpu.wait_dma2 semaphore(%arg35 : memref<!tpu.dma_semaphore, #tpu.memory_space<semaphore_mem>>) src(%arg27 : memref<128xf32, #tpu.memory_space<vmem>>) dst(%dma_wait3A_228 : memref<128xf32, #tpu.memory_space<hbm>>)
        %dma_wait3A_229 = tpu.memref_slice %arg10[%add3A_216] : memref<425984xf32, #tpu.memory_space<hbm>> -> memref<128xf32, #tpu.memory_space<hbm>>
        %dma_wait3A_230 = tpu.memref_slice %arg10[%add3A_216] : memref<425984xf32, #tpu.memory_space<hbm>> -> memref<128xf32, #tpu.memory_space<hbm>>
        tpu.wait_dma2 semaphore(%arg35 : memref<!tpu.dma_semaphore, #tpu.memory_space<semaphore_mem>>) src(%arg28 : memref<128xf32, #tpu.memory_space<vmem>>) dst(%dma_wait3A_230 : memref<128xf32, #tpu.memory_space<hbm>>)
      } else {
      }
      %mul3A_136 = arith.constant 13312 : i32
      %mul3A_137 = arith.muli %add3A, %mul3A_136 : i32
      %mul3A_138 = arith.constant 128 : i32
      %mul3A_139 = arith.muli %mul3A_113, %mul3A_138 : i32
      %add3A_140 = arith.addi %mul3A_137, %mul3A_139 : i32
      %mul3A_141 = arith.constant 6656 : i32
      %mul3A_142 = arith.muli %add3A, %mul3A_141 : i32
      %mul3A_143 = arith.constant 64 : i32
      %mul3A_144 = arith.muli %mul3A_113, %mul3A_143 : i32
      %add3A_145 = arith.addi %mul3A_142, %mul3A_144 : i32
      %dma_start3A_146 = arith.constant 0 : i32
      %dma_start3A_147 = tpu.memref_slice %arg8[%add3A_145, %dma_start3A_146] : memref<212992x128xf32, #tpu.memory_space<hbm>> -> memref<64x128xf32, #tpu.memory_space<hbm>>
      %dma_start3A_148 = arith.constant 0 : i32
      %dma_start3A_149 = tpu.memref_slice %arg8[%add3A_145, %dma_start3A_148] : memref<212992x128xf32, #tpu.memory_space<hbm>> -> memref<64x128xf32, #tpu.memory_space<hbm>>
      tpu.enqueue_dma source(%arg25 : memref<64x128xf32, #tpu.memory_space<vmem>>) target(%dma_start3A_149 : memref<64x128xf32, #tpu.memory_space<hbm>>) target_semaphore(%arg35 : memref<!tpu.dma_semaphore, #tpu.memory_space<semaphore_mem>>)
      %dma_start3A_150 = tpu.memref_slice %arg9[%add3A_140] : memref<425984xf32, #tpu.memory_space<hbm>> -> memref<128xf32, #tpu.memory_space<hbm>>
      %dma_start3A_151 = tpu.memref_slice %arg9[%add3A_140] : memref<425984xf32, #tpu.memory_space<hbm>> -> memref<128xf32, #tpu.memory_space<hbm>>
      tpu.enqueue_dma source(%arg27 : memref<128xf32, #tpu.memory_space<vmem>>) target(%dma_start3A_151 : memref<128xf32, #tpu.memory_space<hbm>>) target_semaphore(%arg35 : memref<!tpu.dma_semaphore, #tpu.memory_space<semaphore_mem>>)
      %dma_start3A_152 = tpu.memref_slice %arg10[%add3A_140] : memref<425984xf32, #tpu.memory_space<hbm>> -> memref<128xf32, #tpu.memory_space<hbm>>
      %dma_start3A_153 = tpu.memref_slice %arg10[%add3A_140] : memref<425984xf32, #tpu.memory_space<hbm>> -> memref<128xf32, #tpu.memory_space<hbm>>
      tpu.enqueue_dma source(%arg28 : memref<128xf32, #tpu.memory_space<vmem>>) target(%dma_start3A_153 : memref<128xf32, #tpu.memory_space<hbm>>) target_semaphore(%arg35 : memref<!tpu.dma_semaphore, #tpu.memory_space<semaphore_mem>>)
      %lt3A_154 = arith.constant 102 : i32
      %lt3A_155 = arith.cmpi slt, %mul3A_113, %lt3A_154 : i32
      %convert_element_type3A_156 = arith.extui %lt3A_155 : i1 to i32
      %cond3A_157 = arith.constant 0 : i32
      %cond3A_158 = arith.cmpi ne, %convert_element_type3A_156, %cond3A_157 : i32
      scf.if %cond3A_158 {
        %mul3A_211 = arith.constant 13312 : i32
        %mul3A_212 = arith.muli %add3A, %mul3A_211 : i32
        %mul3A_213 = arith.constant 0 : i32
        %mul3A_214 = arith.constant 128 : i32
        %mul3A_215 = arith.muli %mul3A_213, %mul3A_214 : i32
        %add3A_216 = arith.addi %mul3A_212, %mul3A_215 : i32
        %dma_wait3A_217 = tpu.memref_slice %arg2[%add3A_216] : memref<425984xi32, #tpu.memory_space<hbm>> -> memref<128xi32, #tpu.memory_space<hbm>>
        %dma_wait3A_218 = tpu.memref_slice %arg2[%add3A_216] : memref<425984xi32, #tpu.memory_space<hbm>> -> memref<128xi32, #tpu.memory_space<hbm>>
        tpu.wait_dma2 semaphore(%arg31 : memref<!tpu.dma_semaphore, #tpu.memory_space<semaphore_mem>>) src(%dma_wait3A_218 : memref<128xi32, #tpu.memory_space<hbm>>) dst(%arg11 : memref<128xi32, #tpu.memory_space<vmem>>)
        %dma_start3A_219 = arith.constant 0 : i32
        %dma_start3A_220 = tpu.memref_slice %arg3[%dma_start3A_219] : memref<1000000xi32, #tpu.memory_space<hbm>> -> memref<1000000xi32, #tpu.memory_space<hbm>>
        tpu.enqueue_indirect_dma source(%dma_start3A_220 : memref<1000000xi32, #tpu.memory_space<hbm>>) target(%arg13 : memref<128xi32, #tpu.memory_space<vmem>>) offsets(%arg11 : memref<128xi32, #tpu.memory_space<vmem>>) semaphore(%arg32 : memref<!tpu.dma_semaphore, #tpu.memory_space<semaphore_mem>>)
        %dma_start3A_221 = arith.constant 0 : i32
        %dma_start3A_222 = tpu.memref_slice %arg4[%dma_start3A_221] : memref<1000000xi32, #tpu.memory_space<hbm>> -> memref<1000000xi32, #tpu.memory_space<hbm>>
        tpu.enqueue_indirect_dma source(%dma_start3A_222 : memref<1000000xi32, #tpu.memory_space<hbm>>) target(%arg14 : memref<128xi32, #tpu.memory_space<vmem>>) offsets(%arg11 : memref<128xi32, #tpu.memory_space<vmem>>) semaphore(%arg32 : memref<!tpu.dma_semaphore, #tpu.memory_space<semaphore_mem>>)
        %dma_start3A_223 = arith.constant 0 : i32
        %dma_start3A_224 = tpu.memref_slice %arg6[%dma_start3A_223] : memref<1000000xf32, #tpu.memory_space<hbm>> -> memref<1000000xf32, #tpu.memory_space<hbm>>
        tpu.enqueue_indirect_dma source(%dma_start3A_224 : memref<1000000xf32, #tpu.memory_space<hbm>>) target(%arg15 : memref<128xf32, #tpu.memory_space<vmem>>) offsets(%arg11 : memref<128xi32, #tpu.memory_space<vmem>>) semaphore(%arg32 : memref<!tpu.dma_semaphore, #tpu.memory_space<semaphore_mem>>)
        %dma_start3A_225 = arith.constant 0 : i32
        %dma_start3A_226 = tpu.memref_slice %arg7[%dma_start3A_225] : memref<1000000xf32, #tpu.memory_space<hbm>> -> memref<1000000xf32, #tpu.memory_space<hbm>>
        tpu.enqueue_indirect_dma source(%dma_start3A_226 : memref<1000000xf32, #tpu.memory_space<hbm>>) target(%arg16 : memref<128xf32, #tpu.memory_space<vmem>>) offsets(%arg11 : memref<128xi32, #tpu.memory_space<vmem>>) semaphore(%arg32 : memref<!tpu.dma_semaphore, #tpu.memory_space<semaphore_mem>>)
      } else {
      }
      %add3A_159 = arith.constant 1 : i32
      %add3A_160 = arith.addi %mul3A_113, %add3A_159 : i32
      %lt3A_161 = arith.constant 103 : i32
      %lt3A_162 = arith.cmpi slt, %add3A_160, %lt3A_161 : i32
      %convert_element_type3A_163 = arith.extui %lt3A_162 : i1 to i32
      %cond3A_164 = arith.constant 0 : i32
      %cond3A_165 = arith.cmpi ne, %convert_element_type3A_163, %cond3A_164 : i32
      scf.if %cond3A_165 {
        %dma_wait3A_211 = arith.constant 0 : i32
        %dma_wait3A_212 = tpu.memref_slice %arg3[%dma_wait3A_211] : memref<1000000xi32, #tpu.memory_space<hbm>> -> memref<1000000xi32, #tpu.memory_space<hbm>>
        tpu.wait_indirect_dma semaphore(%arg32 : memref<!tpu.dma_semaphore, #tpu.memory_space<semaphore_mem>>) src(%dma_wait3A_212 : memref<1000000xi32, #tpu.memory_space<hbm>>) dst(%arg13 : memref<128xi32, #tpu.memory_space<vmem>>)
        %dma_wait3A_213 = arith.constant 0 : i32
        %dma_wait3A_214 = tpu.memref_slice %arg4[%dma_wait3A_213] : memref<1000000xi32, #tpu.memory_space<hbm>> -> memref<1000000xi32, #tpu.memory_space<hbm>>
        tpu.wait_indirect_dma semaphore(%arg32 : memref<!tpu.dma_semaphore, #tpu.memory_space<semaphore_mem>>) src(%dma_wait3A_214 : memref<1000000xi32, #tpu.memory_space<hbm>>) dst(%arg14 : memref<128xi32, #tpu.memory_space<vmem>>)
        %dma_wait3A_215 = arith.constant 0 : i32
        %dma_wait3A_216 = tpu.memref_slice %arg6[%dma_wait3A_215] : memref<1000000xf32, #tpu.memory_space<hbm>> -> memref<1000000xf32, #tpu.memory_space<hbm>>
        tpu.wait_indirect_dma semaphore(%arg32 : memref<!tpu.dma_semaphore, #tpu.memory_space<semaphore_mem>>) src(%dma_wait3A_216 : memref<1000000xf32, #tpu.memory_space<hbm>>) dst(%arg15 : memref<128xf32, #tpu.memory_space<vmem>>)
        %dma_wait3A_217 = arith.constant 0 : i32
        %dma_wait3A_218 = tpu.memref_slice %arg7[%dma_wait3A_217] : memref<1000000xf32, #tpu.memory_space<hbm>> -> memref<1000000xf32, #tpu.memory_space<hbm>>
        tpu.wait_indirect_dma semaphore(%arg32 : memref<!tpu.dma_semaphore, #tpu.memory_space<semaphore_mem>>) src(%dma_wait3A_218 : memref<1000000xf32, #tpu.memory_space<hbm>>) dst(%arg16 : memref<128xf32, #tpu.memory_space<vmem>>)
        %dma_start3A_219 = arith.constant 0 : i32
        %dma_start3A_220 = arith.constant 0 : i32
        %dma_start3A_221 = tpu.memref_slice %arg5[%dma_start3A_219, %dma_start3A_220] : memref<100000x128xf32, #tpu.memory_space<hbm>> -> memref<100000x128xf32, #tpu.memory_space<hbm>>
        tpu.enqueue_indirect_dma source(%dma_start3A_221 : memref<100000x128xf32, #tpu.memory_space<hbm>>) target(%arg21 : memref<128x128xf32, #tpu.memory_space<vmem>>) offsets(%arg13 : memref<128xi32, #tpu.memory_space<vmem>>) semaphore(%arg33 : memref<!tpu.dma_semaphore, #tpu.memory_space<semaphore_mem>>)
        %dma_start3A_222 = arith.constant 0 : i32
        %dma_start3A_223 = arith.constant 0 : i32
        %dma_start3A_224 = tpu.memref_slice %arg5[%dma_start3A_222, %dma_start3A_223] : memref<100000x128xf32, #tpu.memory_space<hbm>> -> memref<100000x128xf32, #tpu.memory_space<hbm>>
        tpu.enqueue_indirect_dma source(%dma_start3A_224 : memref<100000x128xf32, #tpu.memory_space<hbm>>) target(%arg22 : memref<128x128xf32, #tpu.memory_space<vmem>>) offsets(%arg14 : memref<128xi32, #tpu.memory_space<vmem>>) semaphore(%arg33 : memref<!tpu.dma_semaphore, #tpu.memory_space<semaphore_mem>>)
      } else {
      }
      %lt3A_166 = arith.constant 102 : i32
      %lt3A_167 = arith.cmpi slt, %add3A_160, %lt3A_166 : i32
      %convert_element_type3A_168 = arith.extui %lt3A_167 : i1 to i32
      %cond3A_169 = arith.constant 0 : i32
      %cond3A_170 = arith.cmpi ne, %convert_element_type3A_168, %cond3A_169 : i32
      scf.if %cond3A_170 {
        %add3A_211 = arith.constant 2 : i32
        %add3A_212 = arith.addi %add3A_160, %add3A_211 : i32
        %mul3A_213 = arith.constant 13312 : i32
        %mul3A_214 = arith.muli %add3A, %mul3A_213 : i32
        %mul3A_215 = arith.constant 128 : i32
        %mul3A_216 = arith.muli %add3A_212, %mul3A_215 : i32
        %add3A_217 = arith.addi %mul3A_214, %mul3A_216 : i32
        %dma_start3A_218 = tpu.memref_slice %arg2[%add3A_217] : memref<425984xi32, #tpu.memory_space<hbm>> -> memref<128xi32, #tpu.memory_space<hbm>>
        %dma_start3A_219 = tpu.memref_slice %arg2[%add3A_217] : memref<425984xi32, #tpu.memory_space<hbm>> -> memref<128xi32, #tpu.memory_space<hbm>>
        tpu.enqueue_dma source(%dma_start3A_219 : memref<128xi32, #tpu.memory_space<hbm>>) target(%arg12 : memref<128xi32, #tpu.memory_space<vmem>>) target_semaphore(%arg31 : memref<!tpu.dma_semaphore, #tpu.memory_space<semaphore_mem>>)
      } else {
      }
      %dma_wait3A_171 = arith.constant 0 : i32
      %dma_wait3A_172 = arith.constant 0 : i32
      %dma_wait3A_173 = tpu.memref_slice %arg5[%dma_wait3A_171, %dma_wait3A_172] : memref<100000x128xf32, #tpu.memory_space<hbm>> -> memref<100000x128xf32, #tpu.memory_space<hbm>>
      tpu.wait_indirect_dma semaphore(%arg34 : memref<!tpu.dma_semaphore, #tpu.memory_space<semaphore_mem>>) src(%dma_wait3A_173 : memref<100000x128xf32, #tpu.memory_space<hbm>>) dst(%arg23 : memref<128x128xf32, #tpu.memory_space<vmem>>)
      %dma_wait3A_174 = arith.constant 0 : i32
      %dma_wait3A_175 = arith.constant 0 : i32
      %dma_wait3A_176 = tpu.memref_slice %arg5[%dma_wait3A_174, %dma_wait3A_175] : memref<100000x128xf32, #tpu.memory_space<hbm>> -> memref<100000x128xf32, #tpu.memory_space<hbm>>
      tpu.wait_indirect_dma semaphore(%arg34 : memref<!tpu.dma_semaphore, #tpu.memory_space<semaphore_mem>>) src(%dma_wait3A_176 : memref<100000x128xf32, #tpu.memory_space<hbm>>) dst(%arg24 : memref<128x128xf32, #tpu.memory_space<vmem>>)
      %parallel_loop3A_177 = arith.constant 0 : i32
      %parallel_loop3A_178 = arith.constant 32 : i32
      %parallel_loop3A_179 = arith.constant 1 : i32
      scf.for %parallel_loop3A_211 = %parallel_loop3A_177 to %parallel_loop3A_178 step %parallel_loop3A_179  : i32 {
        %parallel_loop3A_212 = arith.constant 4 : i32
        %parallel_loop3A_213 = arith.muli %parallel_loop3A_212, %parallel_loop3A_211 : i32
        %parallel_loop3A_214 = arith.constant 0 : i32
        %parallel_loop3A_215 = arith.addi %parallel_loop3A_213, %parallel_loop3A_214 : i32
        %parallel_loop3A_216 = vector.broadcast %parallel_loop3A_215 : i32 to vector<16xi32>
        %parallel_loop3A_217 = tpu.vector_load_idx %arg19[%parallel_loop3A_216] : memref<128xf32, #tpu.memory_space<vmem>>[vector<16xi32>], vector<16xf32>,
        %parallel_loop3A_218 = vector.broadcast %parallel_loop3A_215 : i32 to vector<16xi32>
        %parallel_loop3A_219 = tpu.vector_load_idx %arg20[%parallel_loop3A_218] : memref<128xf32, #tpu.memory_space<vmem>>[vector<16xi32>], vector<16xf32>,
        %parallel_loop3A_220 = arith.constant 2 : i32
        %parallel_loop3A_221 = arith.muli %parallel_loop3A_220, %parallel_loop3A_211 : i32
        %parallel_loop3A_222 = arith.constant 0 : i32
        %parallel_loop3A_223 = arith.addi %parallel_loop3A_221, %parallel_loop3A_222 : i32
        %parallel_loop3A_224 = arith.index_cast %parallel_loop3A_215 : i32 to index
        %parallel_loop3A_225 = arith.constant 0 : index
        %parallel_loop3A_226 = tpu.vector_load %arg23[%parallel_loop3A_224, %parallel_loop3A_225] {strides = array<i32>} : memref<128x128xf32, #tpu.memory_space<vmem>>, vector<16xf32>,
        %parallel_loop3A_227 = arith.mulf %parallel_loop3A_217, %parallel_loop3A_226 : vector<16xf32>
        %parallel_loop3A_228 = arith.index_cast %parallel_loop3A_215 : i32 to index
        %parallel_loop3A_229 = arith.constant 0 : index
        %parallel_loop3A_230 = tpu.vector_load %arg24[%parallel_loop3A_228, %parallel_loop3A_229] {strides = array<i32>} : memref<128x128xf32, #tpu.memory_space<vmem>>, vector<16xf32>,
        %parallel_loop3A_231 = arith.mulf %parallel_loop3A_219, %parallel_loop3A_230 : vector<16xf32>
        %parallel_loop3A_232 = arith.addf %parallel_loop3A_227, %parallel_loop3A_231 : vector<16xf32>
        %parallel_loop3A_233 = arith.index_cast %parallel_loop3A_223 : i32 to index
        %parallel_loop3A_234 = arith.constant 0 : index
        %parallel_loop3A_235 = tpu.vector_load %arg26[%parallel_loop3A_233, %parallel_loop3A_234] {strides = array<i32>} : memref<64x128xf32, #tpu.memory_space<vmem>>, vector<16xf32>,
        tpu.vector_store %arg26[%parallel_loop3A_233, %parallel_loop3A_234], %parallel_loop3A_232 {strides = array<i32>} : memref<64x128xf32, #tpu.memory_space<vmem>>, vector<16xf32>,
        %parallel_loop3A_236 = arith.index_cast %parallel_loop3A_215 : i32 to index
        %parallel_loop3A_237 = arith.constant 16 : index
        %parallel_loop3A_238 = tpu.vector_load %arg23[%parallel_loop3A_236, %parallel_loop3A_237] {strides = array<i32>} : memref<128x128xf32, #tpu.memory_space<vmem>>, vector<16xf32>,
        %parallel_loop3A_239 = arith.mulf %parallel_loop3A_217, %parallel_loop3A_238 : vector<16xf32>
        %parallel_loop3A_240 = arith.index_cast %parallel_loop3A_215 : i32 to index
        %parallel_loop3A_241 = arith.constant 16 : index
        %parallel_loop3A_242 = tpu.vector_load %arg24[%parallel_loop3A_240, %parallel_loop3A_241] {strides = array<i32>} : memref<128x128xf32, #tpu.memory_space<vmem>>, vector<16xf32>,
        %parallel_loop3A_243 = arith.mulf %parallel_loop3A_219, %parallel_loop3A_242 : vector<16xf32>
        %parallel_loop3A_244 = arith.addf %parallel_loop3A_239, %parallel_loop3A_243 : vector<16xf32>
        %parallel_loop3A_245 = arith.index_cast %parallel_loop3A_223 : i32 to index
        %parallel_loop3A_246 = arith.constant 16 : index
        %parallel_loop3A_247 = tpu.vector_load %arg26[%parallel_loop3A_245, %parallel_loop3A_246] {strides = array<i32>} : memref<64x128xf32, #tpu.memory_space<vmem>>, vector<16xf32>,
        tpu.vector_store %arg26[%parallel_loop3A_245, %parallel_loop3A_246], %parallel_loop3A_244 {strides = array<i32>} : memref<64x128xf32, #tpu.memory_space<vmem>>, vector<16xf32>,
        %parallel_loop3A_248 = arith.index_cast %parallel_loop3A_215 : i32 to index
        %parallel_loop3A_249 = arith.constant 32 : index
        %parallel_loop3A_250 = tpu.vector_load %arg23[%parallel_loop3A_248, %parallel_loop3A_249] {strides = array<i32>} : memref<128x128xf32, #tpu.memory_space<vmem>>, vector<16xf32>,
        %parallel_loop3A_251 = arith.mulf %parallel_loop3A_217, %parallel_loop3A_250 : vector<16xf32>
        %parallel_loop3A_252 = arith.index_cast %parallel_loop3A_215 : i32 to index
        %parallel_loop3A_253 = arith.constant 32 : index
        %parallel_loop3A_254 = tpu.vector_load %arg24[%parallel_loop3A_252, %parallel_loop3A_253] {strides = array<i32>} : memref<128x128xf32, #tpu.memory_space<vmem>>, vector<16xf32>,
        %parallel_loop3A_255 = arith.mulf %parallel_loop3A_219, %parallel_loop3A_254 : vector<16xf32>
        %parallel_loop3A_256 = arith.addf %parallel_loop3A_251, %parallel_loop3A_255 : vector<16xf32>
        %parallel_loop3A_257 = arith.index_cast %parallel_loop3A_223 : i32 to index
        %parallel_loop3A_258 = arith.constant 32 : index
        %parallel_loop3A_259 = tpu.vector_load %arg26[%parallel_loop3A_257, %parallel_loop3A_258] {strides = array<i32>} : memref<64x128xf32, #tpu.memory_space<vmem>>, vector<16xf32>,
        tpu.vector_store %arg26[%parallel_loop3A_257, %parallel_loop3A_258], %parallel_loop3A_256 {strides = array<i32>} : memref<64x128xf32, #tpu.memory_space<vmem>>, vector<16xf32>,
        %parallel_loop3A_260 = arith.index_cast %parallel_loop3A_215 : i32 to index
        %parallel_loop3A_261 = arith.constant 48 : index
        %parallel_loop3A_262 = tpu.vector_load %arg23[%parallel_loop3A_260, %parallel_loop3A_261] {strides = array<i32>} : memref<128x128xf32, #tpu.memory_space<vmem>>, vector<16xf32>,
        %parallel_loop3A_263 = arith.mulf %parallel_loop3A_217, %parallel_loop3A_262 : vector<16xf32>
        %parallel_loop3A_264 = arith.index_cast %parallel_loop3A_215 : i32 to index
        %parallel_loop3A_265 = arith.constant 48 : index
        %parallel_loop3A_266 = tpu.vector_load %arg24[%parallel_loop3A_264, %parallel_loop3A_265] {strides = array<i32>} : memref<128x128xf32, #tpu.memory_space<vmem>>, vector<16xf32>,
        %parallel_loop3A_267 = arith.mulf %parallel_loop3A_219, %parallel_loop3A_266 : vector<16xf32>
        %parallel_loop3A_268 = arith.addf %parallel_loop3A_263, %parallel_loop3A_267 : vector<16xf32>
        %parallel_loop3A_269 = arith.index_cast %parallel_loop3A_223 : i32 to index
        %parallel_loop3A_270 = arith.constant 48 : index
        %parallel_loop3A_271 = tpu.vector_load %arg26[%parallel_loop3A_269, %parallel_loop3A_270] {strides = array<i32>} : memref<64x128xf32, #tpu.memory_space<vmem>>, vector<16xf32>,
        tpu.vector_store %arg26[%parallel_loop3A_269, %parallel_loop3A_270], %parallel_loop3A_268 {strides = array<i32>} : memref<64x128xf32, #tpu.memory_space<vmem>>, vector<16xf32>,
        %parallel_loop3A_272 = arith.constant 4 : i32
        %parallel_loop3A_273 = arith.muli %parallel_loop3A_272, %parallel_loop3A_211 : i32
        %parallel_loop3A_274 = arith.constant 1 : i32
        %parallel_loop3A_275 = arith.addi %parallel_loop3A_273, %parallel_loop3A_274 : i32
        %parallel_loop3A_276 = vector.broadcast %parallel_loop3A_275 : i32 to vector<16xi32>
        %parallel_loop3A_277 = tpu.vector_load_idx %arg19[%parallel_loop3A_276] : memref<128xf32, #tpu.memory_space<vmem>>[vector<16xi32>], vector<16xf32>,
        %parallel_loop3A_278 = vector.broadcast %parallel_loop3A_275 : i32 to vector<16xi32>
        %parallel_loop3A_279 = tpu.vector_load_idx %arg20[%parallel_loop3A_278] : memref<128xf32, #tpu.memory_space<vmem>>[vector<16xi32>], vector<16xf32>,
        %parallel_loop3A_280 = arith.constant 2 : i32
        %parallel_loop3A_281 = arith.muli %parallel_loop3A_280, %parallel_loop3A_211 : i32
        %parallel_loop3A_282 = arith.constant 0 : i32
        %parallel_loop3A_283 = arith.addi %parallel_loop3A_281, %parallel_loop3A_282 : i32
        %parallel_loop3A_284 = arith.index_cast %parallel_loop3A_275 : i32 to index
        %parallel_loop3A_285 = arith.constant 0 : index
        %parallel_loop3A_286 = tpu.vector_load %arg23[%parallel_loop3A_284, %parallel_loop3A_285] {strides = array<i32>} : memref<128x128xf32, #tpu.memory_space<vmem>>, vector<16xf32>,
        %parallel_loop3A_287 = arith.mulf %parallel_loop3A_277, %parallel_loop3A_286 : vector<16xf32>
        %parallel_loop3A_288 = arith.index_cast %parallel_loop3A_275 : i32 to index
        %parallel_loop3A_289 = arith.constant 0 : index
        %parallel_loop3A_290 = tpu.vector_load %arg24[%parallel_loop3A_288, %parallel_loop3A_289] {strides = array<i32>} : memref<128x128xf32, #tpu.memory_space<vmem>>, vector<16xf32>,
        %parallel_loop3A_291 = arith.mulf %parallel_loop3A_279, %parallel_loop3A_290 : vector<16xf32>
        %parallel_loop3A_292 = arith.addf %parallel_loop3A_287, %parallel_loop3A_291 : vector<16xf32>
        %parallel_loop3A_293 = arith.index_cast %parallel_loop3A_283 : i32 to index
        %parallel_loop3A_294 = arith.constant 64 : index
        %parallel_loop3A_295 = tpu.vector_load %arg26[%parallel_loop3A_293, %parallel_loop3A_294] {strides = array<i32>} : memref<64x128xf32, #tpu.memory_space<vmem>>, vector<16xf32>,
        tpu.vector_store %arg26[%parallel_loop3A_293, %parallel_loop3A_294], %parallel_loop3A_292 {strides = array<i32>} : memref<64x128xf32, #tpu.memory_space<vmem>>, vector<16xf32>,
        %parallel_loop3A_296 = arith.index_cast %parallel_loop3A_275 : i32 to index
        %parallel_loop3A_297 = arith.constant 16 : index
        %parallel_loop3A_298 = tpu.vector_load %arg23[%parallel_loop3A_296, %parallel_loop3A_297] {strides = array<i32>} : memref<128x128xf32, #tpu.memory_space<vmem>>, vector<16xf32>,
        %parallel_loop3A_299 = arith.mulf %parallel_loop3A_277, %parallel_loop3A_298 : vector<16xf32>
        %parallel_loop3A_300 = arith.index_cast %parallel_loop3A_275 : i32 to index
        %parallel_loop3A_301 = arith.constant 16 : index
        %parallel_loop3A_302 = tpu.vector_load %arg24[%parallel_loop3A_300, %parallel_loop3A_301] {strides = array<i32>} : memref<128x128xf32, #tpu.memory_space<vmem>>, vector<16xf32>,
        %parallel_loop3A_303 = arith.mulf %parallel_loop3A_279, %parallel_loop3A_302 : vector<16xf32>
        %parallel_loop3A_304 = arith.addf %parallel_loop3A_299, %parallel_loop3A_303 : vector<16xf32>
        %parallel_loop3A_305 = arith.index_cast %parallel_loop3A_283 : i32 to index
        %parallel_loop3A_306 = arith.constant 80 : index
        %parallel_loop3A_307 = tpu.vector_load %arg26[%parallel_loop3A_305, %parallel_loop3A_306] {strides = array<i32>} : memref<64x128xf32, #tpu.memory_space<vmem>>, vector<16xf32>,
        tpu.vector_store %arg26[%parallel_loop3A_305, %parallel_loop3A_306], %parallel_loop3A_304 {strides = array<i32>} : memref<64x128xf32, #tpu.memory_space<vmem>>, vector<16xf32>,
        %parallel_loop3A_308 = arith.index_cast %parallel_loop3A_275 : i32 to index
        %parallel_loop3A_309 = arith.constant 32 : index
        %parallel_loop3A_310 = tpu.vector_load %arg23[%parallel_loop3A_308, %parallel_loop3A_309] {strides = array<i32>} : memref<128x128xf32, #tpu.memory_space<vmem>>, vector<16xf32>,
        %parallel_loop3A_311 = arith.mulf %parallel_loop3A_277, %parallel_loop3A_310 : vector<16xf32>
        %parallel_loop3A_312 = arith.index_cast %parallel_loop3A_275 : i32 to index
        %parallel_loop3A_313 = arith.constant 32 : index
        %parallel_loop3A_314 = tpu.vector_load %arg24[%parallel_loop3A_312, %parallel_loop3A_313] {strides = array<i32>} : memref<128x128xf32, #tpu.memory_space<vmem>>, vector<16xf32>,
        %parallel_loop3A_315 = arith.mulf %parallel_loop3A_279, %parallel_loop3A_314 : vector<16xf32>
        %parallel_loop3A_316 = arith.addf %parallel_loop3A_311, %parallel_loop3A_315 : vector<16xf32>
        %parallel_loop3A_317 = arith.index_cast %parallel_loop3A_283 : i32 to index
        %parallel_loop3A_318 = arith.constant 96 : index
        %parallel_loop3A_319 = tpu.vector_load %arg26[%parallel_loop3A_317, %parallel_loop3A_318] {strides = array<i32>} : memref<64x128xf32, #tpu.memory_space<vmem>>, vector<16xf32>,
        tpu.vector_store %arg26[%parallel_loop3A_317, %parallel_loop3A_318], %parallel_loop3A_316 {strides = array<i32>} : memref<64x128xf32, #tpu.memory_space<vmem>>, vector<16xf32>,
        %parallel_loop3A_320 = arith.index_cast %parallel_loop3A_275 : i32 to index
        %parallel_loop3A_321 = arith.constant 48 : index
        %parallel_loop3A_322 = tpu.vector_load %arg23[%parallel_loop3A_320, %parallel_loop3A_321] {strides = array<i32>} : memref<128x128xf32, #tpu.memory_space<vmem>>, vector<16xf32>,
        %parallel_loop3A_323 = arith.mulf %parallel_loop3A_277, %parallel_loop3A_322 : vector<16xf32>
        %parallel_loop3A_324 = arith.index_cast %parallel_loop3A_275 : i32 to index
        %parallel_loop3A_325 = arith.constant 48 : index
        %parallel_loop3A_326 = tpu.vector_load %arg24[%parallel_loop3A_324, %parallel_loop3A_325] {strides = array<i32>} : memref<128x128xf32, #tpu.memory_space<vmem>>, vector<16xf32>,
        %parallel_loop3A_327 = arith.mulf %parallel_loop3A_279, %parallel_loop3A_326 : vector<16xf32>
        %parallel_loop3A_328 = arith.addf %parallel_loop3A_323, %parallel_loop3A_327 : vector<16xf32>
        %parallel_loop3A_329 = arith.index_cast %parallel_loop3A_283 : i32 to index
        %parallel_loop3A_330 = arith.constant 112 : index
        %parallel_loop3A_331 = tpu.vector_load %arg26[%parallel_loop3A_329, %parallel_loop3A_330] {strides = array<i32>} : memref<64x128xf32, #tpu.memory_space<vmem>>, vector<16xf32>,
        tpu.vector_store %arg26[%parallel_loop3A_329, %parallel_loop3A_330], %parallel_loop3A_328 {strides = array<i32>} : memref<64x128xf32, #tpu.memory_space<vmem>>, vector<16xf32>,
        %parallel_loop3A_332 = arith.constant 4 : i32
        %parallel_loop3A_333 = arith.muli %parallel_loop3A_332, %parallel_loop3A_211 : i32
        %parallel_loop3A_334 = arith.constant 2 : i32
        %parallel_loop3A_335 = arith.addi %parallel_loop3A_333, %parallel_loop3A_334 : i32
        %parallel_loop3A_336 = vector.broadcast %parallel_loop3A_335 : i32 to vector<16xi32>
        %parallel_loop3A_337 = tpu.vector_load_idx %arg19[%parallel_loop3A_336] : memref<128xf32, #tpu.memory_space<vmem>>[vector<16xi32>], vector<16xf32>,
        %parallel_loop3A_338 = vector.broadcast %parallel_loop3A_335 : i32 to vector<16xi32>
        %parallel_loop3A_339 = tpu.vector_load_idx %arg20[%parallel_loop3A_338] : memref<128xf32, #tpu.memory_space<vmem>>[vector<16xi32>], vector<16xf32>,
        %parallel_loop3A_340 = arith.constant 2 : i32
        %parallel_loop3A_341 = arith.muli %parallel_loop3A_340, %parallel_loop3A_211 : i32
        %parallel_loop3A_342 = arith.constant 1 : i32
        %parallel_loop3A_343 = arith.addi %parallel_loop3A_341, %parallel_loop3A_342 : i32
        %parallel_loop3A_344 = arith.index_cast %parallel_loop3A_335 : i32 to index
        %parallel_loop3A_345 = arith.constant 0 : index
        %parallel_loop3A_346 = tpu.vector_load %arg23[%parallel_loop3A_344, %parallel_loop3A_345] {strides = array<i32>} : memref<128x128xf32, #tpu.memory_space<vmem>>, vector<16xf32>,
        %parallel_loop3A_347 = arith.mulf %parallel_loop3A_337, %parallel_loop3A_346 : vector<16xf32>
        %parallel_loop3A_348 = arith.index_cast %parallel_loop3A_335 : i32 to index
        %parallel_loop3A_349 = arith.constant 0 : index
        %parallel_loop3A_350 = tpu.vector_load %arg24[%parallel_loop3A_348, %parallel_loop3A_349] {strides = array<i32>} : memref<128x128xf32, #tpu.memory_space<vmem>>, vector<16xf32>,
        %parallel_loop3A_351 = arith.mulf %parallel_loop3A_339, %parallel_loop3A_350 : vector<16xf32>
        %parallel_loop3A_352 = arith.addf %parallel_loop3A_347, %parallel_loop3A_351 : vector<16xf32>
        %parallel_loop3A_353 = arith.index_cast %parallel_loop3A_343 : i32 to index
        %parallel_loop3A_354 = arith.constant 0 : index
        %parallel_loop3A_355 = tpu.vector_load %arg26[%parallel_loop3A_353, %parallel_loop3A_354] {strides = array<i32>} : memref<64x128xf32, #tpu.memory_space<vmem>>, vector<16xf32>,
        tpu.vector_store %arg26[%parallel_loop3A_353, %parallel_loop3A_354], %parallel_loop3A_352 {strides = array<i32>} : memref<64x128xf32, #tpu.memory_space<vmem>>, vector<16xf32>,
        %parallel_loop3A_356 = arith.index_cast %parallel_loop3A_335 : i32 to index
        %parallel_loop3A_357 = arith.constant 16 : index
        %parallel_loop3A_358 = tpu.vector_load %arg23[%parallel_loop3A_356, %parallel_loop3A_357] {strides = array<i32>} : memref<128x128xf32, #tpu.memory_space<vmem>>, vector<16xf32>,
        %parallel_loop3A_359 = arith.mulf %parallel_loop3A_337, %parallel_loop3A_358 : vector<16xf32>
        %parallel_loop3A_360 = arith.index_cast %parallel_loop3A_335 : i32 to index
        %parallel_loop3A_361 = arith.constant 16 : index
        %parallel_loop3A_362 = tpu.vector_load %arg24[%parallel_loop3A_360, %parallel_loop3A_361] {strides = array<i32>} : memref<128x128xf32, #tpu.memory_space<vmem>>, vector<16xf32>,
        %parallel_loop3A_363 = arith.mulf %parallel_loop3A_339, %parallel_loop3A_362 : vector<16xf32>
        %parallel_loop3A_364 = arith.addf %parallel_loop3A_359, %parallel_loop3A_363 : vector<16xf32>
        %parallel_loop3A_365 = arith.index_cast %parallel_loop3A_343 : i32 to index
        %parallel_loop3A_366 = arith.constant 16 : index
        %parallel_loop3A_367 = tpu.vector_load %arg26[%parallel_loop3A_365, %parallel_loop3A_366] {strides = array<i32>} : memref<64x128xf32, #tpu.memory_space<vmem>>, vector<16xf32>,
        tpu.vector_store %arg26[%parallel_loop3A_365, %parallel_loop3A_366], %parallel_loop3A_364 {strides = array<i32>} : memref<64x128xf32, #tpu.memory_space<vmem>>, vector<16xf32>,
        %parallel_loop3A_368 = arith.index_cast %parallel_loop3A_335 : i32 to index
        %parallel_loop3A_369 = arith.constant 32 : index
        %parallel_loop3A_370 = tpu.vector_load %arg23[%parallel_loop3A_368, %parallel_loop3A_369] {strides = array<i32>} : memref<128x128xf32, #tpu.memory_space<vmem>>, vector<16xf32>,
        %parallel_loop3A_371 = arith.mulf %parallel_loop3A_337, %parallel_loop3A_370 : vector<16xf32>
        %parallel_loop3A_372 = arith.index_cast %parallel_loop3A_335 : i32 to index
        %parallel_loop3A_373 = arith.constant 32 : index
        %parallel_loop3A_374 = tpu.vector_load %arg24[%parallel_loop3A_372, %parallel_loop3A_373] {strides = array<i32>} : memref<128x128xf32, #tpu.memory_space<vmem>>, vector<16xf32>,
        %parallel_loop3A_375 = arith.mulf %parallel_loop3A_339, %parallel_loop3A_374 : vector<16xf32>
        %parallel_loop3A_376 = arith.addf %parallel_loop3A_371, %parallel_loop3A_375 : vector<16xf32>
        %parallel_loop3A_377 = arith.index_cast %parallel_loop3A_343 : i32 to index
        %parallel_loop3A_378 = arith.constant 32 : index
        %parallel_loop3A_379 = tpu.vector_load %arg26[%parallel_loop3A_377, %parallel_loop3A_378] {strides = array<i32>} : memref<64x128xf32, #tpu.memory_space<vmem>>, vector<16xf32>,
        tpu.vector_store %arg26[%parallel_loop3A_377, %parallel_loop3A_378], %parallel_loop3A_376 {strides = array<i32>} : memref<64x128xf32, #tpu.memory_space<vmem>>, vector<16xf32>,
        %parallel_loop3A_380 = arith.index_cast %parallel_loop3A_335 : i32 to index
        %parallel_loop3A_381 = arith.constant 48 : index
        %parallel_loop3A_382 = tpu.vector_load %arg23[%parallel_loop3A_380, %parallel_loop3A_381] {strides = array<i32>} : memref<128x128xf32, #tpu.memory_space<vmem>>, vector<16xf32>,
        %parallel_loop3A_383 = arith.mulf %parallel_loop3A_337, %parallel_loop3A_382 : vector<16xf32>
        %parallel_loop3A_384 = arith.index_cast %parallel_loop3A_335 : i32 to index
        %parallel_loop3A_385 = arith.constant 48 : index
        %parallel_loop3A_386 = tpu.vector_load %arg24[%parallel_loop3A_384, %parallel_loop3A_385] {strides = array<i32>} : memref<128x128xf32, #tpu.memory_space<vmem>>, vector<16xf32>,
        %parallel_loop3A_387 = arith.mulf %parallel_loop3A_339, %parallel_loop3A_386 : vector<16xf32>
        %parallel_loop3A_388 = arith.addf %parallel_loop3A_383, %parallel_loop3A_387 : vector<16xf32>
        %parallel_loop3A_389 = arith.index_cast %parallel_loop3A_343 : i32 to index
        %parallel_loop3A_390 = arith.constant 48 : index
        %parallel_loop3A_391 = tpu.vector_load %arg26[%parallel_loop3A_389, %parallel_loop3A_390] {strides = array<i32>} : memref<64x128xf32, #tpu.memory_space<vmem>>, vector<16xf32>,
        tpu.vector_store %arg26[%parallel_loop3A_389, %parallel_loop3A_390], %parallel_loop3A_388 {strides = array<i32>} : memref<64x128xf32, #tpu.memory_space<vmem>>, vector<16xf32>,
        %parallel_loop3A_392 = arith.constant 4 : i32
        %parallel_loop3A_393 = arith.muli %parallel_loop3A_392, %parallel_loop3A_211 : i32
        %parallel_loop3A_394 = arith.constant 3 : i32
        %parallel_loop3A_395 = arith.addi %parallel_loop3A_393, %parallel_loop3A_394 : i32
        %parallel_loop3A_396 = vector.broadcast %parallel_loop3A_395 : i32 to vector<16xi32>
        %parallel_loop3A_397 = tpu.vector_load_idx %arg19[%parallel_loop3A_396] : memref<128xf32, #tpu.memory_space<vmem>>[vector<16xi32>], vector<16xf32>,
        %parallel_loop3A_398 = vector.broadcast %parallel_loop3A_395 : i32 to vector<16xi32>
        %parallel_loop3A_399 = tpu.vector_load_idx %arg20[%parallel_loop3A_398] : memref<128xf32, #tpu.memory_space<vmem>>[vector<16xi32>], vector<16xf32>,
        %parallel_loop3A_400 = arith.constant 2 : i32
        %parallel_loop3A_401 = arith.muli %parallel_loop3A_400, %parallel_loop3A_211 : i32
        %parallel_loop3A_402 = arith.constant 1 : i32
        %parallel_loop3A_403 = arith.addi %parallel_loop3A_401, %parallel_loop3A_402 : i32
        %parallel_loop3A_404 = arith.index_cast %parallel_loop3A_395 : i32 to index
        %parallel_loop3A_405 = arith.constant 0 : index
        %parallel_loop3A_406 = tpu.vector_load %arg23[%parallel_loop3A_404, %parallel_loop3A_405] {strides = array<i32>} : memref<128x128xf32, #tpu.memory_space<vmem>>, vector<16xf32>,
        %parallel_loop3A_407 = arith.mulf %parallel_loop3A_397, %parallel_loop3A_406 : vector<16xf32>
        %parallel_loop3A_408 = arith.index_cast %parallel_loop3A_395 : i32 to index
        %parallel_loop3A_409 = arith.constant 0 : index
        %parallel_loop3A_410 = tpu.vector_load %arg24[%parallel_loop3A_408, %parallel_loop3A_409] {strides = array<i32>} : memref<128x128xf32, #tpu.memory_space<vmem>>, vector<16xf32>,
        %parallel_loop3A_411 = arith.mulf %parallel_loop3A_399, %parallel_loop3A_410 : vector<16xf32>
        %parallel_loop3A_412 = arith.addf %parallel_loop3A_407, %parallel_loop3A_411 : vector<16xf32>
        %parallel_loop3A_413 = arith.index_cast %parallel_loop3A_403 : i32 to index
        %parallel_loop3A_414 = arith.constant 64 : index
        %parallel_loop3A_415 = tpu.vector_load %arg26[%parallel_loop3A_413, %parallel_loop3A_414] {strides = array<i32>} : memref<64x128xf32, #tpu.memory_space<vmem>>, vector<16xf32>,
        tpu.vector_store %arg26[%parallel_loop3A_413, %parallel_loop3A_414], %parallel_loop3A_412 {strides = array<i32>} : memref<64x128xf32, #tpu.memory_space<vmem>>, vector<16xf32>,
        %parallel_loop3A_416 = arith.index_cast %parallel_loop3A_395 : i32 to index
        %parallel_loop3A_417 = arith.constant 16 : index
        %parallel_loop3A_418 = tpu.vector_load %arg23[%parallel_loop3A_416, %parallel_loop3A_417] {strides = array<i32>} : memref<128x128xf32, #tpu.memory_space<vmem>>, vector<16xf32>,
        %parallel_loop3A_419 = arith.mulf %parallel_loop3A_397, %parallel_loop3A_418 : vector<16xf32>
        %parallel_loop3A_420 = arith.index_cast %parallel_loop3A_395 : i32 to index
        %parallel_loop3A_421 = arith.constant 16 : index
        %parallel_loop3A_422 = tpu.vector_load %arg24[%parallel_loop3A_420, %parallel_loop3A_421] {strides = array<i32>} : memref<128x128xf32, #tpu.memory_space<vmem>>, vector<16xf32>,
        %parallel_loop3A_423 = arith.mulf %parallel_loop3A_399, %parallel_loop3A_422 : vector<16xf32>
        %parallel_loop3A_424 = arith.addf %parallel_loop3A_419, %parallel_loop3A_423 : vector<16xf32>
        %parallel_loop3A_425 = arith.index_cast %parallel_loop3A_403 : i32 to index
        %parallel_loop3A_426 = arith.constant 80 : index
        %parallel_loop3A_427 = tpu.vector_load %arg26[%parallel_loop3A_425, %parallel_loop3A_426] {strides = array<i32>} : memref<64x128xf32, #tpu.memory_space<vmem>>, vector<16xf32>,
        tpu.vector_store %arg26[%parallel_loop3A_425, %parallel_loop3A_426], %parallel_loop3A_424 {strides = array<i32>} : memref<64x128xf32, #tpu.memory_space<vmem>>, vector<16xf32>,
        %parallel_loop3A_428 = arith.index_cast %parallel_loop3A_395 : i32 to index
        %parallel_loop3A_429 = arith.constant 32 : index
        %parallel_loop3A_430 = tpu.vector_load %arg23[%parallel_loop3A_428, %parallel_loop3A_429] {strides = array<i32>} : memref<128x128xf32, #tpu.memory_space<vmem>>, vector<16xf32>,
        %parallel_loop3A_431 = arith.mulf %parallel_loop3A_397, %parallel_loop3A_430 : vector<16xf32>
        %parallel_loop3A_432 = arith.index_cast %parallel_loop3A_395 : i32 to index
        %parallel_loop3A_433 = arith.constant 32 : index
        %parallel_loop3A_434 = tpu.vector_load %arg24[%parallel_loop3A_432, %parallel_loop3A_433] {strides = array<i32>} : memref<128x128xf32, #tpu.memory_space<vmem>>, vector<16xf32>,
        %parallel_loop3A_435 = arith.mulf %parallel_loop3A_399, %parallel_loop3A_434 : vector<16xf32>
        %parallel_loop3A_436 = arith.addf %parallel_loop3A_431, %parallel_loop3A_435 : vector<16xf32>
        %parallel_loop3A_437 = arith.index_cast %parallel_loop3A_403 : i32 to index
        %parallel_loop3A_438 = arith.constant 96 : index
        %parallel_loop3A_439 = tpu.vector_load %arg26[%parallel_loop3A_437, %parallel_loop3A_438] {strides = array<i32>} : memref<64x128xf32, #tpu.memory_space<vmem>>, vector<16xf32>,
        tpu.vector_store %arg26[%parallel_loop3A_437, %parallel_loop3A_438], %parallel_loop3A_436 {strides = array<i32>} : memref<64x128xf32, #tpu.memory_space<vmem>>, vector<16xf32>,
        %parallel_loop3A_440 = arith.index_cast %parallel_loop3A_395 : i32 to index
        %parallel_loop3A_441 = arith.constant 48 : index
        %parallel_loop3A_442 = tpu.vector_load %arg23[%parallel_loop3A_440, %parallel_loop3A_441] {strides = array<i32>} : memref<128x128xf32, #tpu.memory_space<vmem>>, vector<16xf32>,
        %parallel_loop3A_443 = arith.mulf %parallel_loop3A_397, %parallel_loop3A_442 : vector<16xf32>
        %parallel_loop3A_444 = arith.index_cast %parallel_loop3A_395 : i32 to index
        %parallel_loop3A_445 = arith.constant 48 : index
        %parallel_loop3A_446 = tpu.vector_load %arg24[%parallel_loop3A_444, %parallel_loop3A_445] {strides = array<i32>} : memref<128x128xf32, #tpu.memory_space<vmem>>, vector<16xf32>,
        %parallel_loop3A_447 = arith.mulf %parallel_loop3A_399, %parallel_loop3A_446 : vector<16xf32>
        %parallel_loop3A_448 = arith.addf %parallel_loop3A_443, %parallel_loop3A_447 : vector<16xf32>
        %parallel_loop3A_449 = arith.index_cast %parallel_loop3A_403 : i32 to index
        %parallel_loop3A_450 = arith.constant 112 : index
        %parallel_loop3A_451 = tpu.vector_load %arg26[%parallel_loop3A_449, %parallel_loop3A_450] {strides = array<i32>} : memref<64x128xf32, #tpu.memory_space<vmem>>, vector<16xf32>,
        tpu.vector_store %arg26[%parallel_loop3A_449, %parallel_loop3A_450], %parallel_loop3A_448 {strides = array<i32>} : memref<64x128xf32, #tpu.memory_space<vmem>>, vector<16xf32>,
      } {sc.loop_unroll_factor = 4 : i64, sc.parallel_access}
      %parallel_loop3A_180 = arith.constant 0 : i32
      %parallel_loop3A_181 = arith.constant 8 : i32
      %parallel_loop3A_182 = arith.constant 1 : i32
      scf.for %parallel_loop3A_211 = %parallel_loop3A_180 to %parallel_loop3A_181 step %parallel_loop3A_182  : i32 {
        %parallel_loop3A_212 = arith.constant 16 : i32
        %parallel_loop3A_213 = arith.muli %parallel_loop3A_212, %parallel_loop3A_211 : i32
        %parallel_loop3A_214 = arith.index_cast %parallel_loop3A_213 : i32 to index
        %parallel_loop3A_215 = tpu.vector_load %arg19[%parallel_loop3A_214] {strides = array<i32>} : memref<128xf32, #tpu.memory_space<vmem>>, vector<16xf32>,
        %parallel_loop3A_216 = arith.index_cast %parallel_loop3A_213 : i32 to index
        %parallel_loop3A_217 = tpu.vector_load %arg29[%parallel_loop3A_216] {strides = array<i32>} : memref<128xf32, #tpu.memory_space<vmem>>, vector<16xf32>,
        tpu.vector_store %arg29[%parallel_loop3A_216], %parallel_loop3A_215 {strides = array<i32>} : memref<128xf32, #tpu.memory_space<vmem>>, vector<16xf32>,
        %parallel_loop3A_218 = arith.index_cast %parallel_loop3A_213 : i32 to index
        %parallel_loop3A_219 = tpu.vector_load %arg20[%parallel_loop3A_218] {strides = array<i32>} : memref<128xf32, #tpu.memory_space<vmem>>, vector<16xf32>,
        %parallel_loop3A_220 = arith.index_cast %parallel_loop3A_213 : i32 to index
        %parallel_loop3A_221 = tpu.vector_load %arg30[%parallel_loop3A_220] {strides = array<i32>} : memref<128xf32, #tpu.memory_space<vmem>>, vector<16xf32>,
        tpu.vector_store %arg30[%parallel_loop3A_220], %parallel_loop3A_219 {strides = array<i32>} : memref<128xf32, #tpu.memory_space<vmem>>, vector<16xf32>,
      } {sc.loop_unroll_factor = 2 : i64, sc.parallel_access}
      %ge3A_183 = arith.constant 2 : i32
      %ge3A_184 = arith.cmpi sge, %add3A_160, %ge3A_183 : i32
      %convert_element_type3A_185 = arith.extui %ge3A_184 : i1 to i32
      %cond3A_186 = arith.constant 0 : i32
      %cond3A_187 = arith.cmpi ne, %convert_element_type3A_185, %cond3A_186 : i32
      scf.if %cond3A_187 {
        %mul3A_211 = arith.constant 13312 : i32
        %mul3A_212 = arith.muli %add3A, %mul3A_211 : i32
        %mul3A_213 = arith.constant 0 : i32
        %mul3A_214 = arith.constant 128 : i32
        %mul3A_215 = arith.muli %mul3A_213, %mul3A_214 : i32
        %add3A_216 = arith.addi %mul3A_212, %mul3A_215 : i32
        %mul3A_217 = arith.constant 6656 : i32
        %mul3A_218 = arith.muli %add3A, %mul3A_217 : i32
        %mul3A_219 = arith.constant 0 : i32
        %mul3A_220 = arith.constant 64 : i32
        %mul3A_221 = arith.muli %mul3A_219, %mul3A_220 : i32
        %add3A_222 = arith.addi %mul3A_218, %mul3A_221 : i32
        %dma_wait3A_223 = arith.constant 0 : i32
        %dma_wait3A_224 = tpu.memref_slice %arg8[%add3A_222, %dma_wait3A_223] : memref<212992x128xf32, #tpu.memory_space<hbm>> -> memref<64x128xf32, #tpu.memory_space<hbm>>
        %dma_wait3A_225 = arith.constant 0 : i32
        %dma_wait3A_226 = tpu.memref_slice %arg8[%add3A_222, %dma_wait3A_225] : memref<212992x128xf32, #tpu.memory_space<hbm>> -> memref<64x128xf32, #tpu.memory_space<hbm>>
        tpu.wait_dma2 semaphore(%arg36 : memref<!tpu.dma_semaphore, #tpu.memory_space<semaphore_mem>>) src(%arg25 : memref<64x128xf32, #tpu.memory_space<vmem>>) dst(%dma_wait3A_226 : memref<64x128xf32, #tpu.memory_space<hbm>>)
        %dma_wait3A_227 = tpu.memref_slice %arg9[%add3A_216] : memref<425984xf32, #tpu.memory_space<hbm>> -> memref<128xf32, #tpu.memory_space<hbm>>
        %dma_wait3A_228 = tpu.memref_slice %arg9[%add3A_216] : memref<425984xf32, #tpu.memory_space<hbm>> -> memref<128xf32, #tpu.memory_space<hbm>>
        tpu.wait_dma2 semaphore(%arg36 : memref<!tpu.dma_semaphore, #tpu.memory_space<semaphore_mem>>) src(%arg27 : memref<128xf32, #tpu.memory_space<vmem>>) dst(%dma_wait3A_228 : memref<128xf32, #tpu.memory_space<hbm>>)
        %dma_wait3A_229 = tpu.memref_slice %arg10[%add3A_216] : memref<425984xf32, #tpu.memory_space<hbm>> -> memref<128xf32, #tpu.memory_space<hbm>>
        %dma_wait3A_230 = tpu.memref_slice %arg10[%add3A_216] : memref<425984xf32, #tpu.memory_space<hbm>> -> memref<128xf32, #tpu.memory_space<hbm>>
        tpu.wait_dma2 semaphore(%arg36 : memref<!tpu.dma_semaphore, #tpu.memory_space<semaphore_mem>>) src(%arg28 : memref<128xf32, #tpu.memory_space<vmem>>) dst(%dma_wait3A_230 : memref<128xf32, #tpu.memory_space<hbm>>)
      } else {
      }
      %mul3A_188 = arith.constant 13312 : i32
      %mul3A_189 = arith.muli %add3A, %mul3A_188 : i32
      %mul3A_190 = arith.constant 128 : i32
      %mul3A_191 = arith.muli %add3A_160, %mul3A_190 : i32
      %add3A_192 = arith.addi %mul3A_189, %mul3A_191 : i32
      %mul3A_193 = arith.constant 6656 : i32
      %mul3A_194 = arith.muli %add3A, %mul3A_193 : i32
      %mul3A_195 = arith.constant 64 : i32
      %mul3A_196 = arith.muli %add3A_160, %mul3A_195 : i32
      %add3A_197 = arith.addi %mul3A_194, %mul3A_196 : i32
      %dma_start3A_198 = arith.constant 0 : i32
      %dma_start3A_199 = tpu.memref_slice %arg8[%add3A_197, %dma_start3A_198] : memref<212992x128xf32, #tpu.memory_space<hbm>> -> memref<64x128xf32, #tpu.memory_space<hbm>>
      %dma_start3A_200 = arith.constant 0 : i32
      %dma_start3A_201 = tpu.memref_slice %arg8[%add3A_197, %dma_start3A_200] : memref<212992x128xf32, #tpu.memory_space<hbm>> -> memref<64x128xf32, #tpu.memory_space<hbm>>
      tpu.enqueue_dma source(%arg26 : memref<64x128xf32, #tpu.memory_space<vmem>>) target(%dma_start3A_201 : memref<64x128xf32, #tpu.memory_space<hbm>>) target_semaphore(%arg36 : memref<!tpu.dma_semaphore, #tpu.memory_space<semaphore_mem>>)
      %dma_start3A_202 = tpu.memref_slice %arg9[%add3A_192] : memref<425984xf32, #tpu.memory_space<hbm>> -> memref<128xf32, #tpu.memory_space<hbm>>
      %dma_start3A_203 = tpu.memref_slice %arg9[%add3A_192] : memref<425984xf32, #tpu.memory_space<hbm>> -> memref<128xf32, #tpu.memory_space<hbm>>
      tpu.enqueue_dma source(%arg29 : memref<128xf32, #tpu.memory_space<vmem>>) target(%dma_start3A_203 : memref<128xf32, #tpu.memory_space<hbm>>) target_semaphore(%arg36 : memref<!tpu.dma_semaphore, #tpu.memory_space<semaphore_mem>>)
      %dma_start3A_204 = tpu.memref_slice %arg10[%add3A_192] : memref<425984xf32, #tpu.memory_space<hbm>> -> memref<128xf32, #tpu.memory_space<hbm>>
      %dma_start3A_205 = tpu.memref_slice %arg10[%add3A_192] : memref<425984xf32, #tpu.memory_space<hbm>> -> memref<128xf32, #tpu.memory_space<hbm>>
      tpu.enqueue_dma source(%arg30 : memref<128xf32, #tpu.memory_space<vmem>>) target(%dma_start3A_205 : memref<128xf32, #tpu.memory_space<hbm>>) target_semaphore(%arg36 : memref<!tpu.dma_semaphore, #tpu.memory_space<semaphore_mem>>)
      %lt3A_206 = arith.constant 102 : i32
      %lt3A_207 = arith.cmpi slt, %add3A_160, %lt3A_206 : i32
      %convert_element_type3A_208 = arith.extui %lt3A_207 : i1 to i32
      %cond3A_209 = arith.constant 0 : i32
      %cond3A_210 = arith.cmpi ne, %convert_element_type3A_208, %cond3A_209 : i32
      scf.if %cond3A_210 {
        %mul3A_211 = arith.constant 13312 : i32
        %mul3A_212 = arith.muli %add3A, %mul3A_211 : i32
        %mul3A_213 = arith.constant 0 : i32
        %mul3A_214 = arith.constant 128 : i32
        %mul3A_215 = arith.muli %mul3A_213, %mul3A_214 : i32
        %add3A_216 = arith.addi %mul3A_212, %mul3A_215 : i32
        %dma_wait3A_217 = tpu.memref_slice %arg2[%add3A_216] : memref<425984xi32, #tpu.memory_space<hbm>> -> memref<128xi32, #tpu.memory_space<hbm>>
        %dma_wait3A_218 = tpu.memref_slice %arg2[%add3A_216] : memref<425984xi32, #tpu.memory_space<hbm>> -> memref<128xi32, #tpu.memory_space<hbm>>
        tpu.wait_dma2 semaphore(%arg31 : memref<!tpu.dma_semaphore, #tpu.memory_space<semaphore_mem>>) src(%dma_wait3A_218 : memref<128xi32, #tpu.memory_space<hbm>>) dst(%arg12 : memref<128xi32, #tpu.memory_space<vmem>>)
        %dma_start3A_219 = arith.constant 0 : i32
        %dma_start3A_220 = tpu.memref_slice %arg3[%dma_start3A_219] : memref<1000000xi32, #tpu.memory_space<hbm>> -> memref<1000000xi32, #tpu.memory_space<hbm>>
        tpu.enqueue_indirect_dma source(%dma_start3A_220 : memref<1000000xi32, #tpu.memory_space<hbm>>) target(%arg17 : memref<128xi32, #tpu.memory_space<vmem>>) offsets(%arg12 : memref<128xi32, #tpu.memory_space<vmem>>) semaphore(%arg32 : memref<!tpu.dma_semaphore, #tpu.memory_space<semaphore_mem>>)
        %dma_start3A_221 = arith.constant 0 : i32
        %dma_start3A_222 = tpu.memref_slice %arg4[%dma_start3A_221] : memref<1000000xi32, #tpu.memory_space<hbm>> -> memref<1000000xi32, #tpu.memory_space<hbm>>
        tpu.enqueue_indirect_dma source(%dma_start3A_222 : memref<1000000xi32, #tpu.memory_space<hbm>>) target(%arg18 : memref<128xi32, #tpu.memory_space<vmem>>) offsets(%arg12 : memref<128xi32, #tpu.memory_space<vmem>>) semaphore(%arg32 : memref<!tpu.dma_semaphore, #tpu.memory_space<semaphore_mem>>)
        %dma_start3A_223 = arith.constant 0 : i32
        %dma_start3A_224 = tpu.memref_slice %arg6[%dma_start3A_223] : memref<1000000xf32, #tpu.memory_space<hbm>> -> memref<1000000xf32, #tpu.memory_space<hbm>>
        tpu.enqueue_indirect_dma source(%dma_start3A_224 : memref<1000000xf32, #tpu.memory_space<hbm>>) target(%arg19 : memref<128xf32, #tpu.memory_space<vmem>>) offsets(%arg12 : memref<128xi32, #tpu.memory_space<vmem>>) semaphore(%arg32 : memref<!tpu.dma_semaphore, #tpu.memory_space<semaphore_mem>>)
        %dma_start3A_225 = arith.constant 0 : i32
        %dma_start3A_226 = tpu.memref_slice %arg7[%dma_start3A_225] : memref<1000000xf32, #tpu.memory_space<hbm>> -> memref<1000000xf32, #tpu.memory_space<hbm>>
        tpu.enqueue_indirect_dma source(%dma_start3A_226 : memref<1000000xf32, #tpu.memory_space<hbm>>) target(%arg20 : memref<128xf32, #tpu.memory_space<vmem>>) offsets(%arg12 : memref<128xi32, #tpu.memory_space<vmem>>) semaphore(%arg32 : memref<!tpu.dma_semaphore, #tpu.memory_space<semaphore_mem>>)
      } else {
      }
    }
    %while3A_70 = arith.constant 1 : i32
    scf.for %while3A_111 = %while3A_68 to %while3A_64 step %while3A_70  : i32 {
      %mul3A_112 = arith.constant 2 : i32
      %mul3A_113 = arith.muli %mul3A_112, %while3A_111 : i32
      %lt3A = arith.constant 103 : i32
      %lt3A_114 = arith.cmpi slt, %mul3A_113, %lt3A : i32
      %convert_element_type3A = arith.extui %lt3A_114 : i1 to i32
      %cond3A = arith.constant 0 : i32
      %cond3A_115 = arith.cmpi ne, %convert_element_type3A, %cond3A : i32
      scf.if %cond3A_115 {
        %dma_wait3A_211 = arith.constant 0 : i32
        %dma_wait3A_212 = tpu.memref_slice %arg3[%dma_wait3A_211] : memref<1000000xi32, #tpu.memory_space<hbm>> -> memref<1000000xi32, #tpu.memory_space<hbm>>
        tpu.wait_indirect_dma semaphore(%arg32 : memref<!tpu.dma_semaphore, #tpu.memory_space<semaphore_mem>>) src(%dma_wait3A_212 : memref<1000000xi32, #tpu.memory_space<hbm>>) dst(%arg17 : memref<128xi32, #tpu.memory_space<vmem>>)
        %dma_wait3A_213 = arith.constant 0 : i32
        %dma_wait3A_214 = tpu.memref_slice %arg4[%dma_wait3A_213] : memref<1000000xi32, #tpu.memory_space<hbm>> -> memref<1000000xi32, #tpu.memory_space<hbm>>
        tpu.wait_indirect_dma semaphore(%arg32 : memref<!tpu.dma_semaphore, #tpu.memory_space<semaphore_mem>>) src(%dma_wait3A_214 : memref<1000000xi32, #tpu.memory_space<hbm>>) dst(%arg18 : memref<128xi32, #tpu.memory_space<vmem>>)
        %dma_wait3A_215 = arith.constant 0 : i32
        %dma_wait3A_216 = tpu.memref_slice %arg6[%dma_wait3A_215] : memref<1000000xf32, #tpu.memory_space<hbm>> -> memref<1000000xf32, #tpu.memory_space<hbm>>
        tpu.wait_indirect_dma semaphore(%arg32 : memref<!tpu.dma_semaphore, #tpu.memory_space<semaphore_mem>>) src(%dma_wait3A_216 : memref<1000000xf32, #tpu.memory_space<hbm>>) dst(%arg19 : memref<128xf32, #tpu.memory_space<vmem>>)
        %dma_wait3A_217 = arith.constant 0 : i32
        %dma_wait3A_218 = tpu.memref_slice %arg7[%dma_wait3A_217] : memref<1000000xf32, #tpu.memory_space<hbm>> -> memref<1000000xf32, #tpu.memory_space<hbm>>
        tpu.wait_indirect_dma semaphore(%arg32 : memref<!tpu.dma_semaphore, #tpu.memory_space<semaphore_mem>>) src(%dma_wait3A_218 : memref<1000000xf32, #tpu.memory_space<hbm>>) dst(%arg20 : memref<128xf32, #tpu.memory_space<vmem>>)
        %dma_start3A_219 = arith.constant 0 : i32
        %dma_start3A_220 = arith.constant 0 : i32
        %dma_start3A_221 = tpu.memref_slice %arg5[%dma_start3A_219, %dma_start3A_220] : memref<100000x128xf32, #tpu.memory_space<hbm>> -> memref<100000x128xf32, #tpu.memory_space<hbm>>
        tpu.enqueue_indirect_dma source(%dma_start3A_221 : memref<100000x128xf32, #tpu.memory_space<hbm>>) target(%arg23 : memref<128x128xf32, #tpu.memory_space<vmem>>) offsets(%arg17 : memref<128xi32, #tpu.memory_space<vmem>>) semaphore(%arg34 : memref<!tpu.dma_semaphore, #tpu.memory_space<semaphore_mem>>)
        %dma_start3A_222 = arith.constant 0 : i32
        %dma_start3A_223 = arith.constant 0 : i32
        %dma_start3A_224 = tpu.memref_slice %arg5[%dma_start3A_222, %dma_start3A_223] : memref<100000x128xf32, #tpu.memory_space<hbm>> -> memref<100000x128xf32, #tpu.memory_space<hbm>>
        tpu.enqueue_indirect_dma source(%dma_start3A_224 : memref<100000x128xf32, #tpu.memory_space<hbm>>) target(%arg24 : memref<128x128xf32, #tpu.memory_space<vmem>>) offsets(%arg18 : memref<128xi32, #tpu.memory_space<vmem>>) semaphore(%arg34 : memref<!tpu.dma_semaphore, #tpu.memory_space<semaphore_mem>>)
      } else {
      }
      %lt3A_116 = arith.constant 102 : i32
      %lt3A_117 = arith.cmpi slt, %mul3A_113, %lt3A_116 : i32
      %convert_element_type3A_118 = arith.extui %lt3A_117 : i1 to i32
      %cond3A_119 = arith.constant 0 : i32
      %cond3A_120 = arith.cmpi ne, %convert_element_type3A_118, %cond3A_119 : i32
      scf.if %cond3A_120 {
        %add3A_211 = arith.constant 2 : i32
        %add3A_212 = arith.addi %mul3A_113, %add3A_211 : i32
        %mul3A_213 = arith.constant 13312 : i32
        %mul3A_214 = arith.muli %add3A, %mul3A_213 : i32
        %mul3A_215 = arith.constant 128 : i32
        %mul3A_216 = arith.muli %add3A_212, %mul3A_215 : i32
        %add3A_217 = arith.addi %mul3A_214, %mul3A_216 : i32
        %dma_start3A_218 = tpu.memref_slice %arg2[%add3A_217] : memref<425984xi32, #tpu.memory_space<hbm>> -> memref<128xi32, #tpu.memory_space<hbm>>
        %dma_start3A_219 = tpu.memref_slice %arg2[%add3A_217] : memref<425984xi32, #tpu.memory_space<hbm>> -> memref<128xi32, #tpu.memory_space<hbm>>
        tpu.enqueue_dma source(%dma_start3A_219 : memref<128xi32, #tpu.memory_space<hbm>>) target(%arg11 : memref<128xi32, #tpu.memory_space<vmem>>) target_semaphore(%arg31 : memref<!tpu.dma_semaphore, #tpu.memory_space<semaphore_mem>>)
      } else {
      }
      %dma_wait3A_121 = arith.constant 0 : i32
      %dma_wait3A_122 = arith.constant 0 : i32
      %dma_wait3A_123 = tpu.memref_slice %arg5[%dma_wait3A_121, %dma_wait3A_122] : memref<100000x128xf32, #tpu.memory_space<hbm>> -> memref<100000x128xf32, #tpu.memory_space<hbm>>
      tpu.wait_indirect_dma semaphore(%arg33 : memref<!tpu.dma_semaphore, #tpu.memory_space<semaphore_mem>>) src(%dma_wait3A_123 : memref<100000x128xf32, #tpu.memory_space<hbm>>) dst(%arg21 : memref<128x128xf32, #tpu.memory_space<vmem>>)
      %dma_wait3A_124 = arith.constant 0 : i32
      %dma_wait3A_125 = arith.constant 0 : i32
      %dma_wait3A_126 = tpu.memref_slice %arg5[%dma_wait3A_124, %dma_wait3A_125] : memref<100000x128xf32, #tpu.memory_space<hbm>> -> memref<100000x128xf32, #tpu.memory_space<hbm>>
      tpu.wait_indirect_dma semaphore(%arg33 : memref<!tpu.dma_semaphore, #tpu.memory_space<semaphore_mem>>) src(%dma_wait3A_126 : memref<100000x128xf32, #tpu.memory_space<hbm>>) dst(%arg22 : memref<128x128xf32, #tpu.memory_space<vmem>>)
      %parallel_loop3A = arith.constant 0 : i32
      %parallel_loop3A_127 = arith.constant 32 : i32
      %parallel_loop3A_128 = arith.constant 1 : i32
      scf.for %parallel_loop3A_211 = %parallel_loop3A to %parallel_loop3A_127 step %parallel_loop3A_128  : i32 {
        %parallel_loop3A_212 = arith.constant 4 : i32
        %parallel_loop3A_213 = arith.muli %parallel_loop3A_212, %parallel_loop3A_211 : i32
        %parallel_loop3A_214 = arith.constant 0 : i32
        %parallel_loop3A_215 = arith.addi %parallel_loop3A_213, %parallel_loop3A_214 : i32
        %parallel_loop3A_216 = vector.broadcast %parallel_loop3A_215 : i32 to vector<16xi32>
        %parallel_loop3A_217 = tpu.vector_load_idx %arg15[%parallel_loop3A_216] : memref<128xf32, #tpu.memory_space<vmem>>[vector<16xi32>], vector<16xf32>,
        %parallel_loop3A_218 = vector.broadcast %parallel_loop3A_215 : i32 to vector<16xi32>
        %parallel_loop3A_219 = tpu.vector_load_idx %arg16[%parallel_loop3A_218] : memref<128xf32, #tpu.memory_space<vmem>>[vector<16xi32>], vector<16xf32>,
        %parallel_loop3A_220 = arith.constant 2 : i32
        %parallel_loop3A_221 = arith.muli %parallel_loop3A_220, %parallel_loop3A_211 : i32
        %parallel_loop3A_222 = arith.constant 0 : i32
        %parallel_loop3A_223 = arith.addi %parallel_loop3A_221, %parallel_loop3A_222 : i32
        %parallel_loop3A_224 = arith.index_cast %parallel_loop3A_215 : i32 to index
        %parallel_loop3A_225 = arith.constant 0 : index
        %parallel_loop3A_226 = tpu.vector_load %arg21[%parallel_loop3A_224, %parallel_loop3A_225] {strides = array<i32>} : memref<128x128xf32, #tpu.memory_space<vmem>>, vector<16xf32>,
        %parallel_loop3A_227 = arith.mulf %parallel_loop3A_217, %parallel_loop3A_226 : vector<16xf32>
        %parallel_loop3A_228 = arith.index_cast %parallel_loop3A_215 : i32 to index
        %parallel_loop3A_229 = arith.constant 0 : index
        %parallel_loop3A_230 = tpu.vector_load %arg22[%parallel_loop3A_228, %parallel_loop3A_229] {strides = array<i32>} : memref<128x128xf32, #tpu.memory_space<vmem>>, vector<16xf32>,
        %parallel_loop3A_231 = arith.mulf %parallel_loop3A_219, %parallel_loop3A_230 : vector<16xf32>
        %parallel_loop3A_232 = arith.addf %parallel_loop3A_227, %parallel_loop3A_231 : vector<16xf32>
        %parallel_loop3A_233 = arith.index_cast %parallel_loop3A_223 : i32 to index
        %parallel_loop3A_234 = arith.constant 0 : index
        %parallel_loop3A_235 = tpu.vector_load %arg25[%parallel_loop3A_233, %parallel_loop3A_234] {strides = array<i32>} : memref<64x128xf32, #tpu.memory_space<vmem>>, vector<16xf32>,
        tpu.vector_store %arg25[%parallel_loop3A_233, %parallel_loop3A_234], %parallel_loop3A_232 {strides = array<i32>} : memref<64x128xf32, #tpu.memory_space<vmem>>, vector<16xf32>,
        %parallel_loop3A_236 = arith.index_cast %parallel_loop3A_215 : i32 to index
        %parallel_loop3A_237 = arith.constant 16 : index
        %parallel_loop3A_238 = tpu.vector_load %arg21[%parallel_loop3A_236, %parallel_loop3A_237] {strides = array<i32>} : memref<128x128xf32, #tpu.memory_space<vmem>>, vector<16xf32>,
        %parallel_loop3A_239 = arith.mulf %parallel_loop3A_217, %parallel_loop3A_238 : vector<16xf32>
        %parallel_loop3A_240 = arith.index_cast %parallel_loop3A_215 : i32 to index
        %parallel_loop3A_241 = arith.constant 16 : index
        %parallel_loop3A_242 = tpu.vector_load %arg22[%parallel_loop3A_240, %parallel_loop3A_241] {strides = array<i32>} : memref<128x128xf32, #tpu.memory_space<vmem>>, vector<16xf32>,
        %parallel_loop3A_243 = arith.mulf %parallel_loop3A_219, %parallel_loop3A_242 : vector<16xf32>
        %parallel_loop3A_244 = arith.addf %parallel_loop3A_239, %parallel_loop3A_243 : vector<16xf32>
        %parallel_loop3A_245 = arith.index_cast %parallel_loop3A_223 : i32 to index
        %parallel_loop3A_246 = arith.constant 16 : index
        %parallel_loop3A_247 = tpu.vector_load %arg25[%parallel_loop3A_245, %parallel_loop3A_246] {strides = array<i32>} : memref<64x128xf32, #tpu.memory_space<vmem>>, vector<16xf32>,
        tpu.vector_store %arg25[%parallel_loop3A_245, %parallel_loop3A_246], %parallel_loop3A_244 {strides = array<i32>} : memref<64x128xf32, #tpu.memory_space<vmem>>, vector<16xf32>,
        %parallel_loop3A_248 = arith.index_cast %parallel_loop3A_215 : i32 to index
        %parallel_loop3A_249 = arith.constant 32 : index
        %parallel_loop3A_250 = tpu.vector_load %arg21[%parallel_loop3A_248, %parallel_loop3A_249] {strides = array<i32>} : memref<128x128xf32, #tpu.memory_space<vmem>>, vector<16xf32>,
        %parallel_loop3A_251 = arith.mulf %parallel_loop3A_217, %parallel_loop3A_250 : vector<16xf32>
        %parallel_loop3A_252 = arith.index_cast %parallel_loop3A_215 : i32 to index
        %parallel_loop3A_253 = arith.constant 32 : index
        %parallel_loop3A_254 = tpu.vector_load %arg22[%parallel_loop3A_252, %parallel_loop3A_253] {strides = array<i32>} : memref<128x128xf32, #tpu.memory_space<vmem>>, vector<16xf32>,
        %parallel_loop3A_255 = arith.mulf %parallel_loop3A_219, %parallel_loop3A_254 : vector<16xf32>
        %parallel_loop3A_256 = arith.addf %parallel_loop3A_251, %parallel_loop3A_255 : vector<16xf32>
        %parallel_loop3A_257 = arith.index_cast %parallel_loop3A_223 : i32 to index
        %parallel_loop3A_258 = arith.constant 32 : index
        %parallel_loop3A_259 = tpu.vector_load %arg25[%parallel_loop3A_257, %parallel_loop3A_258] {strides = array<i32>} : memref<64x128xf32, #tpu.memory_space<vmem>>, vector<16xf32>,
        tpu.vector_store %arg25[%parallel_loop3A_257, %parallel_loop3A_258], %parallel_loop3A_256 {strides = array<i32>} : memref<64x128xf32, #tpu.memory_space<vmem>>, vector<16xf32>,
        %parallel_loop3A_260 = arith.index_cast %parallel_loop3A_215 : i32 to index
        %parallel_loop3A_261 = arith.constant 48 : index
        %parallel_loop3A_262 = tpu.vector_load %arg21[%parallel_loop3A_260, %parallel_loop3A_261] {strides = array<i32>} : memref<128x128xf32, #tpu.memory_space<vmem>>, vector<16xf32>,
        %parallel_loop3A_263 = arith.mulf %parallel_loop3A_217, %parallel_loop3A_262 : vector<16xf32>
        %parallel_loop3A_264 = arith.index_cast %parallel_loop3A_215 : i32 to index
        %parallel_loop3A_265 = arith.constant 48 : index
        %parallel_loop3A_266 = tpu.vector_load %arg22[%parallel_loop3A_264, %parallel_loop3A_265] {strides = array<i32>} : memref<128x128xf32, #tpu.memory_space<vmem>>, vector<16xf32>,
        %parallel_loop3A_267 = arith.mulf %parallel_loop3A_219, %parallel_loop3A_266 : vector<16xf32>
        %parallel_loop3A_268 = arith.addf %parallel_loop3A_263, %parallel_loop3A_267 : vector<16xf32>
        %parallel_loop3A_269 = arith.index_cast %parallel_loop3A_223 : i32 to index
        %parallel_loop3A_270 = arith.constant 48 : index
        %parallel_loop3A_271 = tpu.vector_load %arg25[%parallel_loop3A_269, %parallel_loop3A_270] {strides = array<i32>} : memref<64x128xf32, #tpu.memory_space<vmem>>, vector<16xf32>,
        tpu.vector_store %arg25[%parallel_loop3A_269, %parallel_loop3A_270], %parallel_loop3A_268 {strides = array<i32>} : memref<64x128xf32, #tpu.memory_space<vmem>>, vector<16xf32>,
        %parallel_loop3A_272 = arith.constant 4 : i32
        %parallel_loop3A_273 = arith.muli %parallel_loop3A_272, %parallel_loop3A_211 : i32
        %parallel_loop3A_274 = arith.constant 1 : i32
        %parallel_loop3A_275 = arith.addi %parallel_loop3A_273, %parallel_loop3A_274 : i32
        %parallel_loop3A_276 = vector.broadcast %parallel_loop3A_275 : i32 to vector<16xi32>
        %parallel_loop3A_277 = tpu.vector_load_idx %arg15[%parallel_loop3A_276] : memref<128xf32, #tpu.memory_space<vmem>>[vector<16xi32>], vector<16xf32>,
        %parallel_loop3A_278 = vector.broadcast %parallel_loop3A_275 : i32 to vector<16xi32>
        %parallel_loop3A_279 = tpu.vector_load_idx %arg16[%parallel_loop3A_278] : memref<128xf32, #tpu.memory_space<vmem>>[vector<16xi32>], vector<16xf32>,
        %parallel_loop3A_280 = arith.constant 2 : i32
        %parallel_loop3A_281 = arith.muli %parallel_loop3A_280, %parallel_loop3A_211 : i32
        %parallel_loop3A_282 = arith.constant 0 : i32
        %parallel_loop3A_283 = arith.addi %parallel_loop3A_281, %parallel_loop3A_282 : i32
        %parallel_loop3A_284 = arith.index_cast %parallel_loop3A_275 : i32 to index
        %parallel_loop3A_285 = arith.constant 0 : index
        %parallel_loop3A_286 = tpu.vector_load %arg21[%parallel_loop3A_284, %parallel_loop3A_285] {strides = array<i32>} : memref<128x128xf32, #tpu.memory_space<vmem>>, vector<16xf32>,
        %parallel_loop3A_287 = arith.mulf %parallel_loop3A_277, %parallel_loop3A_286 : vector<16xf32>
        %parallel_loop3A_288 = arith.index_cast %parallel_loop3A_275 : i32 to index
        %parallel_loop3A_289 = arith.constant 0 : index
        %parallel_loop3A_290 = tpu.vector_load %arg22[%parallel_loop3A_288, %parallel_loop3A_289] {strides = array<i32>} : memref<128x128xf32, #tpu.memory_space<vmem>>, vector<16xf32>,
        %parallel_loop3A_291 = arith.mulf %parallel_loop3A_279, %parallel_loop3A_290 : vector<16xf32>
        %parallel_loop3A_292 = arith.addf %parallel_loop3A_287, %parallel_loop3A_291 : vector<16xf32>
        %parallel_loop3A_293 = arith.index_cast %parallel_loop3A_283 : i32 to index
        %parallel_loop3A_294 = arith.constant 64 : index
        %parallel_loop3A_295 = tpu.vector_load %arg25[%parallel_loop3A_293, %parallel_loop3A_294] {strides = array<i32>} : memref<64x128xf32, #tpu.memory_space<vmem>>, vector<16xf32>,
        tpu.vector_store %arg25[%parallel_loop3A_293, %parallel_loop3A_294], %parallel_loop3A_292 {strides = array<i32>} : memref<64x128xf32, #tpu.memory_space<vmem>>, vector<16xf32>,
        %parallel_loop3A_296 = arith.index_cast %parallel_loop3A_275 : i32 to index
        %parallel_loop3A_297 = arith.constant 16 : index
        %parallel_loop3A_298 = tpu.vector_load %arg21[%parallel_loop3A_296, %parallel_loop3A_297] {strides = array<i32>} : memref<128x128xf32, #tpu.memory_space<vmem>>, vector<16xf32>,
        %parallel_loop3A_299 = arith.mulf %parallel_loop3A_277, %parallel_loop3A_298 : vector<16xf32>
        %parallel_loop3A_300 = arith.index_cast %parallel_loop3A_275 : i32 to index
        %parallel_loop3A_301 = arith.constant 16 : index
        %parallel_loop3A_302 = tpu.vector_load %arg22[%parallel_loop3A_300, %parallel_loop3A_301] {strides = array<i32>} : memref<128x128xf32, #tpu.memory_space<vmem>>, vector<16xf32>,
        %parallel_loop3A_303 = arith.mulf %parallel_loop3A_279, %parallel_loop3A_302 : vector<16xf32>
        %parallel_loop3A_304 = arith.addf %parallel_loop3A_299, %parallel_loop3A_303 : vector<16xf32>
        %parallel_loop3A_305 = arith.index_cast %parallel_loop3A_283 : i32 to index
        %parallel_loop3A_306 = arith.constant 80 : index
        %parallel_loop3A_307 = tpu.vector_load %arg25[%parallel_loop3A_305, %parallel_loop3A_306] {strides = array<i32>} : memref<64x128xf32, #tpu.memory_space<vmem>>, vector<16xf32>,
        tpu.vector_store %arg25[%parallel_loop3A_305, %parallel_loop3A_306], %parallel_loop3A_304 {strides = array<i32>} : memref<64x128xf32, #tpu.memory_space<vmem>>, vector<16xf32>,
        %parallel_loop3A_308 = arith.index_cast %parallel_loop3A_275 : i32 to index
        %parallel_loop3A_309 = arith.constant 32 : index
        %parallel_loop3A_310 = tpu.vector_load %arg21[%parallel_loop3A_308, %parallel_loop3A_309] {strides = array<i32>} : memref<128x128xf32, #tpu.memory_space<vmem>>, vector<16xf32>,
        %parallel_loop3A_311 = arith.mulf %parallel_loop3A_277, %parallel_loop3A_310 : vector<16xf32>
        %parallel_loop3A_312 = arith.index_cast %parallel_loop3A_275 : i32 to index
        %parallel_loop3A_313 = arith.constant 32 : index
        %parallel_loop3A_314 = tpu.vector_load %arg22[%parallel_loop3A_312, %parallel_loop3A_313] {strides = array<i32>} : memref<128x128xf32, #tpu.memory_space<vmem>>, vector<16xf32>,
        %parallel_loop3A_315 = arith.mulf %parallel_loop3A_279, %parallel_loop3A_314 : vector<16xf32>
        %parallel_loop3A_316 = arith.addf %parallel_loop3A_311, %parallel_loop3A_315 : vector<16xf32>
        %parallel_loop3A_317 = arith.index_cast %parallel_loop3A_283 : i32 to index
        %parallel_loop3A_318 = arith.constant 96 : index
        %parallel_loop3A_319 = tpu.vector_load %arg25[%parallel_loop3A_317, %parallel_loop3A_318] {strides = array<i32>} : memref<64x128xf32, #tpu.memory_space<vmem>>, vector<16xf32>,
        tpu.vector_store %arg25[%parallel_loop3A_317, %parallel_loop3A_318], %parallel_loop3A_316 {strides = array<i32>} : memref<64x128xf32, #tpu.memory_space<vmem>>, vector<16xf32>,
        %parallel_loop3A_320 = arith.index_cast %parallel_loop3A_275 : i32 to index
        %parallel_loop3A_321 = arith.constant 48 : index
        %parallel_loop3A_322 = tpu.vector_load %arg21[%parallel_loop3A_320, %parallel_loop3A_321] {strides = array<i32>} : memref<128x128xf32, #tpu.memory_space<vmem>>, vector<16xf32>,
        %parallel_loop3A_323 = arith.mulf %parallel_loop3A_277, %parallel_loop3A_322 : vector<16xf32>
        %parallel_loop3A_324 = arith.index_cast %parallel_loop3A_275 : i32 to index
        %parallel_loop3A_325 = arith.constant 48 : index
        %parallel_loop3A_326 = tpu.vector_load %arg22[%parallel_loop3A_324, %parallel_loop3A_325] {strides = array<i32>} : memref<128x128xf32, #tpu.memory_space<vmem>>, vector<16xf32>,
        %parallel_loop3A_327 = arith.mulf %parallel_loop3A_279, %parallel_loop3A_326 : vector<16xf32>
        %parallel_loop3A_328 = arith.addf %parallel_loop3A_323, %parallel_loop3A_327 : vector<16xf32>
        %parallel_loop3A_329 = arith.index_cast %parallel_loop3A_283 : i32 to index
        %parallel_loop3A_330 = arith.constant 112 : index
        %parallel_loop3A_331 = tpu.vector_load %arg25[%parallel_loop3A_329, %parallel_loop3A_330] {strides = array<i32>} : memref<64x128xf32, #tpu.memory_space<vmem>>, vector<16xf32>,
        tpu.vector_store %arg25[%parallel_loop3A_329, %parallel_loop3A_330], %parallel_loop3A_328 {strides = array<i32>} : memref<64x128xf32, #tpu.memory_space<vmem>>, vector<16xf32>,
        %parallel_loop3A_332 = arith.constant 4 : i32
        %parallel_loop3A_333 = arith.muli %parallel_loop3A_332, %parallel_loop3A_211 : i32
        %parallel_loop3A_334 = arith.constant 2 : i32
        %parallel_loop3A_335 = arith.addi %parallel_loop3A_333, %parallel_loop3A_334 : i32
        %parallel_loop3A_336 = vector.broadcast %parallel_loop3A_335 : i32 to vector<16xi32>
        %parallel_loop3A_337 = tpu.vector_load_idx %arg15[%parallel_loop3A_336] : memref<128xf32, #tpu.memory_space<vmem>>[vector<16xi32>], vector<16xf32>,
        %parallel_loop3A_338 = vector.broadcast %parallel_loop3A_335 : i32 to vector<16xi32>
        %parallel_loop3A_339 = tpu.vector_load_idx %arg16[%parallel_loop3A_338] : memref<128xf32, #tpu.memory_space<vmem>>[vector<16xi32>], vector<16xf32>,
        %parallel_loop3A_340 = arith.constant 2 : i32
        %parallel_loop3A_341 = arith.muli %parallel_loop3A_340, %parallel_loop3A_211 : i32
        %parallel_loop3A_342 = arith.constant 1 : i32
        %parallel_loop3A_343 = arith.addi %parallel_loop3A_341, %parallel_loop3A_342 : i32
        %parallel_loop3A_344 = arith.index_cast %parallel_loop3A_335 : i32 to index
        %parallel_loop3A_345 = arith.constant 0 : index
        %parallel_loop3A_346 = tpu.vector_load %arg21[%parallel_loop3A_344, %parallel_loop3A_345] {strides = array<i32>} : memref<128x128xf32, #tpu.memory_space<vmem>>, vector<16xf32>,
        %parallel_loop3A_347 = arith.mulf %parallel_loop3A_337, %parallel_loop3A_346 : vector<16xf32>
        %parallel_loop3A_348 = arith.index_cast %parallel_loop3A_335 : i32 to index
        %parallel_loop3A_349 = arith.constant 0 : index
        %parallel_loop3A_350 = tpu.vector_load %arg22[%parallel_loop3A_348, %parallel_loop3A_349] {strides = array<i32>} : memref<128x128xf32, #tpu.memory_space<vmem>>, vector<16xf32>,
        %parallel_loop3A_351 = arith.mulf %parallel_loop3A_339, %parallel_loop3A_350 : vector<16xf32>
        %parallel_loop3A_352 = arith.addf %parallel_loop3A_347, %parallel_loop3A_351 : vector<16xf32>
        %parallel_loop3A_353 = arith.index_cast %parallel_loop3A_343 : i32 to index
        %parallel_loop3A_354 = arith.constant 0 : index
        %parallel_loop3A_355 = tpu.vector_load %arg25[%parallel_loop3A_353, %parallel_loop3A_354] {strides = array<i32>} : memref<64x128xf32, #tpu.memory_space<vmem>>, vector<16xf32>,
        tpu.vector_store %arg25[%parallel_loop3A_353, %parallel_loop3A_354], %parallel_loop3A_352 {strides = array<i32>} : memref<64x128xf32, #tpu.memory_space<vmem>>, vector<16xf32>,
        %parallel_loop3A_356 = arith.index_cast %parallel_loop3A_335 : i32 to index
        %parallel_loop3A_357 = arith.constant 16 : index
        %parallel_loop3A_358 = tpu.vector_load %arg21[%parallel_loop3A_356, %parallel_loop3A_357] {strides = array<i32>} : memref<128x128xf32, #tpu.memory_space<vmem>>, vector<16xf32>,
        %parallel_loop3A_359 = arith.mulf %parallel_loop3A_337, %parallel_loop3A_358 : vector<16xf32>
        %parallel_loop3A_360 = arith.index_cast %parallel_loop3A_335 : i32 to index
        %parallel_loop3A_361 = arith.constant 16 : index
        %parallel_loop3A_362 = tpu.vector_load %arg22[%parallel_loop3A_360, %parallel_loop3A_361] {strides = array<i32>} : memref<128x128xf32, #tpu.memory_space<vmem>>, vector<16xf32>,
        %parallel_loop3A_363 = arith.mulf %parallel_loop3A_339, %parallel_loop3A_362 : vector<16xf32>
        %parallel_loop3A_364 = arith.addf %parallel_loop3A_359, %parallel_loop3A_363 : vector<16xf32>
        %parallel_loop3A_365 = arith.index_cast %parallel_loop3A_343 : i32 to index
        %parallel_loop3A_366 = arith.constant 16 : index
        %parallel_loop3A_367 = tpu.vector_load %arg25[%parallel_loop3A_365, %parallel_loop3A_366] {strides = array<i32>} : memref<64x128xf32, #tpu.memory_space<vmem>>, vector<16xf32>,
        tpu.vector_store %arg25[%parallel_loop3A_365, %parallel_loop3A_366], %parallel_loop3A_364 {strides = array<i32>} : memref<64x128xf32, #tpu.memory_space<vmem>>, vector<16xf32>,
        %parallel_loop3A_368 = arith.index_cast %parallel_loop3A_335 : i32 to index
        %parallel_loop3A_369 = arith.constant 32 : index
        %parallel_loop3A_370 = tpu.vector_load %arg21[%parallel_loop3A_368, %parallel_loop3A_369] {strides = array<i32>} : memref<128x128xf32, #tpu.memory_space<vmem>>, vector<16xf32>,
        %parallel_loop3A_371 = arith.mulf %parallel_loop3A_337, %parallel_loop3A_370 : vector<16xf32>
        %parallel_loop3A_372 = arith.index_cast %parallel_loop3A_335 : i32 to index
        %parallel_loop3A_373 = arith.constant 32 : index
        %parallel_loop3A_374 = tpu.vector_load %arg22[%parallel_loop3A_372, %parallel_loop3A_373] {strides = array<i32>} : memref<128x128xf32, #tpu.memory_space<vmem>>, vector<16xf32>,
        %parallel_loop3A_375 = arith.mulf %parallel_loop3A_339, %parallel_loop3A_374 : vector<16xf32>
        %parallel_loop3A_376 = arith.addf %parallel_loop3A_371, %parallel_loop3A_375 : vector<16xf32>
        %parallel_loop3A_377 = arith.index_cast %parallel_loop3A_343 : i32 to index
        %parallel_loop3A_378 = arith.constant 32 : index
        %parallel_loop3A_379 = tpu.vector_load %arg25[%parallel_loop3A_377, %parallel_loop3A_378] {strides = array<i32>} : memref<64x128xf32, #tpu.memory_space<vmem>>, vector<16xf32>,
        tpu.vector_store %arg25[%parallel_loop3A_377, %parallel_loop3A_378], %parallel_loop3A_376 {strides = array<i32>} : memref<64x128xf32, #tpu.memory_space<vmem>>, vector<16xf32>,
        %parallel_loop3A_380 = arith.index_cast %parallel_loop3A_335 : i32 to index
        %parallel_loop3A_381 = arith.constant 48 : index
        %parallel_loop3A_382 = tpu.vector_load %arg21[%parallel_loop3A_380, %parallel_loop3A_381] {strides = array<i32>} : memref<128x128xf32, #tpu.memory_space<vmem>>, vector<16xf32>,
        %parallel_loop3A_383 = arith.mulf %parallel_loop3A_337, %parallel_loop3A_382 : vector<16xf32>
        %parallel_loop3A_384 = arith.index_cast %parallel_loop3A_335 : i32 to index
        %parallel_loop3A_385 = arith.constant 48 : index
        %parallel_loop3A_386 = tpu.vector_load %arg22[%parallel_loop3A_384, %parallel_loop3A_385] {strides = array<i32>} : memref<128x128xf32, #tpu.memory_space<vmem>>, vector<16xf32>,
        %parallel_loop3A_387 = arith.mulf %parallel_loop3A_339, %parallel_loop3A_386 : vector<16xf32>
        %parallel_loop3A_388 = arith.addf %parallel_loop3A_383, %parallel_loop3A_387 : vector<16xf32>
        %parallel_loop3A_389 = arith.index_cast %parallel_loop3A_343 : i32 to index
        %parallel_loop3A_390 = arith.constant 48 : index
        %parallel_loop3A_391 = tpu.vector_load %arg25[%parallel_loop3A_389, %parallel_loop3A_390] {strides = array<i32>} : memref<64x128xf32, #tpu.memory_space<vmem>>, vector<16xf32>,
        tpu.vector_store %arg25[%parallel_loop3A_389, %parallel_loop3A_390], %parallel_loop3A_388 {strides = array<i32>} : memref<64x128xf32, #tpu.memory_space<vmem>>, vector<16xf32>,
        %parallel_loop3A_392 = arith.constant 4 : i32
        %parallel_loop3A_393 = arith.muli %parallel_loop3A_392, %parallel_loop3A_211 : i32
        %parallel_loop3A_394 = arith.constant 3 : i32
        %parallel_loop3A_395 = arith.addi %parallel_loop3A_393, %parallel_loop3A_394 : i32
        %parallel_loop3A_396 = vector.broadcast %parallel_loop3A_395 : i32 to vector<16xi32>
        %parallel_loop3A_397 = tpu.vector_load_idx %arg15[%parallel_loop3A_396] : memref<128xf32, #tpu.memory_space<vmem>>[vector<16xi32>], vector<16xf32>,
        %parallel_loop3A_398 = vector.broadcast %parallel_loop3A_395 : i32 to vector<16xi32>
        %parallel_loop3A_399 = tpu.vector_load_idx %arg16[%parallel_loop3A_398] : memref<128xf32, #tpu.memory_space<vmem>>[vector<16xi32>], vector<16xf32>,
        %parallel_loop3A_400 = arith.constant 2 : i32
        %parallel_loop3A_401 = arith.muli %parallel_loop3A_400, %parallel_loop3A_211 : i32
        %parallel_loop3A_402 = arith.constant 1 : i32
        %parallel_loop3A_403 = arith.addi %parallel_loop3A_401, %parallel_loop3A_402 : i32
        %parallel_loop3A_404 = arith.index_cast %parallel_loop3A_395 : i32 to index
        %parallel_loop3A_405 = arith.constant 0 : index
        %parallel_loop3A_406 = tpu.vector_load %arg21[%parallel_loop3A_404, %parallel_loop3A_405] {strides = array<i32>} : memref<128x128xf32, #tpu.memory_space<vmem>>, vector<16xf32>,
        %parallel_loop3A_407 = arith.mulf %parallel_loop3A_397, %parallel_loop3A_406 : vector<16xf32>
        %parallel_loop3A_408 = arith.index_cast %parallel_loop3A_395 : i32 to index
        %parallel_loop3A_409 = arith.constant 0 : index
        %parallel_loop3A_410 = tpu.vector_load %arg22[%parallel_loop3A_408, %parallel_loop3A_409] {strides = array<i32>} : memref<128x128xf32, #tpu.memory_space<vmem>>, vector<16xf32>,
        %parallel_loop3A_411 = arith.mulf %parallel_loop3A_399, %parallel_loop3A_410 : vector<16xf32>
        %parallel_loop3A_412 = arith.addf %parallel_loop3A_407, %parallel_loop3A_411 : vector<16xf32>
        %parallel_loop3A_413 = arith.index_cast %parallel_loop3A_403 : i32 to index
        %parallel_loop3A_414 = arith.constant 64 : index
        %parallel_loop3A_415 = tpu.vector_load %arg25[%parallel_loop3A_413, %parallel_loop3A_414] {strides = array<i32>} : memref<64x128xf32, #tpu.memory_space<vmem>>, vector<16xf32>,
        tpu.vector_store %arg25[%parallel_loop3A_413, %parallel_loop3A_414], %parallel_loop3A_412 {strides = array<i32>} : memref<64x128xf32, #tpu.memory_space<vmem>>, vector<16xf32>,
        %parallel_loop3A_416 = arith.index_cast %parallel_loop3A_395 : i32 to index
        %parallel_loop3A_417 = arith.constant 16 : index
        %parallel_loop3A_418 = tpu.vector_load %arg21[%parallel_loop3A_416, %parallel_loop3A_417] {strides = array<i32>} : memref<128x128xf32, #tpu.memory_space<vmem>>, vector<16xf32>,
        %parallel_loop3A_419 = arith.mulf %parallel_loop3A_397, %parallel_loop3A_418 : vector<16xf32>
        %parallel_loop3A_420 = arith.index_cast %parallel_loop3A_395 : i32 to index
        %parallel_loop3A_421 = arith.constant 16 : index
        %parallel_loop3A_422 = tpu.vector_load %arg22[%parallel_loop3A_420, %parallel_loop3A_421] {strides = array<i32>} : memref<128x128xf32, #tpu.memory_space<vmem>>, vector<16xf32>,
        %parallel_loop3A_423 = arith.mulf %parallel_loop3A_399, %parallel_loop3A_422 : vector<16xf32>
        %parallel_loop3A_424 = arith.addf %parallel_loop3A_419, %parallel_loop3A_423 : vector<16xf32>
        %parallel_loop3A_425 = arith.index_cast %parallel_loop3A_403 : i32 to index
        %parallel_loop3A_426 = arith.constant 80 : index
        %parallel_loop3A_427 = tpu.vector_load %arg25[%parallel_loop3A_425, %parallel_loop3A_426] {strides = array<i32>} : memref<64x128xf32, #tpu.memory_space<vmem>>, vector<16xf32>,
        tpu.vector_store %arg25[%parallel_loop3A_425, %parallel_loop3A_426], %parallel_loop3A_424 {strides = array<i32>} : memref<64x128xf32, #tpu.memory_space<vmem>>, vector<16xf32>,
        %parallel_loop3A_428 = arith.index_cast %parallel_loop3A_395 : i32 to index
        %parallel_loop3A_429 = arith.constant 32 : index
        %parallel_loop3A_430 = tpu.vector_load %arg21[%parallel_loop3A_428, %parallel_loop3A_429] {strides = array<i32>} : memref<128x128xf32, #tpu.memory_space<vmem>>, vector<16xf32>,
        %parallel_loop3A_431 = arith.mulf %parallel_loop3A_397, %parallel_loop3A_430 : vector<16xf32>
        %parallel_loop3A_432 = arith.index_cast %parallel_loop3A_395 : i32 to index
        %parallel_loop3A_433 = arith.constant 32 : index
        %parallel_loop3A_434 = tpu.vector_load %arg22[%parallel_loop3A_432, %parallel_loop3A_433] {strides = array<i32>} : memref<128x128xf32, #tpu.memory_space<vmem>>, vector<16xf32>,
        %parallel_loop3A_435 = arith.mulf %parallel_loop3A_399, %parallel_loop3A_434 : vector<16xf32>
        %parallel_loop3A_436 = arith.addf %parallel_loop3A_431, %parallel_loop3A_435 : vector<16xf32>
        %parallel_loop3A_437 = arith.index_cast %parallel_loop3A_403 : i32 to index
        %parallel_loop3A_438 = arith.constant 96 : index
        %parallel_loop3A_439 = tpu.vector_load %arg25[%parallel_loop3A_437, %parallel_loop3A_438] {strides = array<i32>} : memref<64x128xf32, #tpu.memory_space<vmem>>, vector<16xf32>,
        tpu.vector_store %arg25[%parallel_loop3A_437, %parallel_loop3A_438], %parallel_loop3A_436 {strides = array<i32>} : memref<64x128xf32, #tpu.memory_space<vmem>>, vector<16xf32>,
        %parallel_loop3A_440 = arith.index_cast %parallel_loop3A_395 : i32 to index
        %parallel_loop3A_441 = arith.constant 48 : index
        %parallel_loop3A_442 = tpu.vector_load %arg21[%parallel_loop3A_440, %parallel_loop3A_441] {strides = array<i32>} : memref<128x128xf32, #tpu.memory_space<vmem>>, vector<16xf32>,
        %parallel_loop3A_443 = arith.mulf %parallel_loop3A_397, %parallel_loop3A_442 : vector<16xf32>
        %parallel_loop3A_444 = arith.index_cast %parallel_loop3A_395 : i32 to index
        %parallel_loop3A_445 = arith.constant 48 : index
        %parallel_loop3A_446 = tpu.vector_load %arg22[%parallel_loop3A_444, %parallel_loop3A_445] {strides = array<i32>} : memref<128x128xf32, #tpu.memory_space<vmem>>, vector<16xf32>,
        %parallel_loop3A_447 = arith.mulf %parallel_loop3A_399, %parallel_loop3A_446 : vector<16xf32>
        %parallel_loop3A_448 = arith.addf %parallel_loop3A_443, %parallel_loop3A_447 : vector<16xf32>
        %parallel_loop3A_449 = arith.index_cast %parallel_loop3A_403 : i32 to index
        %parallel_loop3A_450 = arith.constant 112 : index
        %parallel_loop3A_451 = tpu.vector_load %arg25[%parallel_loop3A_449, %parallel_loop3A_450] {strides = array<i32>} : memref<64x128xf32, #tpu.memory_space<vmem>>, vector<16xf32>,
        tpu.vector_store %arg25[%parallel_loop3A_449, %parallel_loop3A_450], %parallel_loop3A_448 {strides = array<i32>} : memref<64x128xf32, #tpu.memory_space<vmem>>, vector<16xf32>,
      } {sc.loop_unroll_factor = 4 : i64, sc.parallel_access}
      %parallel_loop3A_129 = arith.constant 0 : i32
      %parallel_loop3A_130 = arith.constant 8 : i32
      %parallel_loop3A_131 = arith.constant 1 : i32
      scf.for %parallel_loop3A_211 = %parallel_loop3A_129 to %parallel_loop3A_130 step %parallel_loop3A_131  : i32 {
        %parallel_loop3A_212 = arith.constant 16 : i32
        %parallel_loop3A_213 = arith.muli %parallel_loop3A_212, %parallel_loop3A_211 : i32
        %parallel_loop3A_214 = arith.index_cast %parallel_loop3A_213 : i32 to index
        %parallel_loop3A_215 = tpu.vector_load %arg15[%parallel_loop3A_214] {strides = array<i32>} : memref<128xf32, #tpu.memory_space<vmem>>, vector<16xf32>,
        %parallel_loop3A_216 = arith.index_cast %parallel_loop3A_213 : i32 to index
        %parallel_loop3A_217 = tpu.vector_load %arg27[%parallel_loop3A_216] {strides = array<i32>} : memref<128xf32, #tpu.memory_space<vmem>>, vector<16xf32>,
        tpu.vector_store %arg27[%parallel_loop3A_216], %parallel_loop3A_215 {strides = array<i32>} : memref<128xf32, #tpu.memory_space<vmem>>, vector<16xf32>,
        %parallel_loop3A_218 = arith.index_cast %parallel_loop3A_213 : i32 to index
        %parallel_loop3A_219 = tpu.vector_load %arg16[%parallel_loop3A_218] {strides = array<i32>} : memref<128xf32, #tpu.memory_space<vmem>>, vector<16xf32>,
        %parallel_loop3A_220 = arith.index_cast %parallel_loop3A_213 : i32 to index
        %parallel_loop3A_221 = tpu.vector_load %arg28[%parallel_loop3A_220] {strides = array<i32>} : memref<128xf32, #tpu.memory_space<vmem>>, vector<16xf32>,
        tpu.vector_store %arg28[%parallel_loop3A_220], %parallel_loop3A_219 {strides = array<i32>} : memref<128xf32, #tpu.memory_space<vmem>>, vector<16xf32>,
      } {sc.loop_unroll_factor = 2 : i64, sc.parallel_access}
      %ge3A = arith.constant 2 : i32
      %ge3A_132 = arith.cmpi sge, %mul3A_113, %ge3A : i32
      %convert_element_type3A_133 = arith.extui %ge3A_132 : i1 to i32
      %cond3A_134 = arith.constant 0 : i32
      %cond3A_135 = arith.cmpi ne, %convert_element_type3A_133, %cond3A_134 : i32
      scf.if %cond3A_135 {
        %mul3A_211 = arith.constant 13312 : i32
        %mul3A_212 = arith.muli %add3A, %mul3A_211 : i32
        %mul3A_213 = arith.constant 0 : i32
        %mul3A_214 = arith.constant 128 : i32
        %mul3A_215 = arith.muli %mul3A_213, %mul3A_214 : i32
        %add3A_216 = arith.addi %mul3A_212, %mul3A_215 : i32
        %mul3A_217 = arith.constant 6656 : i32
        %mul3A_218 = arith.muli %add3A, %mul3A_217 : i32
        %mul3A_219 = arith.constant 0 : i32
        %mul3A_220 = arith.constant 64 : i32
        %mul3A_221 = arith.muli %mul3A_219, %mul3A_220 : i32
        %add3A_222 = arith.addi %mul3A_218, %mul3A_221 : i32
        %dma_wait3A_223 = arith.constant 0 : i32
        %dma_wait3A_224 = tpu.memref_slice %arg8[%add3A_222, %dma_wait3A_223] : memref<212992x128xf32, #tpu.memory_space<hbm>> -> memref<64x128xf32, #tpu.memory_space<hbm>>
        %dma_wait3A_225 = arith.constant 0 : i32
        %dma_wait3A_226 = tpu.memref_slice %arg8[%add3A_222, %dma_wait3A_225] : memref<212992x128xf32, #tpu.memory_space<hbm>> -> memref<64x128xf32, #tpu.memory_space<hbm>>
        tpu.wait_dma2 semaphore(%arg35 : memref<!tpu.dma_semaphore, #tpu.memory_space<semaphore_mem>>) src(%arg25 : memref<64x128xf32, #tpu.memory_space<vmem>>) dst(%dma_wait3A_226 : memref<64x128xf32, #tpu.memory_space<hbm>>)
        %dma_wait3A_227 = tpu.memref_slice %arg9[%add3A_216] : memref<425984xf32, #tpu.memory_space<hbm>> -> memref<128xf32, #tpu.memory_space<hbm>>
        %dma_wait3A_228 = tpu.memref_slice %arg9[%add3A_216] : memref<425984xf32, #tpu.memory_space<hbm>> -> memref<128xf32, #tpu.memory_space<hbm>>
        tpu.wait_dma2 semaphore(%arg35 : memref<!tpu.dma_semaphore, #tpu.memory_space<semaphore_mem>>) src(%arg27 : memref<128xf32, #tpu.memory_space<vmem>>) dst(%dma_wait3A_228 : memref<128xf32, #tpu.memory_space<hbm>>)
        %dma_wait3A_229 = tpu.memref_slice %arg10[%add3A_216] : memref<425984xf32, #tpu.memory_space<hbm>> -> memref<128xf32, #tpu.memory_space<hbm>>
        %dma_wait3A_230 = tpu.memref_slice %arg10[%add3A_216] : memref<425984xf32, #tpu.memory_space<hbm>> -> memref<128xf32, #tpu.memory_space<hbm>>
        tpu.wait_dma2 semaphore(%arg35 : memref<!tpu.dma_semaphore, #tpu.memory_space<semaphore_mem>>) src(%arg28 : memref<128xf32, #tpu.memory_space<vmem>>) dst(%dma_wait3A_230 : memref<128xf32, #tpu.memory_space<hbm>>)
      } else {
      }
      %mul3A_136 = arith.constant 13312 : i32
      %mul3A_137 = arith.muli %add3A, %mul3A_136 : i32
      %mul3A_138 = arith.constant 128 : i32
      %mul3A_139 = arith.muli %mul3A_113, %mul3A_138 : i32
      %add3A_140 = arith.addi %mul3A_137, %mul3A_139 : i32
      %mul3A_141 = arith.constant 6656 : i32
      %mul3A_142 = arith.muli %add3A, %mul3A_141 : i32
      %mul3A_143 = arith.constant 64 : i32
      %mul3A_144 = arith.muli %mul3A_113, %mul3A_143 : i32
      %add3A_145 = arith.addi %mul3A_142, %mul3A_144 : i32
      %dma_start3A_146 = arith.constant 0 : i32
      %dma_start3A_147 = tpu.memref_slice %arg8[%add3A_145, %dma_start3A_146] : memref<212992x128xf32, #tpu.memory_space<hbm>> -> memref<64x128xf32, #tpu.memory_space<hbm>>
      %dma_start3A_148 = arith.constant 0 : i32
      %dma_start3A_149 = tpu.memref_slice %arg8[%add3A_145, %dma_start3A_148] : memref<212992x128xf32, #tpu.memory_space<hbm>> -> memref<64x128xf32, #tpu.memory_space<hbm>>
      tpu.enqueue_dma source(%arg25 : memref<64x128xf32, #tpu.memory_space<vmem>>) target(%dma_start3A_149 : memref<64x128xf32, #tpu.memory_space<hbm>>) target_semaphore(%arg35 : memref<!tpu.dma_semaphore, #tpu.memory_space<semaphore_mem>>)
      %dma_start3A_150 = tpu.memref_slice %arg9[%add3A_140] : memref<425984xf32, #tpu.memory_space<hbm>> -> memref<128xf32, #tpu.memory_space<hbm>>
      %dma_start3A_151 = tpu.memref_slice %arg9[%add3A_140] : memref<425984xf32, #tpu.memory_space<hbm>> -> memref<128xf32, #tpu.memory_space<hbm>>
      tpu.enqueue_dma source(%arg27 : memref<128xf32, #tpu.memory_space<vmem>>) target(%dma_start3A_151 : memref<128xf32, #tpu.memory_space<hbm>>) target_semaphore(%arg35 : memref<!tpu.dma_semaphore, #tpu.memory_space<semaphore_mem>>)
      %dma_start3A_152 = tpu.memref_slice %arg10[%add3A_140] : memref<425984xf32, #tpu.memory_space<hbm>> -> memref<128xf32, #tpu.memory_space<hbm>>
      %dma_start3A_153 = tpu.memref_slice %arg10[%add3A_140] : memref<425984xf32, #tpu.memory_space<hbm>> -> memref<128xf32, #tpu.memory_space<hbm>>
      tpu.enqueue_dma source(%arg28 : memref<128xf32, #tpu.memory_space<vmem>>) target(%dma_start3A_153 : memref<128xf32, #tpu.memory_space<hbm>>) target_semaphore(%arg35 : memref<!tpu.dma_semaphore, #tpu.memory_space<semaphore_mem>>)
      %lt3A_154 = arith.constant 102 : i32
      %lt3A_155 = arith.cmpi slt, %mul3A_113, %lt3A_154 : i32
      %convert_element_type3A_156 = arith.extui %lt3A_155 : i1 to i32
      %cond3A_157 = arith.constant 0 : i32
      %cond3A_158 = arith.cmpi ne, %convert_element_type3A_156, %cond3A_157 : i32
      scf.if %cond3A_158 {
        %mul3A_211 = arith.constant 13312 : i32
        %mul3A_212 = arith.muli %add3A, %mul3A_211 : i32
        %mul3A_213 = arith.constant 0 : i32
        %mul3A_214 = arith.constant 128 : i32
        %mul3A_215 = arith.muli %mul3A_213, %mul3A_214 : i32
        %add3A_216 = arith.addi %mul3A_212, %mul3A_215 : i32
        %dma_wait3A_217 = tpu.memref_slice %arg2[%add3A_216] : memref<425984xi32, #tpu.memory_space<hbm>> -> memref<128xi32, #tpu.memory_space<hbm>>
        %dma_wait3A_218 = tpu.memref_slice %arg2[%add3A_216] : memref<425984xi32, #tpu.memory_space<hbm>> -> memref<128xi32, #tpu.memory_space<hbm>>
        tpu.wait_dma2 semaphore(%arg31 : memref<!tpu.dma_semaphore, #tpu.memory_space<semaphore_mem>>) src(%dma_wait3A_218 : memref<128xi32, #tpu.memory_space<hbm>>) dst(%arg11 : memref<128xi32, #tpu.memory_space<vmem>>)
        %dma_start3A_219 = arith.constant 0 : i32
        %dma_start3A_220 = tpu.memref_slice %arg3[%dma_start3A_219] : memref<1000000xi32, #tpu.memory_space<hbm>> -> memref<1000000xi32, #tpu.memory_space<hbm>>
        tpu.enqueue_indirect_dma source(%dma_start3A_220 : memref<1000000xi32, #tpu.memory_space<hbm>>) target(%arg13 : memref<128xi32, #tpu.memory_space<vmem>>) offsets(%arg11 : memref<128xi32, #tpu.memory_space<vmem>>) semaphore(%arg32 : memref<!tpu.dma_semaphore, #tpu.memory_space<semaphore_mem>>)
        %dma_start3A_221 = arith.constant 0 : i32
        %dma_start3A_222 = tpu.memref_slice %arg4[%dma_start3A_221] : memref<1000000xi32, #tpu.memory_space<hbm>> -> memref<1000000xi32, #tpu.memory_space<hbm>>
        tpu.enqueue_indirect_dma source(%dma_start3A_222 : memref<1000000xi32, #tpu.memory_space<hbm>>) target(%arg14 : memref<128xi32, #tpu.memory_space<vmem>>) offsets(%arg11 : memref<128xi32, #tpu.memory_space<vmem>>) semaphore(%arg32 : memref<!tpu.dma_semaphore, #tpu.memory_space<semaphore_mem>>)
        %dma_start3A_223 = arith.constant 0 : i32
        %dma_start3A_224 = tpu.memref_slice %arg6[%dma_start3A_223] : memref<1000000xf32, #tpu.memory_space<hbm>> -> memref<1000000xf32, #tpu.memory_space<hbm>>
        tpu.enqueue_indirect_dma source(%dma_start3A_224 : memref<1000000xf32, #tpu.memory_space<hbm>>) target(%arg15 : memref<128xf32, #tpu.memory_space<vmem>>) offsets(%arg11 : memref<128xi32, #tpu.memory_space<vmem>>) semaphore(%arg32 : memref<!tpu.dma_semaphore, #tpu.memory_space<semaphore_mem>>)
        %dma_start3A_225 = arith.constant 0 : i32
        %dma_start3A_226 = tpu.memref_slice %arg7[%dma_start3A_225] : memref<1000000xf32, #tpu.memory_space<hbm>> -> memref<1000000xf32, #tpu.memory_space<hbm>>
        tpu.enqueue_indirect_dma source(%dma_start3A_226 : memref<1000000xf32, #tpu.memory_space<hbm>>) target(%arg16 : memref<128xf32, #tpu.memory_space<vmem>>) offsets(%arg11 : memref<128xi32, #tpu.memory_space<vmem>>) semaphore(%arg32 : memref<!tpu.dma_semaphore, #tpu.memory_space<semaphore_mem>>)
      } else {
      }
      %add3A_159 = arith.constant 1 : i32
      %add3A_160 = arith.addi %mul3A_113, %add3A_159 : i32
      %lt3A_161 = arith.constant 103 : i32
      %lt3A_162 = arith.cmpi slt, %add3A_160, %lt3A_161 : i32
      %convert_element_type3A_163 = arith.extui %lt3A_162 : i1 to i32
      %cond3A_164 = arith.constant 0 : i32
      %cond3A_165 = arith.cmpi ne, %convert_element_type3A_163, %cond3A_164 : i32
      scf.if %cond3A_165 {
        %dma_wait3A_211 = arith.constant 0 : i32
        %dma_wait3A_212 = tpu.memref_slice %arg3[%dma_wait3A_211] : memref<1000000xi32, #tpu.memory_space<hbm>> -> memref<1000000xi32, #tpu.memory_space<hbm>>
        tpu.wait_indirect_dma semaphore(%arg32 : memref<!tpu.dma_semaphore, #tpu.memory_space<semaphore_mem>>) src(%dma_wait3A_212 : memref<1000000xi32, #tpu.memory_space<hbm>>) dst(%arg13 : memref<128xi32, #tpu.memory_space<vmem>>)
        %dma_wait3A_213 = arith.constant 0 : i32
        %dma_wait3A_214 = tpu.memref_slice %arg4[%dma_wait3A_213] : memref<1000000xi32, #tpu.memory_space<hbm>> -> memref<1000000xi32, #tpu.memory_space<hbm>>
        tpu.wait_indirect_dma semaphore(%arg32 : memref<!tpu.dma_semaphore, #tpu.memory_space<semaphore_mem>>) src(%dma_wait3A_214 : memref<1000000xi32, #tpu.memory_space<hbm>>) dst(%arg14 : memref<128xi32, #tpu.memory_space<vmem>>)
        %dma_wait3A_215 = arith.constant 0 : i32
        %dma_wait3A_216 = tpu.memref_slice %arg6[%dma_wait3A_215] : memref<1000000xf32, #tpu.memory_space<hbm>> -> memref<1000000xf32, #tpu.memory_space<hbm>>
        tpu.wait_indirect_dma semaphore(%arg32 : memref<!tpu.dma_semaphore, #tpu.memory_space<semaphore_mem>>) src(%dma_wait3A_216 : memref<1000000xf32, #tpu.memory_space<hbm>>) dst(%arg15 : memref<128xf32, #tpu.memory_space<vmem>>)
        %dma_wait3A_217 = arith.constant 0 : i32
        %dma_wait3A_218 = tpu.memref_slice %arg7[%dma_wait3A_217] : memref<1000000xf32, #tpu.memory_space<hbm>> -> memref<1000000xf32, #tpu.memory_space<hbm>>
        tpu.wait_indirect_dma semaphore(%arg32 : memref<!tpu.dma_semaphore, #tpu.memory_space<semaphore_mem>>) src(%dma_wait3A_218 : memref<1000000xf32, #tpu.memory_space<hbm>>) dst(%arg16 : memref<128xf32, #tpu.memory_space<vmem>>)
        %dma_start3A_219 = arith.constant 0 : i32
        %dma_start3A_220 = arith.constant 0 : i32
        %dma_start3A_221 = tpu.memref_slice %arg5[%dma_start3A_219, %dma_start3A_220] : memref<100000x128xf32, #tpu.memory_space<hbm>> -> memref<100000x128xf32, #tpu.memory_space<hbm>>
        tpu.enqueue_indirect_dma source(%dma_start3A_221 : memref<100000x128xf32, #tpu.memory_space<hbm>>) target(%arg21 : memref<128x128xf32, #tpu.memory_space<vmem>>) offsets(%arg13 : memref<128xi32, #tpu.memory_space<vmem>>) semaphore(%arg33 : memref<!tpu.dma_semaphore, #tpu.memory_space<semaphore_mem>>)
        %dma_start3A_222 = arith.constant 0 : i32
        %dma_start3A_223 = arith.constant 0 : i32
        %dma_start3A_224 = tpu.memref_slice %arg5[%dma_start3A_222, %dma_start3A_223] : memref<100000x128xf32, #tpu.memory_space<hbm>> -> memref<100000x128xf32, #tpu.memory_space<hbm>>
        tpu.enqueue_indirect_dma source(%dma_start3A_224 : memref<100000x128xf32, #tpu.memory_space<hbm>>) target(%arg22 : memref<128x128xf32, #tpu.memory_space<vmem>>) offsets(%arg14 : memref<128xi32, #tpu.memory_space<vmem>>) semaphore(%arg33 : memref<!tpu.dma_semaphore, #tpu.memory_space<semaphore_mem>>)
      } else {
      }
      %lt3A_166 = arith.constant 102 : i32
      %lt3A_167 = arith.cmpi slt, %add3A_160, %lt3A_166 : i32
      %convert_element_type3A_168 = arith.extui %lt3A_167 : i1 to i32
      %cond3A_169 = arith.constant 0 : i32
      %cond3A_170 = arith.cmpi ne, %convert_element_type3A_168, %cond3A_169 : i32
      scf.if %cond3A_170 {
        %add3A_211 = arith.constant 2 : i32
        %add3A_212 = arith.addi %add3A_160, %add3A_211 : i32
        %mul3A_213 = arith.constant 13312 : i32
        %mul3A_214 = arith.muli %add3A, %mul3A_213 : i32
        %mul3A_215 = arith.constant 128 : i32
        %mul3A_216 = arith.muli %add3A_212, %mul3A_215 : i32
        %add3A_217 = arith.addi %mul3A_214, %mul3A_216 : i32
        %dma_start3A_218 = tpu.memref_slice %arg2[%add3A_217] : memref<425984xi32, #tpu.memory_space<hbm>> -> memref<128xi32, #tpu.memory_space<hbm>>
        %dma_start3A_219 = tpu.memref_slice %arg2[%add3A_217] : memref<425984xi32, #tpu.memory_space<hbm>> -> memref<128xi32, #tpu.memory_space<hbm>>
        tpu.enqueue_dma source(%dma_start3A_219 : memref<128xi32, #tpu.memory_space<hbm>>) target(%arg12 : memref<128xi32, #tpu.memory_space<vmem>>) target_semaphore(%arg31 : memref<!tpu.dma_semaphore, #tpu.memory_space<semaphore_mem>>)
      } else {
      }
      %dma_wait3A_171 = arith.constant 0 : i32
      %dma_wait3A_172 = arith.constant 0 : i32
      %dma_wait3A_173 = tpu.memref_slice %arg5[%dma_wait3A_171, %dma_wait3A_172] : memref<100000x128xf32, #tpu.memory_space<hbm>> -> memref<100000x128xf32, #tpu.memory_space<hbm>>
      tpu.wait_indirect_dma semaphore(%arg34 : memref<!tpu.dma_semaphore, #tpu.memory_space<semaphore_mem>>) src(%dma_wait3A_173 : memref<100000x128xf32, #tpu.memory_space<hbm>>) dst(%arg23 : memref<128x128xf32, #tpu.memory_space<vmem>>)
      %dma_wait3A_174 = arith.constant 0 : i32
      %dma_wait3A_175 = arith.constant 0 : i32
      %dma_wait3A_176 = tpu.memref_slice %arg5[%dma_wait3A_174, %dma_wait3A_175] : memref<100000x128xf32, #tpu.memory_space<hbm>> -> memref<100000x128xf32, #tpu.memory_space<hbm>>
      tpu.wait_indirect_dma semaphore(%arg34 : memref<!tpu.dma_semaphore, #tpu.memory_space<semaphore_mem>>) src(%dma_wait3A_176 : memref<100000x128xf32, #tpu.memory_space<hbm>>) dst(%arg24 : memref<128x128xf32, #tpu.memory_space<vmem>>)
      %parallel_loop3A_177 = arith.constant 0 : i32
      %parallel_loop3A_178 = arith.constant 32 : i32
      %parallel_loop3A_179 = arith.constant 1 : i32
      scf.for %parallel_loop3A_211 = %parallel_loop3A_177 to %parallel_loop3A_178 step %parallel_loop3A_179  : i32 {
        %parallel_loop3A_212 = arith.constant 4 : i32
        %parallel_loop3A_213 = arith.muli %parallel_loop3A_212, %parallel_loop3A_211 : i32
        %parallel_loop3A_214 = arith.constant 0 : i32
        %parallel_loop3A_215 = arith.addi %parallel_loop3A_213, %parallel_loop3A_214 : i32
        %parallel_loop3A_216 = vector.broadcast %parallel_loop3A_215 : i32 to vector<16xi32>
        %parallel_loop3A_217 = tpu.vector_load_idx %arg19[%parallel_loop3A_216] : memref<128xf32, #tpu.memory_space<vmem>>[vector<16xi32>], vector<16xf32>,
        %parallel_loop3A_218 = vector.broadcast %parallel_loop3A_215 : i32 to vector<16xi32>
        %parallel_loop3A_219 = tpu.vector_load_idx %arg20[%parallel_loop3A_218] : memref<128xf32, #tpu.memory_space<vmem>>[vector<16xi32>], vector<16xf32>,
        %parallel_loop3A_220 = arith.constant 2 : i32
        %parallel_loop3A_221 = arith.muli %parallel_loop3A_220, %parallel_loop3A_211 : i32
        %parallel_loop3A_222 = arith.constant 0 : i32
        %parallel_loop3A_223 = arith.addi %parallel_loop3A_221, %parallel_loop3A_222 : i32
        %parallel_loop3A_224 = arith.index_cast %parallel_loop3A_215 : i32 to index
        %parallel_loop3A_225 = arith.constant 0 : index
        %parallel_loop3A_226 = tpu.vector_load %arg23[%parallel_loop3A_224, %parallel_loop3A_225] {strides = array<i32>} : memref<128x128xf32, #tpu.memory_space<vmem>>, vector<16xf32>,
        %parallel_loop3A_227 = arith.mulf %parallel_loop3A_217, %parallel_loop3A_226 : vector<16xf32>
        %parallel_loop3A_228 = arith.index_cast %parallel_loop3A_215 : i32 to index
        %parallel_loop3A_229 = arith.constant 0 : index
        %parallel_loop3A_230 = tpu.vector_load %arg24[%parallel_loop3A_228, %parallel_loop3A_229] {strides = array<i32>} : memref<128x128xf32, #tpu.memory_space<vmem>>, vector<16xf32>,
        %parallel_loop3A_231 = arith.mulf %parallel_loop3A_219, %parallel_loop3A_230 : vector<16xf32>
        %parallel_loop3A_232 = arith.addf %parallel_loop3A_227, %parallel_loop3A_231 : vector<16xf32>
        %parallel_loop3A_233 = arith.index_cast %parallel_loop3A_223 : i32 to index
        %parallel_loop3A_234 = arith.constant 0 : index
        %parallel_loop3A_235 = tpu.vector_load %arg26[%parallel_loop3A_233, %parallel_loop3A_234] {strides = array<i32>} : memref<64x128xf32, #tpu.memory_space<vmem>>, vector<16xf32>,
        tpu.vector_store %arg26[%parallel_loop3A_233, %parallel_loop3A_234], %parallel_loop3A_232 {strides = array<i32>} : memref<64x128xf32, #tpu.memory_space<vmem>>, vector<16xf32>,
        %parallel_loop3A_236 = arith.index_cast %parallel_loop3A_215 : i32 to index
        %parallel_loop3A_237 = arith.constant 16 : index
        %parallel_loop3A_238 = tpu.vector_load %arg23[%parallel_loop3A_236, %parallel_loop3A_237] {strides = array<i32>} : memref<128x128xf32, #tpu.memory_space<vmem>>, vector<16xf32>,
        %parallel_loop3A_239 = arith.mulf %parallel_loop3A_217, %parallel_loop3A_238 : vector<16xf32>
        %parallel_loop3A_240 = arith.index_cast %parallel_loop3A_215 : i32 to index
        %parallel_loop3A_241 = arith.constant 16 : index
        %parallel_loop3A_242 = tpu.vector_load %arg24[%parallel_loop3A_240, %parallel_loop3A_241] {strides = array<i32>} : memref<128x128xf32, #tpu.memory_space<vmem>>, vector<16xf32>,
        %parallel_loop3A_243 = arith.mulf %parallel_loop3A_219, %parallel_loop3A_242 : vector<16xf32>
        %parallel_loop3A_244 = arith.addf %parallel_loop3A_239, %parallel_loop3A_243 : vector<16xf32>
        %parallel_loop3A_245 = arith.index_cast %parallel_loop3A_223 : i32 to index
        %parallel_loop3A_246 = arith.constant 16 : index
        %parallel_loop3A_247 = tpu.vector_load %arg26[%parallel_loop3A_245, %parallel_loop3A_246] {strides = array<i32>} : memref<64x128xf32, #tpu.memory_space<vmem>>, vector<16xf32>,
        tpu.vector_store %arg26[%parallel_loop3A_245, %parallel_loop3A_246], %parallel_loop3A_244 {strides = array<i32>} : memref<64x128xf32, #tpu.memory_space<vmem>>, vector<16xf32>,
        %parallel_loop3A_248 = arith.index_cast %parallel_loop3A_215 : i32 to index
        %parallel_loop3A_249 = arith.constant 32 : index
        %parallel_loop3A_250 = tpu.vector_load %arg23[%parallel_loop3A_248, %parallel_loop3A_249] {strides = array<i32>} : memref<128x128xf32, #tpu.memory_space<vmem>>, vector<16xf32>,
        %parallel_loop3A_251 = arith.mulf %parallel_loop3A_217, %parallel_loop3A_250 : vector<16xf32>
        %parallel_loop3A_252 = arith.index_cast %parallel_loop3A_215 : i32 to index
        %parallel_loop3A_253 = arith.constant 32 : index
        %parallel_loop3A_254 = tpu.vector_load %arg24[%parallel_loop3A_252, %parallel_loop3A_253] {strides = array<i32>} : memref<128x128xf32, #tpu.memory_space<vmem>>, vector<16xf32>,
        %parallel_loop3A_255 = arith.mulf %parallel_loop3A_219, %parallel_loop3A_254 : vector<16xf32>
        %parallel_loop3A_256 = arith.addf %parallel_loop3A_251, %parallel_loop3A_255 : vector<16xf32>
        %parallel_loop3A_257 = arith.index_cast %parallel_loop3A_223 : i32 to index
        %parallel_loop3A_258 = arith.constant 32 : index
        %parallel_loop3A_259 = tpu.vector_load %arg26[%parallel_loop3A_257, %parallel_loop3A_258] {strides = array<i32>} : memref<64x128xf32, #tpu.memory_space<vmem>>, vector<16xf32>,
        tpu.vector_store %arg26[%parallel_loop3A_257, %parallel_loop3A_258], %parallel_loop3A_256 {strides = array<i32>} : memref<64x128xf32, #tpu.memory_space<vmem>>, vector<16xf32>,
        %parallel_loop3A_260 = arith.index_cast %parallel_loop3A_215 : i32 to index
        %parallel_loop3A_261 = arith.constant 48 : index
        %parallel_loop3A_262 = tpu.vector_load %arg23[%parallel_loop3A_260, %parallel_loop3A_261] {strides = array<i32>} : memref<128x128xf32, #tpu.memory_space<vmem>>, vector<16xf32>,
        %parallel_loop3A_263 = arith.mulf %parallel_loop3A_217, %parallel_loop3A_262 : vector<16xf32>
        %parallel_loop3A_264 = arith.index_cast %parallel_loop3A_215 : i32 to index
        %parallel_loop3A_265 = arith.constant 48 : index
        %parallel_loop3A_266 = tpu.vector_load %arg24[%parallel_loop3A_264, %parallel_loop3A_265] {strides = array<i32>} : memref<128x128xf32, #tpu.memory_space<vmem>>, vector<16xf32>,
        %parallel_loop3A_267 = arith.mulf %parallel_loop3A_219, %parallel_loop3A_266 : vector<16xf32>
        %parallel_loop3A_268 = arith.addf %parallel_loop3A_263, %parallel_loop3A_267 : vector<16xf32>
        %parallel_loop3A_269 = arith.index_cast %parallel_loop3A_223 : i32 to index
        %parallel_loop3A_270 = arith.constant 48 : index
        %parallel_loop3A_271 = tpu.vector_load %arg26[%parallel_loop3A_269, %parallel_loop3A_270] {strides = array<i32>} : memref<64x128xf32, #tpu.memory_space<vmem>>, vector<16xf32>,
        tpu.vector_store %arg26[%parallel_loop3A_269, %parallel_loop3A_270], %parallel_loop3A_268 {strides = array<i32>} : memref<64x128xf32, #tpu.memory_space<vmem>>, vector<16xf32>,
        %parallel_loop3A_272 = arith.constant 4 : i32
        %parallel_loop3A_273 = arith.muli %parallel_loop3A_272, %parallel_loop3A_211 : i32
        %parallel_loop3A_274 = arith.constant 1 : i32
        %parallel_loop3A_275 = arith.addi %parallel_loop3A_273, %parallel_loop3A_274 : i32
        %parallel_loop3A_276 = vector.broadcast %parallel_loop3A_275 : i32 to vector<16xi32>
        %parallel_loop3A_277 = tpu.vector_load_idx %arg19[%parallel_loop3A_276] : memref<128xf32, #tpu.memory_space<vmem>>[vector<16xi32>], vector<16xf32>,
        %parallel_loop3A_278 = vector.broadcast %parallel_loop3A_275 : i32 to vector<16xi32>
        %parallel_loop3A_279 = tpu.vector_load_idx %arg20[%parallel_loop3A_278] : memref<128xf32, #tpu.memory_space<vmem>>[vector<16xi32>], vector<16xf32>,
        %parallel_loop3A_280 = arith.constant 2 : i32
        %parallel_loop3A_281 = arith.muli %parallel_loop3A_280, %parallel_loop3A_211 : i32
        %parallel_loop3A_282 = arith.constant 0 : i32
        %parallel_loop3A_283 = arith.addi %parallel_loop3A_281, %parallel_loop3A_282 : i32
        %parallel_loop3A_284 = arith.index_cast %parallel_loop3A_275 : i32 to index
        %parallel_loop3A_285 = arith.constant 0 : index
        %parallel_loop3A_286 = tpu.vector_load %arg23[%parallel_loop3A_284, %parallel_loop3A_285] {strides = array<i32>} : memref<128x128xf32, #tpu.memory_space<vmem>>, vector<16xf32>,
        %parallel_loop3A_287 = arith.mulf %parallel_loop3A_277, %parallel_loop3A_286 : vector<16xf32>
        %parallel_loop3A_288 = arith.index_cast %parallel_loop3A_275 : i32 to index
        %parallel_loop3A_289 = arith.constant 0 : index
        %parallel_loop3A_290 = tpu.vector_load %arg24[%parallel_loop3A_288, %parallel_loop3A_289] {strides = array<i32>} : memref<128x128xf32, #tpu.memory_space<vmem>>, vector<16xf32>,
        %parallel_loop3A_291 = arith.mulf %parallel_loop3A_279, %parallel_loop3A_290 : vector<16xf32>
        %parallel_loop3A_292 = arith.addf %parallel_loop3A_287, %parallel_loop3A_291 : vector<16xf32>
        %parallel_loop3A_293 = arith.index_cast %parallel_loop3A_283 : i32 to index
        %parallel_loop3A_294 = arith.constant 64 : index
        %parallel_loop3A_295 = tpu.vector_load %arg26[%parallel_loop3A_293, %parallel_loop3A_294] {strides = array<i32>} : memref<64x128xf32, #tpu.memory_space<vmem>>, vector<16xf32>,
        tpu.vector_store %arg26[%parallel_loop3A_293, %parallel_loop3A_294], %parallel_loop3A_292 {strides = array<i32>} : memref<64x128xf32, #tpu.memory_space<vmem>>, vector<16xf32>,
        %parallel_loop3A_296 = arith.index_cast %parallel_loop3A_275 : i32 to index
        %parallel_loop3A_297 = arith.constant 16 : index
        %parallel_loop3A_298 = tpu.vector_load %arg23[%parallel_loop3A_296, %parallel_loop3A_297] {strides = array<i32>} : memref<128x128xf32, #tpu.memory_space<vmem>>, vector<16xf32>,
        %parallel_loop3A_299 = arith.mulf %parallel_loop3A_277, %parallel_loop3A_298 : vector<16xf32>
        %parallel_loop3A_300 = arith.index_cast %parallel_loop3A_275 : i32 to index
        %parallel_loop3A_301 = arith.constant 16 : index
        %parallel_loop3A_302 = tpu.vector_load %arg24[%parallel_loop3A_300, %parallel_loop3A_301] {strides = array<i32>} : memref<128x128xf32, #tpu.memory_space<vmem>>, vector<16xf32>,
        %parallel_loop3A_303 = arith.mulf %parallel_loop3A_279, %parallel_loop3A_302 : vector<16xf32>
        %parallel_loop3A_304 = arith.addf %parallel_loop3A_299, %parallel_loop3A_303 : vector<16xf32>
        %parallel_loop3A_305 = arith.index_cast %parallel_loop3A_283 : i32 to index
        %parallel_loop3A_306 = arith.constant 80 : index
        %parallel_loop3A_307 = tpu.vector_load %arg26[%parallel_loop3A_305, %parallel_loop3A_306] {strides = array<i32>} : memref<64x128xf32, #tpu.memory_space<vmem>>, vector<16xf32>,
        tpu.vector_store %arg26[%parallel_loop3A_305, %parallel_loop3A_306], %parallel_loop3A_304 {strides = array<i32>} : memref<64x128xf32, #tpu.memory_space<vmem>>, vector<16xf32>,
        %parallel_loop3A_308 = arith.index_cast %parallel_loop3A_275 : i32 to index
        %parallel_loop3A_309 = arith.constant 32 : index
        %parallel_loop3A_310 = tpu.vector_load %arg23[%parallel_loop3A_308, %parallel_loop3A_309] {strides = array<i32>} : memref<128x128xf32, #tpu.memory_space<vmem>>, vector<16xf32>,
        %parallel_loop3A_311 = arith.mulf %parallel_loop3A_277, %parallel_loop3A_310 : vector<16xf32>
        %parallel_loop3A_312 = arith.index_cast %parallel_loop3A_275 : i32 to index
        %parallel_loop3A_313 = arith.constant 32 : index
        %parallel_loop3A_314 = tpu.vector_load %arg24[%parallel_loop3A_312, %parallel_loop3A_313] {strides = array<i32>} : memref<128x128xf32, #tpu.memory_space<vmem>>, vector<16xf32>,
        %parallel_loop3A_315 = arith.mulf %parallel_loop3A_279, %parallel_loop3A_314 : vector<16xf32>
        %parallel_loop3A_316 = arith.addf %parallel_loop3A_311, %parallel_loop3A_315 : vector<16xf32>
        %parallel_loop3A_317 = arith.index_cast %parallel_loop3A_283 : i32 to index
        %parallel_loop3A_318 = arith.constant 96 : index
        %parallel_loop3A_319 = tpu.vector_load %arg26[%parallel_loop3A_317, %parallel_loop3A_318] {strides = array<i32>} : memref<64x128xf32, #tpu.memory_space<vmem>>, vector<16xf32>,
        tpu.vector_store %arg26[%parallel_loop3A_317, %parallel_loop3A_318], %parallel_loop3A_316 {strides = array<i32>} : memref<64x128xf32, #tpu.memory_space<vmem>>, vector<16xf32>,
        %parallel_loop3A_320 = arith.index_cast %parallel_loop3A_275 : i32 to index
        %parallel_loop3A_321 = arith.constant 48 : index
        %parallel_loop3A_322 = tpu.vector_load %arg23[%parallel_loop3A_320, %parallel_loop3A_321] {strides = array<i32>} : memref<128x128xf32, #tpu.memory_space<vmem>>, vector<16xf32>,
        %parallel_loop3A_323 = arith.mulf %parallel_loop3A_277, %parallel_loop3A_322 : vector<16xf32>
        %parallel_loop3A_324 = arith.index_cast %parallel_loop3A_275 : i32 to index
        %parallel_loop3A_325 = arith.constant 48 : index
        %parallel_loop3A_326 = tpu.vector_load %arg24[%parallel_loop3A_324, %parallel_loop3A_325] {strides = array<i32>} : memref<128x128xf32, #tpu.memory_space<vmem>>, vector<16xf32>,
        %parallel_loop3A_327 = arith.mulf %parallel_loop3A_279, %parallel_loop3A_326 : vector<16xf32>
        %parallel_loop3A_328 = arith.addf %parallel_loop3A_323, %parallel_loop3A_327 : vector<16xf32>
        %parallel_loop3A_329 = arith.index_cast %parallel_loop3A_283 : i32 to index
        %parallel_loop3A_330 = arith.constant 112 : index
        %parallel_loop3A_331 = tpu.vector_load %arg26[%parallel_loop3A_329, %parallel_loop3A_330] {strides = array<i32>} : memref<64x128xf32, #tpu.memory_space<vmem>>, vector<16xf32>,
        tpu.vector_store %arg26[%parallel_loop3A_329, %parallel_loop3A_330], %parallel_loop3A_328 {strides = array<i32>} : memref<64x128xf32, #tpu.memory_space<vmem>>, vector<16xf32>,
        %parallel_loop3A_332 = arith.constant 4 : i32
        %parallel_loop3A_333 = arith.muli %parallel_loop3A_332, %parallel_loop3A_211 : i32
        %parallel_loop3A_334 = arith.constant 2 : i32
        %parallel_loop3A_335 = arith.addi %parallel_loop3A_333, %parallel_loop3A_334 : i32
        %parallel_loop3A_336 = vector.broadcast %parallel_loop3A_335 : i32 to vector<16xi32>
        %parallel_loop3A_337 = tpu.vector_load_idx %arg19[%parallel_loop3A_336] : memref<128xf32, #tpu.memory_space<vmem>>[vector<16xi32>], vector<16xf32>,
        %parallel_loop3A_338 = vector.broadcast %parallel_loop3A_335 : i32 to vector<16xi32>
        %parallel_loop3A_339 = tpu.vector_load_idx %arg20[%parallel_loop3A_338] : memref<128xf32, #tpu.memory_space<vmem>>[vector<16xi32>], vector<16xf32>,
        %parallel_loop3A_340 = arith.constant 2 : i32
        %parallel_loop3A_341 = arith.muli %parallel_loop3A_340, %parallel_loop3A_211 : i32
        %parallel_loop3A_342 = arith.constant 1 : i32
        %parallel_loop3A_343 = arith.addi %parallel_loop3A_341, %parallel_loop3A_342 : i32
        %parallel_loop3A_344 = arith.index_cast %parallel_loop3A_335 : i32 to index
        %parallel_loop3A_345 = arith.constant 0 : index
        %parallel_loop3A_346 = tpu.vector_load %arg23[%parallel_loop3A_344, %parallel_loop3A_345] {strides = array<i32>} : memref<128x128xf32, #tpu.memory_space<vmem>>, vector<16xf32>,
        %parallel_loop3A_347 = arith.mulf %parallel_loop3A_337, %parallel_loop3A_346 : vector<16xf32>
        %parallel_loop3A_348 = arith.index_cast %parallel_loop3A_335 : i32 to index
        %parallel_loop3A_349 = arith.constant 0 : index
        %parallel_loop3A_350 = tpu.vector_load %arg24[%parallel_loop3A_348, %parallel_loop3A_349] {strides = array<i32>} : memref<128x128xf32, #tpu.memory_space<vmem>>, vector<16xf32>,
        %parallel_loop3A_351 = arith.mulf %parallel_loop3A_339, %parallel_loop3A_350 : vector<16xf32>
        %parallel_loop3A_352 = arith.addf %parallel_loop3A_347, %parallel_loop3A_351 : vector<16xf32>
        %parallel_loop3A_353 = arith.index_cast %parallel_loop3A_343 : i32 to index
        %parallel_loop3A_354 = arith.constant 0 : index
        %parallel_loop3A_355 = tpu.vector_load %arg26[%parallel_loop3A_353, %parallel_loop3A_354] {strides = array<i32>} : memref<64x128xf32, #tpu.memory_space<vmem>>, vector<16xf32>,
        tpu.vector_store %arg26[%parallel_loop3A_353, %parallel_loop3A_354], %parallel_loop3A_352 {strides = array<i32>} : memref<64x128xf32, #tpu.memory_space<vmem>>, vector<16xf32>,
        %parallel_loop3A_356 = arith.index_cast %parallel_loop3A_335 : i32 to index
        %parallel_loop3A_357 = arith.constant 16 : index
        %parallel_loop3A_358 = tpu.vector_load %arg23[%parallel_loop3A_356, %parallel_loop3A_357] {strides = array<i32>} : memref<128x128xf32, #tpu.memory_space<vmem>>, vector<16xf32>,
        %parallel_loop3A_359 = arith.mulf %parallel_loop3A_337, %parallel_loop3A_358 : vector<16xf32>
        %parallel_loop3A_360 = arith.index_cast %parallel_loop3A_335 : i32 to index
        %parallel_loop3A_361 = arith.constant 16 : index
        %parallel_loop3A_362 = tpu.vector_load %arg24[%parallel_loop3A_360, %parallel_loop3A_361] {strides = array<i32>} : memref<128x128xf32, #tpu.memory_space<vmem>>, vector<16xf32>,
        %parallel_loop3A_363 = arith.mulf %parallel_loop3A_339, %parallel_loop3A_362 : vector<16xf32>
        %parallel_loop3A_364 = arith.addf %parallel_loop3A_359, %parallel_loop3A_363 : vector<16xf32>
        %parallel_loop3A_365 = arith.index_cast %parallel_loop3A_343 : i32 to index
        %parallel_loop3A_366 = arith.constant 16 : index
        %parallel_loop3A_367 = tpu.vector_load %arg26[%parallel_loop3A_365, %parallel_loop3A_366] {strides = array<i32>} : memref<64x128xf32, #tpu.memory_space<vmem>>, vector<16xf32>,
        tpu.vector_store %arg26[%parallel_loop3A_365, %parallel_loop3A_366], %parallel_loop3A_364 {strides = array<i32>} : memref<64x128xf32, #tpu.memory_space<vmem>>, vector<16xf32>,
        %parallel_loop3A_368 = arith.index_cast %parallel_loop3A_335 : i32 to index
        %parallel_loop3A_369 = arith.constant 32 : index
        %parallel_loop3A_370 = tpu.vector_load %arg23[%parallel_loop3A_368, %parallel_loop3A_369] {strides = array<i32>} : memref<128x128xf32, #tpu.memory_space<vmem>>, vector<16xf32>,
        %parallel_loop3A_371 = arith.mulf %parallel_loop3A_337, %parallel_loop3A_370 : vector<16xf32>
        %parallel_loop3A_372 = arith.index_cast %parallel_loop3A_335 : i32 to index
        %parallel_loop3A_373 = arith.constant 32 : index
        %parallel_loop3A_374 = tpu.vector_load %arg24[%parallel_loop3A_372, %parallel_loop3A_373] {strides = array<i32>} : memref<128x128xf32, #tpu.memory_space<vmem>>, vector<16xf32>,
        %parallel_loop3A_375 = arith.mulf %parallel_loop3A_339, %parallel_loop3A_374 : vector<16xf32>
        %parallel_loop3A_376 = arith.addf %parallel_loop3A_371, %parallel_loop3A_375 : vector<16xf32>
        %parallel_loop3A_377 = arith.index_cast %parallel_loop3A_343 : i32 to index
        %parallel_loop3A_378 = arith.constant 32 : index
        %parallel_loop3A_379 = tpu.vector_load %arg26[%parallel_loop3A_377, %parallel_loop3A_378] {strides = array<i32>} : memref<64x128xf32, #tpu.memory_space<vmem>>, vector<16xf32>,
        tpu.vector_store %arg26[%parallel_loop3A_377, %parallel_loop3A_378], %parallel_loop3A_376 {strides = array<i32>} : memref<64x128xf32, #tpu.memory_space<vmem>>, vector<16xf32>,
        %parallel_loop3A_380 = arith.index_cast %parallel_loop3A_335 : i32 to index
        %parallel_loop3A_381 = arith.constant 48 : index
        %parallel_loop3A_382 = tpu.vector_load %arg23[%parallel_loop3A_380, %parallel_loop3A_381] {strides = array<i32>} : memref<128x128xf32, #tpu.memory_space<vmem>>, vector<16xf32>,
        %parallel_loop3A_383 = arith.mulf %parallel_loop3A_337, %parallel_loop3A_382 : vector<16xf32>
        %parallel_loop3A_384 = arith.index_cast %parallel_loop3A_335 : i32 to index
        %parallel_loop3A_385 = arith.constant 48 : index
        %parallel_loop3A_386 = tpu.vector_load %arg24[%parallel_loop3A_384, %parallel_loop3A_385] {strides = array<i32>} : memref<128x128xf32, #tpu.memory_space<vmem>>, vector<16xf32>,
        %parallel_loop3A_387 = arith.mulf %parallel_loop3A_339, %parallel_loop3A_386 : vector<16xf32>
        %parallel_loop3A_388 = arith.addf %parallel_loop3A_383, %parallel_loop3A_387 : vector<16xf32>
        %parallel_loop3A_389 = arith.index_cast %parallel_loop3A_343 : i32 to index
        %parallel_loop3A_390 = arith.constant 48 : index
        %parallel_loop3A_391 = tpu.vector_load %arg26[%parallel_loop3A_389, %parallel_loop3A_390] {strides = array<i32>} : memref<64x128xf32, #tpu.memory_space<vmem>>, vector<16xf32>,
        tpu.vector_store %arg26[%parallel_loop3A_389, %parallel_loop3A_390], %parallel_loop3A_388 {strides = array<i32>} : memref<64x128xf32, #tpu.memory_space<vmem>>, vector<16xf32>,
        %parallel_loop3A_392 = arith.constant 4 : i32
        %parallel_loop3A_393 = arith.muli %parallel_loop3A_392, %parallel_loop3A_211 : i32
        %parallel_loop3A_394 = arith.constant 3 : i32
        %parallel_loop3A_395 = arith.addi %parallel_loop3A_393, %parallel_loop3A_394 : i32
        %parallel_loop3A_396 = vector.broadcast %parallel_loop3A_395 : i32 to vector<16xi32>
        %parallel_loop3A_397 = tpu.vector_load_idx %arg19[%parallel_loop3A_396] : memref<128xf32, #tpu.memory_space<vmem>>[vector<16xi32>], vector<16xf32>,
        %parallel_loop3A_398 = vector.broadcast %parallel_loop3A_395 : i32 to vector<16xi32>
        %parallel_loop3A_399 = tpu.vector_load_idx %arg20[%parallel_loop3A_398] : memref<128xf32, #tpu.memory_space<vmem>>[vector<16xi32>], vector<16xf32>,
        %parallel_loop3A_400 = arith.constant 2 : i32
        %parallel_loop3A_401 = arith.muli %parallel_loop3A_400, %parallel_loop3A_211 : i32
        %parallel_loop3A_402 = arith.constant 1 : i32
        %parallel_loop3A_403 = arith.addi %parallel_loop3A_401, %parallel_loop3A_402 : i32
        %parallel_loop3A_404 = arith.index_cast %parallel_loop3A_395 : i32 to index
        %parallel_loop3A_405 = arith.constant 0 : index
        %parallel_loop3A_406 = tpu.vector_load %arg23[%parallel_loop3A_404, %parallel_loop3A_405] {strides = array<i32>} : memref<128x128xf32, #tpu.memory_space<vmem>>, vector<16xf32>,
        %parallel_loop3A_407 = arith.mulf %parallel_loop3A_397, %parallel_loop3A_406 : vector<16xf32>
        %parallel_loop3A_408 = arith.index_cast %parallel_loop3A_395 : i32 to index
        %parallel_loop3A_409 = arith.constant 0 : index
        %parallel_loop3A_410 = tpu.vector_load %arg24[%parallel_loop3A_408, %parallel_loop3A_409] {strides = array<i32>} : memref<128x128xf32, #tpu.memory_space<vmem>>, vector<16xf32>,
        %parallel_loop3A_411 = arith.mulf %parallel_loop3A_399, %parallel_loop3A_410 : vector<16xf32>
        %parallel_loop3A_412 = arith.addf %parallel_loop3A_407, %parallel_loop3A_411 : vector<16xf32>
        %parallel_loop3A_413 = arith.index_cast %parallel_loop3A_403 : i32 to index
        %parallel_loop3A_414 = arith.constant 64 : index
        %parallel_loop3A_415 = tpu.vector_load %arg26[%parallel_loop3A_413, %parallel_loop3A_414] {strides = array<i32>} : memref<64x128xf32, #tpu.memory_space<vmem>>, vector<16xf32>,
        tpu.vector_store %arg26[%parallel_loop3A_413, %parallel_loop3A_414], %parallel_loop3A_412 {strides = array<i32>} : memref<64x128xf32, #tpu.memory_space<vmem>>, vector<16xf32>,
        %parallel_loop3A_416 = arith.index_cast %parallel_loop3A_395 : i32 to index
        %parallel_loop3A_417 = arith.constant 16 : index
        %parallel_loop3A_418 = tpu.vector_load %arg23[%parallel_loop3A_416, %parallel_loop3A_417] {strides = array<i32>} : memref<128x128xf32, #tpu.memory_space<vmem>>, vector<16xf32>,
        %parallel_loop3A_419 = arith.mulf %parallel_loop3A_397, %parallel_loop3A_418 : vector<16xf32>
        %parallel_loop3A_420 = arith.index_cast %parallel_loop3A_395 : i32 to index
        %parallel_loop3A_421 = arith.constant 16 : index
        %parallel_loop3A_422 = tpu.vector_load %arg24[%parallel_loop3A_420, %parallel_loop3A_421] {strides = array<i32>} : memref<128x128xf32, #tpu.memory_space<vmem>>, vector<16xf32>,
        %parallel_loop3A_423 = arith.mulf %parallel_loop3A_399, %parallel_loop3A_422 : vector<16xf32>
        %parallel_loop3A_424 = arith.addf %parallel_loop3A_419, %parallel_loop3A_423 : vector<16xf32>
        %parallel_loop3A_425 = arith.index_cast %parallel_loop3A_403 : i32 to index
        %parallel_loop3A_426 = arith.constant 80 : index
        %parallel_loop3A_427 = tpu.vector_load %arg26[%parallel_loop3A_425, %parallel_loop3A_426] {strides = array<i32>} : memref<64x128xf32, #tpu.memory_space<vmem>>, vector<16xf32>,
        tpu.vector_store %arg26[%parallel_loop3A_425, %parallel_loop3A_426], %parallel_loop3A_424 {strides = array<i32>} : memref<64x128xf32, #tpu.memory_space<vmem>>, vector<16xf32>,
        %parallel_loop3A_428 = arith.index_cast %parallel_loop3A_395 : i32 to index
        %parallel_loop3A_429 = arith.constant 32 : index
        %parallel_loop3A_430 = tpu.vector_load %arg23[%parallel_loop3A_428, %parallel_loop3A_429] {strides = array<i32>} : memref<128x128xf32, #tpu.memory_space<vmem>>, vector<16xf32>,
        %parallel_loop3A_431 = arith.mulf %parallel_loop3A_397, %parallel_loop3A_430 : vector<16xf32>
        %parallel_loop3A_432 = arith.index_cast %parallel_loop3A_395 : i32 to index
        %parallel_loop3A_433 = arith.constant 32 : index
        %parallel_loop3A_434 = tpu.vector_load %arg24[%parallel_loop3A_432, %parallel_loop3A_433] {strides = array<i32>} : memref<128x128xf32, #tpu.memory_space<vmem>>, vector<16xf32>,
        %parallel_loop3A_435 = arith.mulf %parallel_loop3A_399, %parallel_loop3A_434 : vector<16xf32>
        %parallel_loop3A_436 = arith.addf %parallel_loop3A_431, %parallel_loop3A_435 : vector<16xf32>
        %parallel_loop3A_437 = arith.index_cast %parallel_loop3A_403 : i32 to index
        %parallel_loop3A_438 = arith.constant 96 : index
        %parallel_loop3A_439 = tpu.vector_load %arg26[%parallel_loop3A_437, %parallel_loop3A_438] {strides = array<i32>} : memref<64x128xf32, #tpu.memory_space<vmem>>, vector<16xf32>,
        tpu.vector_store %arg26[%parallel_loop3A_437, %parallel_loop3A_438], %parallel_loop3A_436 {strides = array<i32>} : memref<64x128xf32, #tpu.memory_space<vmem>>, vector<16xf32>,
        %parallel_loop3A_440 = arith.index_cast %parallel_loop3A_395 : i32 to index
        %parallel_loop3A_441 = arith.constant 48 : index
        %parallel_loop3A_442 = tpu.vector_load %arg23[%parallel_loop3A_440, %parallel_loop3A_441] {strides = array<i32>} : memref<128x128xf32, #tpu.memory_space<vmem>>, vector<16xf32>,
        %parallel_loop3A_443 = arith.mulf %parallel_loop3A_397, %parallel_loop3A_442 : vector<16xf32>
        %parallel_loop3A_444 = arith.index_cast %parallel_loop3A_395 : i32 to index
        %parallel_loop3A_445 = arith.constant 48 : index
        %parallel_loop3A_446 = tpu.vector_load %arg24[%parallel_loop3A_444, %parallel_loop3A_445] {strides = array<i32>} : memref<128x128xf32, #tpu.memory_space<vmem>>, vector<16xf32>,
        %parallel_loop3A_447 = arith.mulf %parallel_loop3A_399, %parallel_loop3A_446 : vector<16xf32>
        %parallel_loop3A_448 = arith.addf %parallel_loop3A_443, %parallel_loop3A_447 : vector<16xf32>
        %parallel_loop3A_449 = arith.index_cast %parallel_loop3A_403 : i32 to index
        %parallel_loop3A_450 = arith.constant 112 : index
        %parallel_loop3A_451 = tpu.vector_load %arg26[%parallel_loop3A_449, %parallel_loop3A_450] {strides = array<i32>} : memref<64x128xf32, #tpu.memory_space<vmem>>, vector<16xf32>,
        tpu.vector_store %arg26[%parallel_loop3A_449, %parallel_loop3A_450], %parallel_loop3A_448 {strides = array<i32>} : memref<64x128xf32, #tpu.memory_space<vmem>>, vector<16xf32>,
      } {sc.loop_unroll_factor = 4 : i64, sc.parallel_access}
      %parallel_loop3A_180 = arith.constant 0 : i32
      %parallel_loop3A_181 = arith.constant 8 : i32
      %parallel_loop3A_182 = arith.constant 1 : i32
      scf.for %parallel_loop3A_211 = %parallel_loop3A_180 to %parallel_loop3A_181 step %parallel_loop3A_182  : i32 {
        %parallel_loop3A_212 = arith.constant 16 : i32
        %parallel_loop3A_213 = arith.muli %parallel_loop3A_212, %parallel_loop3A_211 : i32
        %parallel_loop3A_214 = arith.index_cast %parallel_loop3A_213 : i32 to index
        %parallel_loop3A_215 = tpu.vector_load %arg19[%parallel_loop3A_214] {strides = array<i32>} : memref<128xf32, #tpu.memory_space<vmem>>, vector<16xf32>,
        %parallel_loop3A_216 = arith.index_cast %parallel_loop3A_213 : i32 to index
        %parallel_loop3A_217 = tpu.vector_load %arg29[%parallel_loop3A_216] {strides = array<i32>} : memref<128xf32, #tpu.memory_space<vmem>>, vector<16xf32>,
        tpu.vector_store %arg29[%parallel_loop3A_216], %parallel_loop3A_215 {strides = array<i32>} : memref<128xf32, #tpu.memory_space<vmem>>, vector<16xf32>,
        %parallel_loop3A_218 = arith.index_cast %parallel_loop3A_213 : i32 to index
        %parallel_loop3A_219 = tpu.vector_load %arg20[%parallel_loop3A_218] {strides = array<i32>} : memref<128xf32, #tpu.memory_space<vmem>>, vector<16xf32>,
        %parallel_loop3A_220 = arith.index_cast %parallel_loop3A_213 : i32 to index
        %parallel_loop3A_221 = tpu.vector_load %arg30[%parallel_loop3A_220] {strides = array<i32>} : memref<128xf32, #tpu.memory_space<vmem>>, vector<16xf32>,
        tpu.vector_store %arg30[%parallel_loop3A_220], %parallel_loop3A_219 {strides = array<i32>} : memref<128xf32, #tpu.memory_space<vmem>>, vector<16xf32>,
      } {sc.loop_unroll_factor = 2 : i64, sc.parallel_access}
      %ge3A_183 = arith.constant 2 : i32
      %ge3A_184 = arith.cmpi sge, %add3A_160, %ge3A_183 : i32
      %convert_element_type3A_185 = arith.extui %ge3A_184 : i1 to i32
      %cond3A_186 = arith.constant 0 : i32
      %cond3A_187 = arith.cmpi ne, %convert_element_type3A_185, %cond3A_186 : i32
      scf.if %cond3A_187 {
        %mul3A_211 = arith.constant 13312 : i32
        %mul3A_212 = arith.muli %add3A, %mul3A_211 : i32
        %mul3A_213 = arith.constant 0 : i32
        %mul3A_214 = arith.constant 128 : i32
        %mul3A_215 = arith.muli %mul3A_213, %mul3A_214 : i32
        %add3A_216 = arith.addi %mul3A_212, %mul3A_215 : i32
        %mul3A_217 = arith.constant 6656 : i32
        %mul3A_218 = arith.muli %add3A, %mul3A_217 : i32
        %mul3A_219 = arith.constant 0 : i32
        %mul3A_220 = arith.constant 64 : i32
        %mul3A_221 = arith.muli %mul3A_219, %mul3A_220 : i32
        %add3A_222 = arith.addi %mul3A_218, %mul3A_221 : i32
        %dma_wait3A_223 = arith.constant 0 : i32
        %dma_wait3A_224 = tpu.memref_slice %arg8[%add3A_222, %dma_wait3A_223] : memref<212992x128xf32, #tpu.memory_space<hbm>> -> memref<64x128xf32, #tpu.memory_space<hbm>>
        %dma_wait3A_225 = arith.constant 0 : i32
        %dma_wait3A_226 = tpu.memref_slice %arg8[%add3A_222, %dma_wait3A_225] : memref<212992x128xf32, #tpu.memory_space<hbm>> -> memref<64x128xf32, #tpu.memory_space<hbm>>
        tpu.wait_dma2 semaphore(%arg36 : memref<!tpu.dma_semaphore, #tpu.memory_space<semaphore_mem>>) src(%arg25 : memref<64x128xf32, #tpu.memory_space<vmem>>) dst(%dma_wait3A_226 : memref<64x128xf32, #tpu.memory_space<hbm>>)
        %dma_wait3A_227 = tpu.memref_slice %arg9[%add3A_216] : memref<425984xf32, #tpu.memory_space<hbm>> -> memref<128xf32, #tpu.memory_space<hbm>>
        %dma_wait3A_228 = tpu.memref_slice %arg9[%add3A_216] : memref<425984xf32, #tpu.memory_space<hbm>> -> memref<128xf32, #tpu.memory_space<hbm>>
        tpu.wait_dma2 semaphore(%arg36 : memref<!tpu.dma_semaphore, #tpu.memory_space<semaphore_mem>>) src(%arg27 : memref<128xf32, #tpu.memory_space<vmem>>) dst(%dma_wait3A_228 : memref<128xf32, #tpu.memory_space<hbm>>)
        %dma_wait3A_229 = tpu.memref_slice %arg10[%add3A_216] : memref<425984xf32, #tpu.memory_space<hbm>> -> memref<128xf32, #tpu.memory_space<hbm>>
        %dma_wait3A_230 = tpu.memref_slice %arg10[%add3A_216] : memref<425984xf32, #tpu.memory_space<hbm>> -> memref<128xf32, #tpu.memory_space<hbm>>
        tpu.wait_dma2 semaphore(%arg36 : memref<!tpu.dma_semaphore, #tpu.memory_space<semaphore_mem>>) src(%arg28 : memref<128xf32, #tpu.memory_space<vmem>>) dst(%dma_wait3A_230 : memref<128xf32, #tpu.memory_space<hbm>>)
      } else {
      }
      %mul3A_188 = arith.constant 13312 : i32
      %mul3A_189 = arith.muli %add3A, %mul3A_188 : i32
      %mul3A_190 = arith.constant 128 : i32
      %mul3A_191 = arith.muli %add3A_160, %mul3A_190 : i32
      %add3A_192 = arith.addi %mul3A_189, %mul3A_191 : i32
      %mul3A_193 = arith.constant 6656 : i32
      %mul3A_194 = arith.muli %add3A, %mul3A_193 : i32
      %mul3A_195 = arith.constant 64 : i32
      %mul3A_196 = arith.muli %add3A_160, %mul3A_195 : i32
      %add3A_197 = arith.addi %mul3A_194, %mul3A_196 : i32
      %dma_start3A_198 = arith.constant 0 : i32
      %dma_start3A_199 = tpu.memref_slice %arg8[%add3A_197, %dma_start3A_198] : memref<212992x128xf32, #tpu.memory_space<hbm>> -> memref<64x128xf32, #tpu.memory_space<hbm>>
      %dma_start3A_200 = arith.constant 0 : i32
      %dma_start3A_201 = tpu.memref_slice %arg8[%add3A_197, %dma_start3A_200] : memref<212992x128xf32, #tpu.memory_space<hbm>> -> memref<64x128xf32, #tpu.memory_space<hbm>>
      tpu.enqueue_dma source(%arg26 : memref<64x128xf32, #tpu.memory_space<vmem>>) target(%dma_start3A_201 : memref<64x128xf32, #tpu.memory_space<hbm>>) target_semaphore(%arg36 : memref<!tpu.dma_semaphore, #tpu.memory_space<semaphore_mem>>)
      %dma_start3A_202 = tpu.memref_slice %arg9[%add3A_192] : memref<425984xf32, #tpu.memory_space<hbm>> -> memref<128xf32, #tpu.memory_space<hbm>>
      %dma_start3A_203 = tpu.memref_slice %arg9[%add3A_192] : memref<425984xf32, #tpu.memory_space<hbm>> -> memref<128xf32, #tpu.memory_space<hbm>>
      tpu.enqueue_dma source(%arg29 : memref<128xf32, #tpu.memory_space<vmem>>) target(%dma_start3A_203 : memref<128xf32, #tpu.memory_space<hbm>>) target_semaphore(%arg36 : memref<!tpu.dma_semaphore, #tpu.memory_space<semaphore_mem>>)
      %dma_start3A_204 = tpu.memref_slice %arg10[%add3A_192] : memref<425984xf32, #tpu.memory_space<hbm>> -> memref<128xf32, #tpu.memory_space<hbm>>
      %dma_start3A_205 = tpu.memref_slice %arg10[%add3A_192] : memref<425984xf32, #tpu.memory_space<hbm>> -> memref<128xf32, #tpu.memory_space<hbm>>
      tpu.enqueue_dma source(%arg30 : memref<128xf32, #tpu.memory_space<vmem>>) target(%dma_start3A_205 : memref<128xf32, #tpu.memory_space<hbm>>) target_semaphore(%arg36 : memref<!tpu.dma_semaphore, #tpu.memory_space<semaphore_mem>>)
      %lt3A_206 = arith.constant 102 : i32
      %lt3A_207 = arith.cmpi slt, %add3A_160, %lt3A_206 : i32
      %convert_element_type3A_208 = arith.extui %lt3A_207 : i1 to i32
      %cond3A_209 = arith.constant 0 : i32
      %cond3A_210 = arith.cmpi ne, %convert_element_type3A_208, %cond3A_209 : i32
      scf.if %cond3A_210 {
        %mul3A_211 = arith.constant 13312 : i32
        %mul3A_212 = arith.muli %add3A, %mul3A_211 : i32
        %mul3A_213 = arith.constant 0 : i32
        %mul3A_214 = arith.constant 128 : i32
        %mul3A_215 = arith.muli %mul3A_213, %mul3A_214 : i32
        %add3A_216 = arith.addi %mul3A_212, %mul3A_215 : i32
        %dma_wait3A_217 = tpu.memref_slice %arg2[%add3A_216] : memref<425984xi32, #tpu.memory_space<hbm>> -> memref<128xi32, #tpu.memory_space<hbm>>
        %dma_wait3A_218 = tpu.memref_slice %arg2[%add3A_216] : memref<425984xi32, #tpu.memory_space<hbm>> -> memref<128xi32, #tpu.memory_space<hbm>>
        tpu.wait_dma2 semaphore(%arg31 : memref<!tpu.dma_semaphore, #tpu.memory_space<semaphore_mem>>) src(%dma_wait3A_218 : memref<128xi32, #tpu.memory_space<hbm>>) dst(%arg12 : memref<128xi32, #tpu.memory_space<vmem>>)
        %dma_start3A_219 = arith.constant 0 : i32
        %dma_start3A_220 = tpu.memref_slice %arg3[%dma_start3A_219] : memref<1000000xi32, #tpu.memory_space<hbm>> -> memref<1000000xi32, #tpu.memory_space<hbm>>
        tpu.enqueue_indirect_dma source(%dma_start3A_220 : memref<1000000xi32, #tpu.memory_space<hbm>>) target(%arg17 : memref<128xi32, #tpu.memory_space<vmem>>) offsets(%arg12 : memref<128xi32, #tpu.memory_space<vmem>>) semaphore(%arg32 : memref<!tpu.dma_semaphore, #tpu.memory_space<semaphore_mem>>)
        %dma_start3A_221 = arith.constant 0 : i32
        %dma_start3A_222 = tpu.memref_slice %arg4[%dma_start3A_221] : memref<1000000xi32, #tpu.memory_space<hbm>> -> memref<1000000xi32, #tpu.memory_space<hbm>>
        tpu.enqueue_indirect_dma source(%dma_start3A_222 : memref<1000000xi32, #tpu.memory_space<hbm>>) target(%arg18 : memref<128xi32, #tpu.memory_space<vmem>>) offsets(%arg12 : memref<128xi32, #tpu.memory_space<vmem>>) semaphore(%arg32 : memref<!tpu.dma_semaphore, #tpu.memory_space<semaphore_mem>>)
        %dma_start3A_223 = arith.constant 0 : i32
        %dma_start3A_224 = tpu.memref_slice %arg6[%dma_start3A_223] : memref<1000000xf32, #tpu.memory_space<hbm>> -> memref<1000000xf32, #tpu.memory_space<hbm>>
        tpu.enqueue_indirect_dma source(%dma_start3A_224 : memref<1000000xf32, #tpu.memory_space<hbm>>) target(%arg19 : memref<128xf32, #tpu.memory_space<vmem>>) offsets(%arg12 : memref<128xi32, #tpu.memory_space<vmem>>) semaphore(%arg32 : memref<!tpu.dma_semaphore, #tpu.memory_space<semaphore_mem>>)
        %dma_start3A_225 = arith.constant 0 : i32
        %dma_start3A_226 = tpu.memref_slice %arg7[%dma_start3A_225] : memref<1000000xf32, #tpu.memory_space<hbm>> -> memref<1000000xf32, #tpu.memory_space<hbm>>
        tpu.enqueue_indirect_dma source(%dma_start3A_226 : memref<1000000xf32, #tpu.memory_space<hbm>>) target(%arg20 : memref<128xf32, #tpu.memory_space<vmem>>) offsets(%arg12 : memref<128xi32, #tpu.memory_space<vmem>>) semaphore(%arg32 : memref<!tpu.dma_semaphore, #tpu.memory_space<semaphore_mem>>)
      } else {
      }
    }
    %mul3A_71 = arith.constant 13312 : i32
    %mul3A_72 = arith.muli %add3A, %mul3A_71 : i32
    %mul3A_73 = arith.constant 0 : i32
    %mul3A_74 = arith.constant 128 : i32
    %mul3A_75 = arith.muli %mul3A_73, %mul3A_74 : i32
    %add3A_76 = arith.addi %mul3A_72, %mul3A_75 : i32
    %mul3A_77 = arith.constant 6656 : i32
    %mul3A_78 = arith.muli %add3A, %mul3A_77 : i32
    %mul3A_79 = arith.constant 0 : i32
    %mul3A_80 = arith.constant 64 : i32
    %mul3A_81 = arith.muli %mul3A_79, %mul3A_80 : i32
    %add3A_82 = arith.addi %mul3A_78, %mul3A_81 : i32
    %dma_wait3A_83 = arith.constant 0 : i32
    %dma_wait3A_84 = tpu.memref_slice %arg8[%add3A_82, %dma_wait3A_83] : memref<212992x128xf32, #tpu.memory_space<hbm>> -> memref<64x128xf32, #tpu.memory_space<hbm>>
    %dma_wait3A_85 = arith.constant 0 : i32
    %dma_wait3A_86 = tpu.memref_slice %arg8[%add3A_82, %dma_wait3A_85] : memref<212992x128xf32, #tpu.memory_space<hbm>> -> memref<64x128xf32, #tpu.memory_space<hbm>>
    tpu.wait_dma2 semaphore(%arg35 : memref<!tpu.dma_semaphore, #tpu.memory_space<semaphore_mem>>) src(%arg25 : memref<64x128xf32, #tpu.memory_space<vmem>>) dst(%dma_wait3A_86 : memref<64x128xf32, #tpu.memory_space<hbm>>)
    %dma_wait3A_87 = tpu.memref_slice %arg9[%add3A_76] : memref<425984xf32, #tpu.memory_space<hbm>> -> memref<128xf32, #tpu.memory_space<hbm>>
    %dma_wait3A_88 = tpu.memref_slice %arg9[%add3A_76] : memref<425984xf32, #tpu.memory_space<hbm>> -> memref<128xf32, #tpu.memory_space<hbm>>
    tpu.wait_dma2 semaphore(%arg35 : memref<!tpu.dma_semaphore, #tpu.memory_space<semaphore_mem>>) src(%arg27 : memref<128xf32, #tpu.memory_space<vmem>>) dst(%dma_wait3A_88 : memref<128xf32, #tpu.memory_space<hbm>>)
    %dma_wait3A_89 = tpu.memref_slice %arg10[%add3A_76] : memref<425984xf32, #tpu.memory_space<hbm>> -> memref<128xf32, #tpu.memory_space<hbm>>
    %dma_wait3A_90 = tpu.memref_slice %arg10[%add3A_76] : memref<425984xf32, #tpu.memory_space<hbm>> -> memref<128xf32, #tpu.memory_space<hbm>>
    tpu.wait_dma2 semaphore(%arg35 : memref<!tpu.dma_semaphore, #tpu.memory_space<semaphore_mem>>) src(%arg28 : memref<128xf32, #tpu.memory_space<vmem>>) dst(%dma_wait3A_90 : memref<128xf32, #tpu.memory_space<hbm>>)
    %mul3A_91 = arith.constant 13312 : i32
    %mul3A_92 = arith.muli %add3A, %mul3A_91 : i32
    %mul3A_93 = arith.constant 0 : i32
    %mul3A_94 = arith.constant 128 : i32
    %mul3A_95 = arith.muli %mul3A_93, %mul3A_94 : i32
    %add3A_96 = arith.addi %mul3A_92, %mul3A_95 : i32
    %mul3A_97 = arith.constant 6656 : i32
    %mul3A_98 = arith.muli %add3A, %mul3A_97 : i32
    %mul3A_99 = arith.constant 0 : i32
    %mul3A_100 = arith.constant 64 : i32
    %mul3A_101 = arith.muli %mul3A_99, %mul3A_100 : i32
    %add3A_102 = arith.addi %mul3A_98, %mul3A_101 : i32
    %dma_wait3A_103 = arith.constant 0 : i32
    %dma_wait3A_104 = tpu.memref_slice %arg8[%add3A_102, %dma_wait3A_103] : memref<212992x128xf32, #tpu.memory_space<hbm>> -> memref<64x128xf32, #tpu.memory_space<hbm>>
    %dma_wait3A_105 = arith.constant 0 : i32
    %dma_wait3A_106 = tpu.memref_slice %arg8[%add3A_102, %dma_wait3A_105] : memref<212992x128xf32, #tpu.memory_space<hbm>> -> memref<64x128xf32, #tpu.memory_space<hbm>>
    tpu.wait_dma2 semaphore(%arg36 : memref<!tpu.dma_semaphore, #tpu.memory_space<semaphore_mem>>) src(%arg25 : memref<64x128xf32, #tpu.memory_space<vmem>>) dst(%dma_wait3A_106 : memref<64x128xf32, #tpu.memory_space<hbm>>)
    %dma_wait3A_107 = tpu.memref_slice %arg9[%add3A_96] : memref<425984xf32, #tpu.memory_space<hbm>> -> memref<128xf32, #tpu.memory_space<hbm>>
    %dma_wait3A_108 = tpu.memref_slice %arg9[%add3A_96] : memref<425984xf32, #tpu.memory_space<hbm>> -> memref<128xf32, #tpu.memory_space<hbm>>
    tpu.wait_dma2 semaphore(%arg36 : memref<!tpu.dma_semaphore, #tpu.memory_space<semaphore_mem>>) src(%arg27 : memref<128xf32, #tpu.memory_space<vmem>>) dst(%dma_wait3A_108 : memref<128xf32, #tpu.memory_space<hbm>>)
    %dma_wait3A_109 = tpu.memref_slice %arg10[%add3A_96] : memref<425984xf32, #tpu.memory_space<hbm>> -> memref<128xf32, #tpu.memory_space<hbm>>
    %dma_wait3A_110 = tpu.memref_slice %arg10[%add3A_96] : memref<425984xf32, #tpu.memory_space<hbm>> -> memref<128xf32, #tpu.memory_space<hbm>>
    tpu.wait_dma2 semaphore(%arg36 : memref<!tpu.dma_semaphore, #tpu.memory_space<semaphore_mem>>) src(%arg28 : memref<128xf32, #tpu.memory_space<vmem>>) dst(%dma_wait3A_110 : memref<128xf32, #tpu.memory_space<hbm>>)
    return
  }
}

</mosaic_0001>

<sc_bundles>
// kernel: kernel.3.cloned.1.call-start
scs
__scs_entry_jumppad:
0x0: {  	(pc) =	sbr.rel $0x88, $3  }
0x1: {  	(tag) =	ssettag $0x0;
	lr =	simm.s32 $0x1  }
0x2: {  	[smem:$0x3F9E] =	sst lr;
	_ =	strace $0xD0000000  }
0x3: {  	_ = 	snop  }
0x4: {  	_ = 	snop  }
0x5: {  	_ = 	snop  }
0x6: {  	_ = 	snop  }
0x7: {  	_ = 	snop  }
__scs_overlays_trampoline_lowered:
0x8: {  	[smem:$0x3FAD] =	sst s0  }
0x9: {  	[smem:$0x3FAE] =	sst s1  }
0xa: {  	[smem:$0x3FAF] =	sst s2  }
0xb: {  	[smem:$0x3FB0] =	sst s3  }
0xc: {  	[smem:$0x3FB1] =	sst s4  }
0xd: {  	[smem:$0x3FB2] =	sst s5  }
0xe: {  	[smem:$0x3FB3] =	sst s6  }
0xf: {  	[smem:$0x3FB4] =	sst s7  }
0x10: {  	[smem:$0x3FB5] =	sst s8  }
0x11: {  	[smem:$0x3FB6] =	sst s9;
	s0 =	simm.s32 @!p0 $0x0  }
0x12: {  	s1 =	sld [smem:$0x3F9C];
	s0 =	simm.s32 @p0 $0x1  }
0x13: {  	[smem:$0x3FB7] =	sst s0;
	s0 =	simm.s32 @!p1 $0x0  }
0x14: {  	s2 =	sld [smem:$0x3F9B];
	s0 =	simm.s32 @p1 $0x1  }
0x15: {  	[smem:$0x3FB8] =	sst s0;
	s0 =	simm.s32 @!p2 $0x0  }
0x16: {  	s3 =	sld [smem:$0x3FDB];
	s0 =	simm.s32 @p2 $0x1  }
0x17: {  	s4 =	simm.s32 $0x1BF5;
	[smem:$0x3FBA] =	sst s0  }
0x18: {  	s0 =	sld [smem:$0x3F9D];
	_ =	swait.ge [sflag:s4], $0x0  }
0x19: {  	s7 =	sld [smem:$0x3F9E]  }
0x1a: {  	s8 =	sadd.s32 $0xFFFFE003, lr  }
0x1b: {  	s9 =	sadd.s32 $0xFFFFFEF7, lr;
	s5 =	simm.s32 $0xFFFFFFFF;
	p2 =	slt.u32 s8, $0xFFFFF086  }
0x1c: {  	p1 =	slt.u32 s9, $0xF7A;
	s5 =	simm.s32 @!p2 $0x0  }
0x1d: {  	s5 =	simm.s32 @p1 $0x1;
	p0 =	seq.s32 s7, s2  }
0x1e: {  	s7 =	smul.u32 @!p0 $0xF7A, s2;
	p2 =	seq.s32 @!p0 s5, $0x0  }
0x1f: {  	s9 =	smul.u32 $0xF7A, s1;
	s8 =	simm.s32 @!p0 $0x1BF5;
	p2 =	por !p2, p0  }
0x20: {  	[sflag:s8] =	ssyncset.s32 @!p0 $0xFFFFF086;
	s6 =	sadd.s32 @!p0 s3, s7;
	s7 =	simm.s32 @!p0 $0x108  }
0x21: {  	s3 =	sadd.s32 s3, s9;
	s6 =	sadd.s32 @!p0 $0x88, s6;
	s7 =	simm.s32 @p2 $0x1082  }
0x22: {  	[simem:s7], [sflag:s8] =	dma.local @!p0 [hbm:s6], $0xF7A  }
0x23: {  	s9 =	sor.u32 $0xD0000000, s2;
	s6 =	simm.s32 $0x108;
	_ =	swait.ge @!p0 [sflag:s8], $0x0  }
0x24: {  	s3 =	sadd.s32 $0x88, s3;
	s6 =	simm.s32 @!p1 $0x1082;
	[sflag:s4] =	ssyncset.s32 $0xFFFFF086  }
0x25: {  	[simem:s6], [sflag:s4] =	dma.local [hbm:s3], $0xF7A  }
0x26: {  	[smem:$0x3F9E] =	sst s1;
	(tag) =	ssettag s2;
	_ =	strace s9  }
0x27: {  	s1 =	sld [smem:$0x3FAE]  }
0x28: {  	s2 =	sld [smem:$0x3FAF]  }
0x29: {  	s4 =	sld [smem:$0x3FB1]  }
0x2a: {  	p0 =	seq.s32 s5, $0x0;
	s5 =	sld [smem:$0x3FB2]  }
0x2b: {  	s6 =	sld [smem:$0x3FB3]  }
0x2c: {  	s7 =	sld [smem:$0x3FB4]  }
0x2d: {  	s3 =	simm.s32 $0x108;
	s8 =	sld [smem:$0x3FB5]  }
0x2e: {  	s3 =	simm.s32 @!p0 $0x1082;
	s9 =	sld [smem:$0x3FB6]  }
0x2f: {  	lr =	sadd.s32 s0, s3;
	s0 =	sld [smem:$0x3FAD]  }
0x30: {  	s3 =	sld [smem:$0x3FB0]  }
0x31: {  	[smem:$0x3FB9] =	sst s10  }
0x32: {  	s10 =	sld [smem:$0x3FB7];
	_ =	sdelay $0x3  }
0x33: {  	p0 =	seq.s32 s10, $0x1;
	s10 =	sld [smem:$0x3FB9];
	_ =	sdelay $0x3  }
0x34: {  	[smem:$0x3FB9] =	sst s10  }
0x35: {  	s10 =	sld [smem:$0x3FB8];
	_ =	sdelay $0x3  }
0x36: {  	p1 =	seq.s32 s10, $0x1;
	s10 =	sld [smem:$0x3FB9];
	_ =	sdelay $0x3  }
0x37: {  	[smem:$0x3FB9] =	sst s10  }
0x38: {  	s10 =	sld [smem:$0x3FBA]  }
0x39: {  	_ = 	snop;
	(pc) =	sbr.ind lr, $3  }
0x3a: {  	_ = 	snop  }
0x3b: {  	_ = 	snop  }
0x3c: {  	p2 =	seq.s32 s10, $0x1;
	s10 =	sld [smem:$0x3FB9]  }
0x3d: {  	_ =	shalt  }
0x3e: {  	_ =	shalt  }
0x3f: {  	_ =	shalt  }
0x40: {  	_ =	shalt  }
0x41: {  	_ =	shalt  }
0x42: {  	_ =	shalt  }
0x43: {  	_ =	shalt  }
0x44: {  	_ =	shalt  }
0x45: {  	_ =	shalt  }
0x46: {  	_ =	shalt  }
0x47: {  	_ =	shalt  }
0x48: {  	_ =	shalt  }
0x49: {  	_ =	shalt  }
0x4a: {  	_ =	shalt  }
0x4b: {  	_ =	shalt  }
0x4c: {  	_ =	shalt  }
0x4d: {  	_ =	shalt  }
0x4e: {  	_ =	shalt  }
0x4f: {  	_ =	shalt  }
0x50: {  	_ =	shalt  }
0x51: {  	_ =	shalt  }
0x52: {  	_ =	shalt  }
0x53: {  	_ =	shalt  }
0x54: {  	_ =	shalt  }
0x55: {  	_ =	shalt  }
0x56: {  	_ =	shalt  }
0x57: {  	_ =	shalt  }
0x58: {  	_ =	shalt  }
0x59: {  	_ =	shalt  }
0x5a: {  	_ =	shalt  }
0x5b: {  	_ =	shalt  }
0x5c: {  	_ =	shalt  }
0x5d: {  	_ =	shalt  }
0x5e: {  	_ =	shalt  }
0x5f: {  	_ =	shalt  }
0x60: {  	_ =	shalt  }
0x61: {  	_ =	shalt  }
0x62: {  	_ =	shalt  }
0x63: {  	_ =	shalt  }
0x64: {  	_ =	shalt  }
0x65: {  	_ =	shalt  }
0x66: {  	_ =	shalt  }
0x67: {  	_ =	shalt  }
0x68: {  	_ =	shalt  }
0x69: {  	_ =	shalt  }
0x6a: {  	_ =	shalt  }
0x6b: {  	_ =	shalt  }
0x6c: {  	_ =	shalt  }
0x6d: {  	_ =	shalt  }
0x6e: {  	_ =	shalt  }
0x6f: {  	_ =	shalt  }
0x70: {  	_ =	shalt  }
0x71: {  	_ =	shalt  }
0x72: {  	_ =	shalt  }
0x73: {  	_ =	shalt  }
0x74: {  	_ =	shalt  }
0x75: {  	_ =	shalt  }
0x76: {  	_ =	shalt  }
0x77: {  	_ =	shalt  }
0x78: {  	_ =	shalt  }
0x79: {  	_ =	shalt  }
0x7a: {  	_ =	shalt  }
0x7b: {  	_ =	shalt  }
0x7c: {  	_ =	shalt  }
0x7d: {  	_ =	shalt  }
0x7e: {  	_ =	shalt  }
0x7f: {  	_ =	shalt  }
0x80: {  	_ =	shalt  }
0x81: {  	_ =	shalt  }
0x82: {  	_ =	shalt  }
0x83: {  	_ =	shalt  }
0x84: {  	_ =	shalt  }
0x85: {  	_ =	shalt  }
0x86: {  	_ =	shalt  }
0x87: {  	_ =	shalt  }
.Lfunc_end0:
.L_simem_size_0:
called_computation.1_lowered:
.L_overlay_start_0:
0x88: {  	s2 =	sld [smem:$0x3FD9]  }
0x89: {  	s3 =	sld [smem:$0x3FFE];
	_ =	sdelay $0x1  }
0x8a: {  	s1 =	srdreg.scid  }
0x8b: {  	s0 =	sand.u32 $0x1, s1  }
0x8c: {  	s17 =	sshll.u32 s0, $0xA;
	s2 =	sadd.s32 s3, s2  }
0x8d: {  	s2 =	sadd.s32 s2, s17  }
0x8e: {  	[smem:$0x3FC5] =	sst s2  }
0x8f: {  	_ = 	snop  }
0x90: {  	s2 =	sld [smem:$0x3FD0];
	(tm) =	ssettm $0x1  }
0x91: {  	s18 =	sld [smem:$0x3FFB];
	_ =	sdelay $0x3  }
0x92: {  	_ =	strace s18  }
0x93: {  	s3 =	sld [smem:$0x3FFC];
	_ =	sdelay $0x3  }
0x94: {  	_ =	strace s3  }
0x95: {  	s3 =	sld [smem:$0x3FFD];
	_ =	sdelay $0x3  }
0x96: {  	_ =	strace s3  }
0x97: {  	_ =	strace $0x8FFFFFFF  }
0x98: {  	s19 =	sld [smem:$0x3FDB];
	_ =	sdelay $0x1  }
0x99: {  	s4 =	simm.s32 $_scs_section_size  }
0x9a: {  	s5 =	simm.s32 $_size__tile_overlayer_lowered;
	s6 =	simm.s32 $_tile_overlayer_lowered  }
0x9b: {  	s22 =	simm.s32 $0x1BFF;
	s21 =	sshll.u32 s6, $0x1;
	s3 =	sadd.s32 s4, s19  }
0x9c: {  	s7 =	simm.s32 $0x0;
	s20 =	sshll.u32 s5, $0x1;
	s5 =	sadd.s32 s21, s3  }
0x9d: {  	[timem:s7], [sflag:s22] =	dma.local [hbm:s5], s20  }
0x9e: {  	_ =	swait.ge [sflag:s22], s20  }
0x9f: {  	s4 =	ssub.s32 $0x0, s20;
	[sflag:s22] =	ssyncset.done $0x0  }
0xa0: {  	[sflag:s22] =	ssyncadd.s32 s4;
	_ =	sdelay $0x1  }
0xa1: {  	s23 =	simm.s32 $0x1B8B  }
0xa2: {  	_ =	swait.ge [sflag:s23], $0x1  }
0xa3: {  	[sflag:s23] =	ssyncset.done $0x0  }
0xa4: {  	s25 =	simm.s32 $0x1B8E;
	s24 =	sld [smem:$0x3FFE];
	[sflag:s23] =	ssyncadd.s32 $0xFFFFFFFF  }
0xa5: {  	s26 =	simm.s32 $execute0_lowered;
	[smem:$0x3FD2] =	sst s25  }
0xa6: {  	s5 =	sshll.u32 s26, $0x1;
	_ =	strace $0x80000046;
	[dreg:$0x1] =	wrdreg $0xFFFFFFFF  }
0xa7: {  	s28 =	simm.s32 $_size_execute0_lowered;
	s3 =	sadd.s32 s3, s5;
	[dreg:$0x0] =	wrdreg $0x0  }
0xa8: {  	s5 =	sshll.u32 s28, $0x1;
	[dreg:$0x2] =	wrdreg s3  }
0xa9: {  	[dreg:$0x3] =	wrdreg s5  }
0xaa: {  	[dreg:$0x4] =	wrdreg $0xC0  }
0xab: {  	_ =	task [dreg:s7], $0x5FFFF  }
0xac: {  	[dreg:$0x1] =	wrdreg $0xFFFFFFFF  }
0xad: {  	[dreg:$0x0] =	wrdreg $0x60  }
0xae: {  	[dreg:$0x2] =	wrdreg s24  }
0xaf: {  	[dreg:$0x3] =	wrdreg s2  }
0xb0: {  	[dreg:$0x4] =	wrdreg $0x9  }
0xb1: {  	_ =	task.clear_ibuf [dreg:s7], $0x5FFFF;
	_ =	strace $0x90000046  }
0xb2: {  	s29 =	simm.s32 $0x9;
	_ =	strace $0x80000048  }
0xb3: {  	_ =	swait.ge [sflag:s29], $0x1  }
0xb4: {  	[sflag:s29] =	ssyncadd.s32 $0xFFFFFFFF  }
0xb5: {  	_ =	strace $0x90000048  }
0xb6: {  	_ =	sfence  }
0xb7: {  	s30 =	sld [smem:$0x0];
	_ =	sdelay $0x2  }
0xb8: {  	s31 =	sshll.u32 s1, $0xD;
	s1 =	sshrl.u32 s1, $0x2  }
0xb9: {  	s3 =	sand.u32 $0x4000, s31;
	s1 =	sadd.s32 s1, s30  }
0xba: {  	s0 =	sor.u32 s3, s0;
	s1 =	sshll.u32 s1, $0x11  }
0xbb: {  	s0 =	sor.u32 s1, s0  }
0xbc: {  	s0 =	sadd.s32 $0x8F2B, s0  }
0xbd: {  	[sflag:s0] =	ssyncadd.remote.s32 $0x1  }
0xbe: {  	_ =	sfence.sel $0xFFFF  }
0xbf: {  	[dreg:$0x0] =	wrdreg $0xFFFFFFFF;
	(pc) =	sbr.abs _section_cstart, $3  }
0xc0: {  	[dreg:$0x1] =	wrdreg $0xFFFFFFFF  }
0xc1: {  	_ =	task.clear_ibuf [dreg:s7], $0x2FFFF;
	_ =	strace $0x9FFFFFFF  }
0xc2: {  	(tm) =	ssettm $0x7FFFFFFF  }
0xc3: {  	_ =	shalt  }
tec
execute0_lowered:
.L_overlay_start_1:
0x0: {  	(tag) =	ssettag $0x1  }
0x1: {  	s0 =	rddreg [dreg:$0x0]  }
0x2: {  	s9 =	rddreg [dreg:$0x1]  }
0x3: {  	s3 =	simm.s32 $0x0;
	s1 =	srdreg.scid;
	s2 =	stileid.u32  }
0x4: {  	s13 =	simm.s32 $0x300;
	s14 =	simm.s32 $0x380;
	s31 =	simm.s32 $0x400  }
0x5: {  	s18 =	simm.s32 $0x4;
	[smem:$0x7FF] =	sst s3;
	s1 =	sand.u32 $0x1, s1  }
0x6: {  	s2 =	sshll.u32 s2, $0x1;
	s6 =	sadd.s32 $0x1400, s0;
	s4 =	sadd.s32 $0x1F0C00, s0  }
0x7: {  	s20 =	sadd.s32 $0x1D2200, s0;
	_ =	strace $0x80000047;
	[dreg:$0x4] =	wrdreg s4  }
0x8: {  	s8 =	sadd.s32 $0x4B800, s0;
	s21 =	sadd.s32 $0x2CE00, s0;
	[dreg:$0x5] =	wrdreg s20  }
0x9: {  	s22 =	sadd.s32 $0xE400, s0;
	s5 =	sadd.s32 $0x20F600, s0;
	[dreg:$0x6] =	wrdreg s21  }
0xa: {  	s0 =	sadd.s32 $0x21C600, s0;
	s2 =	sor.u32 s1, s2;
	[dreg:$0x7] =	wrdreg s22  }
0xb: {  	s1 =	ssub.s32 $0x2, s1;
	[dreg:$0x8] =	wrdreg s5;
	s10 =	smul.u32 $0x3400, s2  }
0xc: {  	[dreg:$0x3] =	wrdreg s6;
	s24 =	sshrl.u32 s1, $0x1;
	s29 =	smul.u32 $0xD0000, s2  }
0xd: {  	[dreg:$0xa] =	wrdreg s0;
	s20 =	simm.s32 $0x80;
	s25 =	ssub.s32 s1, s24  }
0xe: {  	s24 =	simm.s32 $0x280;
	s28 =	sor.u32 $0x100, s10;
	[dreg:$0xd] =	wrdreg s29  }
.Ltmp0:
0xf: {  	s30 =	sor.u32 $0x180, s10;
	[dreg:$0xc] =	wrdreg s28;
	(pc) =	sbr.rel .LBB2_1-.Ltmp0, $4  }
0x10: {  	s23 =	sshrl.u32 s10, $0x3;
	s0 =	smax.u32 s25, $0x1;
	[dreg:$0xe] =	wrdreg s30  }
0x11: {  	s25 =	simm.s32 $0x2;
	s4 =	sadd.s32 s6, s23;
	[dreg:$0xf] =	wrdreg s0  }
0x12: {  	s23 =	simm.s32 $0x200;
	[dreg:$0x9] =	wrdreg s4;
	s26 =	sadd.s32 $0x10, s4  }
0x13: {  	s0 =	simm.s32 $0x480;
	s4 =	simm.s32 $0x0;
	[dreg:$0xb] =	wrdreg s26  }
.LBB2_12:
0x14: {  	s1 =	simm.s32 $0x5  }
0x15: {  	_ =	swait.ge [sflag:s1], $0x2000  }
0x16: {  	[sflag:s1] =	ssyncset.done $0x0  }
0x17: {  	[sflag:s1] =	ssyncadd.s32 $0xFFFFE000  }
0x18: {  	_ =	swait.ge [sflag:s1], $0x80  }
0x19: {  	[sflag:s1] =	ssyncset.done $0x0  }
0x1a: {  	[sflag:s1] =	ssyncadd.s32 $0xFFFFFF80  }
0x1b: {  	_ =	swait.ge [sflag:s1], $0x80  }
0x1c: {  	[sflag:s1] =	ssyncset.done $0x0  }
0x1d: {  	s2 =	simm.s32 $0x6;
	[sflag:s1] =	ssyncadd.s32 $0xFFFFFF80  }
0x1e: {  	_ =	swait.ge [sflag:s2], $0x2000  }
0x1f: {  	[sflag:s2] =	ssyncset.done $0x0  }
0x20: {  	[sflag:s2] =	ssyncadd.s32 $0xFFFFE000  }
0x21: {  	_ =	swait.ge [sflag:s2], $0x80  }
0x22: {  	[sflag:s2] =	ssyncset.done $0x0  }
0x23: {  	[sflag:s2] =	ssyncadd.s32 $0xFFFFFF80  }
0x24: {  	_ =	swait.ge [sflag:s2], $0x80  }
0x25: {  	s4 =	rddreg [dreg:$0x10]  }
0x26: {  	s30 =	rddreg [dreg:$0xf];
	s4 =	sadd.s32 $0x1, s4  }
0x27: {  	p0 =	sne.s32 s4, s30  }
.Ltmp1:
0x28: {  	_ = 	snop;
	(pc) =	sbr.rel @!p0 .LBB2_13-.Ltmp1, $3  }
0x29: {  	_ =	sdelay $0x1  }
0x2a: {  	[sflag:s2] =	ssyncset.done $0x0  }
0x2b: {  	[sflag:s2] =	ssyncadd.s32 $0xFFFFFF80  }
.LBB2_1:
0x2c: {  	[dreg:$0x10] =	wrdreg s4  }
0x2d: {  	s1 =	rddreg [dreg:$0x9];
	s7 =	simm.s32 $0x1  }
0x2e: {  	[tilespmem:s3], [sflag:$0x1] =	stream.linear.gather [hbm4b:s1+s3], $0x80, $0x38;
	[tilespmem:$0x14700] =	vst v63  }
0x2f: {  	_ =	swait.ge [sflag:s7], $0x80  }
0x30: {  	[sflag:s7] =	ssyncset.done $0x0  }
0x31: {  	s6 =	simm.s32 $0x100;
	s26 =	rddreg [dreg:$0x4];
	[sflag:s7] =	ssyncadd.s32 $0xFFFFFF80  }
0x32: {  	[tilespmem:s6], [sflag:$0x2] =	stream.indirect.gather [hbm4b:s26+s20], $0x1, s3, s20, $0xb8;
	[tilespmem:$0x14700] =	vst v63  }
0x33: {  	s11 =	simm.s32 $0x180;
	s2 =	rddreg [dreg:$0x5]  }
0x34: {  	[tilespmem:s11], [sflag:$0x2] =	stream.indirect.gather [hbm4b:s2+s20], $0x1, s3, s20, $0xb8;
	[tilespmem:$0x14700] =	vst v63  }
0x35: {  	s28 =	rddreg [dreg:$0x6]  }
0x36: {  	[tilespmem:s23], [sflag:$0x2] =	stream.indirect.gather [hbm4b:s28+s20], $0x1, s3, s20, $0xb8;
	[tilespmem:$0x14700] =	vst v63  }
0x37: {  	s5 =	rddreg [dreg:$0x7]  }
0x38: {  	[tilespmem:s24], [sflag:$0x2] =	stream.indirect.gather [hbm4b:s5+s20], $0x1, s3, s20, $0xb8;
	[tilespmem:$0x14700] =	vst v63  }
0x39: {  	_ =	swait.ge [sflag:s25], $0x80  }
0x3a: {  	[sflag:s25] =	ssyncset.done $0x0  }
0x3b: {  	[sflag:s25] =	ssyncadd.s32 $0xFFFFFF80  }
0x3c: {  	_ =	swait.ge [sflag:s25], $0x80  }
0x3d: {  	[sflag:s25] =	ssyncset.done $0x0  }
0x3e: {  	[sflag:s25] =	ssyncadd.s32 $0xFFFFFF80  }
0x3f: {  	_ =	swait.ge [sflag:s25], $0x80  }
0x40: {  	[sflag:s25] =	ssyncset.done $0x0  }
0x41: {  	[sflag:s25] =	ssyncadd.s32 $0xFFFFFF80  }
0x42: {  	_ =	swait.ge [sflag:s25], $0x80  }
0x43: {  	[sflag:s25] =	ssyncset.done $0x0  }
0x44: {  	s12 =	simm.s32 $0x500;
	[sflag:s25] =	ssyncadd.s32 $0xFFFFFF80  }
0x45: {  	[tilespmem:s12], [sflag:$0x3] =	stream.indirect.gather [hbm4b:s8+s20], $0x80, s6, s20, $0xb8;
	[tilespmem:$0x14700] =	vst v63  }
0x46: {  	s29 =	simm.s32 $0x4500  }
0x47: {  	[tilespmem:s29], [sflag:$0x3] =	stream.indirect.gather [hbm4b:s8+s20], $0x80, s11, s20, $0xb8;
	[tilespmem:$0x14700] =	vst v63  }
0x48: {  	s30 =	rddreg [dreg:$0xb]  }
0x49: {  	[tilespmem:s20], [sflag:$0x1] =	stream.linear.gather [hbm4b:s30+s3], $0x80, $0x38;
	[tilespmem:$0x14700] =	vst v63  }
0x4a: {  	_ =	swait.ge [sflag:s7], $0x80  }
0x4b: {  	[sflag:s7] =	ssyncset.done $0x0  }
0x4c: {  	[sflag:s7] =	ssyncadd.s32 $0xFFFFFF80  }
0x4d: {  	[tilespmem:s13], [sflag:$0x2] =	stream.indirect.gather [hbm4b:s26+s20], $0x1, s20, s20, $0xb8;
	[tilespmem:$0x14700] =	vst v63  }
0x4e: {  	_ = 	snop  }
0x4f: {  	[tilespmem:s14], [sflag:$0x2] =	stream.indirect.gather [hbm4b:s2+s20], $0x1, s20, s20, $0xb8;
	[tilespmem:$0x14700] =	vst v63  }
0x50: {  	_ = 	snop  }
0x51: {  	[tilespmem:s31], [sflag:$0x2] =	stream.indirect.gather [hbm4b:s28+s20], $0x1, s20, s20, $0xb8;
	[tilespmem:$0x14700] =	vst v63  }
0x52: {  	s21 =	simm.s32 $0x0  }
0x53: {  	[tilespmem:s0], [sflag:$0x2] =	stream.indirect.gather [hbm4b:s5+s20], $0x1, s20, s20, $0xb8;
	[tilespmem:$0x14700] =	vst v63  }
.LBB2_2:
0x54: {  	_ =	swait.ge [sflag:s25], $0x80  }
0x55: {  	[sflag:s25] =	ssyncset.done $0x0  }
0x56: {  	[sflag:s25] =	ssyncadd.s32 $0xFFFFFF80  }
0x57: {  	_ =	swait.ge [sflag:s25], $0x80  }
0x58: {  	[sflag:s25] =	ssyncset.done $0x0  }
0x59: {  	[sflag:s25] =	ssyncadd.s32 $0xFFFFFF80  }
0x5a: {  	_ =	swait.ge [sflag:s25], $0x80  }
0x5b: {  	[sflag:s25] =	ssyncset.done $0x0  }
0x5c: {  	[sflag:s25] =	ssyncadd.s32 $0xFFFFFF80  }
0x5d: {  	_ =	swait.ge [sflag:s25], $0x80  }
0x5e: {  	[sflag:s25] =	ssyncset.done $0x0  }
0x5f: {  	s1 =	simm.s32 $0x8500;
	p0 =	seq.s32 s21, $0x33;
	[sflag:s25] =	ssyncadd.s32 $0xFFFFFF80  }
0x60: {  	[tilespmem:s1], [sflag:$0x4] =	stream.indirect.gather [hbm4b:s8+s20], $0x80, s13, s20, $0xb8;
	[tilespmem:$0x14700] =	vst v63  }
0x61: {  	s2 =	rddreg [dreg:$0xc];
	s1 =	sshll.u32 @!p0 s21, $0x8  }
0x62: {  	s29 =	simm.s32 $0xC500;
	s1 =	sadd.s32 @!p0 s1, s2  }
0x63: {  	[tilespmem:s29], [sflag:$0x4] =	stream.indirect.gather [hbm4b:s8+s20], $0x80, s14, s20, $0xb8;
	[tilespmem:$0x14700] =	vst v63  }
0x64: {  	s2 =	rddreg [dreg:$0x3];
	s1 =	sshrl.u32 @!p0 s1, $0x3  }
0x65: {  	s30 =	simm.s32 $0x3;
	s1 =	sadd.s32 @!p0 s2, s1;
	s2 =	simm.s32 @!p0 $0x0  }
0x66: {  	[tilespmem:s2], [sflag:$0x1] =	stream.linear.gather @!p0 [hbm4b:s1+s2], $0x80, $0x38;
	[tilespmem:$0x14700] =	vst v63  }
0x67: {  	_ =	swait.ge [sflag:s30], $0x4000  }
0x68: {  	[sflag:s30] =	ssyncset.done $0x0  }
0x69: {  	[sflag:s30] =	ssyncadd.s32 $0xFFFFC000  }
0x6a: {  	_ =	swait.ge [sflag:s30], $0x4000  }
0x6b: {  	[sflag:s30] =	ssyncset.done $0x0  }
0x6c: {  	s22 =	sshll.u32 s21, $0x1;
	s14 =	simm.s32 $0x0;
	[sflag:s30] =	ssyncadd.s32 $0xFFFFC000  }
.LBB2_3:
0x6d: {  	s6 =	sshll.u32 s14, $0x2  }
0x6e: {  	v0 =	vmov s6  }
0x6f: {  	v0 =	vand.u32 $0xFFFFFFF0, v0  }
0x70: {  	v0 =	vbroadcast v0, $0x0;
	_ =	sdelay $0x2  }
0x71: {  	s16 =	sshll.u32 s14, $0x9  }
0x72: {  	s29 =	sor.u32 $0x1, s14;
	v2 =	vld [tilespmem:s16+$0x500]  }
0x73: {  	v3 =	vld [tilespmem:s16+$0x4500];
	s4 =	sshll.u32 s29, $0x2  }
0x74: {  	v4 =	vmov s4;
	v1 =	vld.idx.msk [tilespmem:v0+s23+$0x0], $0xffff  }
0x75: {  	v4 =	vand.u32 $0xFFFFFFF4, v4;
	v0 =	vld.idx.msk [tilespmem:v0+s24+$0x0], $0xffff  }
0x76: {  	v4 =	vbroadcast v4, $0x0;
	_ =	sdelay $0x2  }
0x77: {  	s5 =	sshll.u32 s29, $0x9  }
0x78: {  	s17 =	sor.u32 $0x2, s14;
	v8 =	vld [tilespmem:s5+$0x500];
	v2 =	vmul.f32 v2, v1;
	v3 =	vmul.f32 v3, v0  }
0x79: {  	s19 =	sshll.u32 s17, $0x2;
	v9 =	vld [tilespmem:s5+$0x4500]  }
0x7a: {  	s1 =	sshll.u32 s14, $0x8;
	v43 =	vmov s19;
	v6 =	vld.idx.msk [tilespmem:v4+s23+$0x0], $0xffff;
	v2 =	vadd.f32 v3, v2  }
0x7b: {  	s12 =	sand.u32 $0x3FFFFF00, s1;
	v44 =	vand.u32 $0xFFFFFFF8, v43;
	v4 =	vld.idx.msk [tilespmem:v4+s24+$0x0], $0xffff  }
0x7c: {  	[tilespmem:s12+$0x10500] =	vst v2;
	v2 =	vbroadcast v44, $0x0  }
0x7d: {  	s11 =	sshll.u32 s17, $0x9  }
0x7e: {  	v11 =	vld [tilespmem:s11+$0x500]  }
0x7f: {  	s15 =	sor.u32 $0x3, s14;
	v12 =	vld [tilespmem:s11+$0x4500]  }
0x80: {  	s30 =	sshll.u32 s15, $0x2;
	v8 =	vmul.f32 v8, v6;
	v9 =	vmul.f32 v9, v4;
	v45 =	vld [tilespmem:s16+$0x510]  }
0x81: {  	v7 =	vmov s30;
	v5 =	vld [tilespmem:s16+$0x4510]  }
0x82: {  	s26 =	sshll.u32 s29, $0x8;
	v7 =	vbroadcast v7, $0x0;
	v8 =	vadd.f32 v9, v8;
	v10 =	vld.idx.msk [tilespmem:v2+s23+$0x0], $0xffff  }
0x83: {  	s13 =	sshll.u32 s15, $0x9;
	s1 =	sand.u32 $0x3FFFFF00, s26;
	v2 =	vld.idx.msk [tilespmem:v2+s24+$0x0], $0xffff  }
0x84: {  	v46 =	vld [tilespmem:s13+$0x500];
	[tilespmem:s1+$0x10500] =	vst v8  }
0x85: {  	v49 =	vld [tilespmem:s5+$0x510]  }
0x86: {  	v50 =	vld [tilespmem:s5+$0x4510];
	v3 =	vmul.f32 v45, v1;
	v5 =	vmul.f32 v5, v0  }
0x87: {  	v14 =	vld [tilespmem:s13+$0x4500]  }
0x88: {  	v13 =	vld.idx.msk [tilespmem:v7+s23+$0x0], $0xffff;
	v3 =	vadd.f32 v5, v3;
	v47 =	vmul.f32 v11, v10;
	v48 =	vmul.f32 v12, v2  }
0x89: {  	v7 =	vld.idx.msk [tilespmem:v7+s24+$0x0], $0xffff  }
0x8a: {  	s2 =	sshll.u32 s17, $0x8;
	[tilespmem:s12+$0x10510] =	vst v3;
	v5 =	vadd.f32 v48, v47  }
0x8b: {  	s26 =	sand.u32 $0x3FFFFF00, s2;
	v56 =	vmul.f32 v49, v6;
	v3 =	vmul.f32 v50, v4;
	v51 =	vld [tilespmem:s16+$0x520]  }
0x8c: {  	v52 =	vld [tilespmem:s16+$0x4520];
	[tilespmem:s26+$0x10500] =	vst v5  }
0x8d: {  	v3 =	vadd.f32 v3, v56;
	v55 =	vld [tilespmem:s11+$0x510]  }
0x8e: {  	v53 =	vmul.f32 v46, v13;
	v54 =	vmul.f32 v14, v7;
	v15 =	vld [tilespmem:s11+$0x4510]  }
0x8f: {  	[tilespmem:s1+$0x10510] =	vst v3  }
0x90: {  	s28 =	sshll.u32 s15, $0x8;
	v5 =	vadd.f32 v54, v53;
	v63 =	vld [tilespmem:s5+$0x520]  }
0x91: {  	s2 =	sand.u32 $0x3FFFFF00, s28;
	v18 =	vld [tilespmem:s5+$0x4520];
	v57 =	vmul.f32 v51, v1;
	v58 =	vmul.f32 v52, v0  }
0x92: {  	[tilespmem:s2+$0x10500] =	vst v5  }
0x93: {  	v59 =	vld [tilespmem:s13+$0x510];
	v5 =	vadd.f32 v58, v57;
	v61 =	vmul.f32 v55, v10;
	v62 =	vmul.f32 v15, v2  }
0x94: {  	v60 =	vld [tilespmem:s13+$0x4510]  }
0x95: {  	[tilespmem:s12+$0x10520] =	vst v5;
	v3 =	vadd.f32 v62, v61  }
0x96: {  	v12 =	vmul.f32 v63, v6;
	v5 =	vmul.f32 v18, v4;
	v19 =	vld [tilespmem:s16+$0x530]  }
0x97: {  	v20 =	vld [tilespmem:s16+$0x4530];
	[tilespmem:s26+$0x10510] =	vst v3  }
0x98: {  	v5 =	vadd.f32 v5, v12;
	v23 =	vld [tilespmem:s11+$0x520]  }
0x99: {  	s7 =	sor.u32 $0x1, s6;
	v21 =	vmul.f32 v59, v13;
	v22 =	vmul.f32 v60, v7;
	v24 =	vld [tilespmem:s11+$0x4520]  }
0x9a: {  	v25 =	vmov s7;
	[tilespmem:s1+$0x10520] =	vst v5  }
0x9b: {  	v9 =	vand.u32 $0xFFFFFFF1, v25;
	v3 =	vadd.f32 v22, v21;
	v31 =	vld [tilespmem:s5+$0x530]  }
0x9c: {  	v26 =	vbroadcast v9, $0x0;
	v32 =	vld [tilespmem:s5+$0x4530]  }
0x9d: {  	s5 =	sor.u32 $0x1, s4;
	v1 =	vmul.f32 v19, v1;
	v0 =	vmul.f32 v20, v0;
	[tilespmem:s2+$0x10510] =	vst v3  }
0x9e: {  	v33 =	vmov s5;
	v27 =	vld [tilespmem:s13+$0x520];
	v29 =	vmul.f32 v23, v10;
	v30 =	vmul.f32 v24, v2  }
0x9f: {  	v35 =	vand.u32 $0xFFFFFFF5, v33;
	v28 =	vld [tilespmem:s13+$0x4520];
	v0 =	vadd.f32 v0, v1  }
0xa0: {  	v9 =	vbroadcast v35, $0x0;
	v5 =	vadd.f32 v30, v29  }
0xa1: {  	[tilespmem:s12+$0x10530] =	vst v0;
	v1 =	vmul.f32 v31, v6;
	v4 =	vmul.f32 v32, v4  }
0xa2: {  	v0 =	vld.idx.msk [tilespmem:v26+s23+$0x0], $0xffff;
	[tilespmem:s26+$0x10520] =	vst v5  }
0xa3: {  	v1 =	vadd.f32 v4, v1;
	v36 =	vld [tilespmem:s11+$0x530]  }
0xa4: {  	v34 =	vmul.f32 v27, v13;
	v8 =	vmul.f32 v28, v7;
	v37 =	vld [tilespmem:s11+$0x4530]  }
0xa5: {  	s28 =	sor.u32 $0x1, s19;
	v3 =	vld.idx.msk [tilespmem:v26+s24+$0x0], $0xffff;
	[tilespmem:s1+$0x10530] =	vst v1  }
0xa6: {  	v39 =	vmov s28;
	v5 =	vadd.f32 v8, v34;
	v44 =	vld.idx.msk [tilespmem:v9+s23+$0x0], $0xffff;
	s11 =	sshll.u32 s7, $0x7  }
0xa7: {  	v40 =	vand.u32 $0xFFFFFFF9, v39;
	v38 =	vld [tilespmem:s11+$0x500]  }
0xa8: {  	v4 =	vbroadcast v40, $0x0;
	[tilespmem:s2+$0x10520] =	vst v5;
	v42 =	vld [tilespmem:s11+$0x4500]  }
0xa9: {  	v5 =	vld [tilespmem:s13+$0x530];
	v43 =	vmul.f32 v36, v10;
	v2 =	vmul.f32 v37, v2  }
0xaa: {  	v41 =	vld [tilespmem:s13+$0x4530]  }
0xab: {  	s5 =	sshll.u32 s5, $0x7;
	v9 =	vld.idx.msk [tilespmem:v9+s24+$0x0], $0xffff;
	v1 =	vadd.f32 v2, v43  }
0xac: {  	v46 =	vld [tilespmem:s5+$0x500]  }
0xad: {  	v47 =	vld [tilespmem:s5+$0x4500];
	s7 =	sor.u32 $0x1, s30;
	v6 =	vmul.f32 v38, v0;
	v52 =	vmul.f32 v42, v3;
	[tilespmem:s26+$0x10530] =	vst v1  }
0xae: {  	v45 =	vmov s7;
	v50 =	vld.idx.msk [tilespmem:v4+s23+$0x0], $0xffff  }
0xaf: {  	s16 =	sshll.u32 s28, $0x7;
	v48 =	vmul.f32 v5, v13;
	v49 =	vmul.f32 v41, v7;
	v6 =	vadd.f32 v52, v6;
	v4 =	vld.idx.msk [tilespmem:v4+s24+$0x0], $0xffff  }
0xb0: {  	v2 =	vbroadcast v45, $0x0;
	v51 =	vld [tilespmem:s16+$0x500]  }
0xb1: {  	v1 =	vadd.f32 v49, v48;
	v53 =	vld [tilespmem:s16+$0x4500];
	[tilespmem:s12+$0x10540] =	vst v6  }
0xb2: {  	v58 =	vld [tilespmem:s11+$0x510]  }
0xb3: {  	s7 =	sshll.u32 s7, $0x7;
	v55 =	vmul.f32 v46, v44;
	v56 =	vmul.f32 v47, v9;
	[tilespmem:s2+$0x10530] =	vst v1;
	v59 =	vld [tilespmem:s11+$0x4510]  }
0xb4: {  	v54 =	vld [tilespmem:s7+$0x500]  }
0xb5: {  	v6 =	vadd.f32 v56, v55;
	v57 =	vld [tilespmem:s7+$0x4500]  }
0xb6: {  	v1 =	vld.idx.msk [tilespmem:v2+s23+$0x0], $0xffff  }
0xb7: {  	[tilespmem:s1+$0x10540] =	vst v6;
	v2 =	vld.idx.msk [tilespmem:v2+s24+$0x0], $0xffff;
	v5 =	vmul.f32 v51, v50;
	v60 =	vmul.f32 v53, v4  }
0xb8: {  	v6 =	vld [tilespmem:s5+$0x510]  }
0xb9: {  	v62 =	vld [tilespmem:s5+$0x4510];
	v63 =	vmul.f32 v58, v0;
	v16 =	vmul.f32 v59, v3;
	v5 =	vadd.f32 v60, v5;
	_ =	sdelay $0x1  }
0xba: {  	v19 =	vadd.f32 v16, v63;
	[tilespmem:s26+$0x10540] =	vst v5  }
0xbb: {  	v8 =	vmul.f32 v54, v1;
	v61 =	vmul.f32 v57, v2;
	v18 =	vld [tilespmem:s16+$0x510]  }
0xbc: {  	v20 =	vld [tilespmem:s16+$0x4510];
	[tilespmem:s12+$0x10550] =	vst v19  }
0xbd: {  	v6 =	vmul.f32 v6, v44;
	v21 =	vmul.f32 v62, v9;
	v17 =	vadd.f32 v61, v8;
	v23 =	vld [tilespmem:s11+$0x520]  }
0xbe: {  	v24 =	vld [tilespmem:s11+$0x4520]  }
0xbf: {  	v6 =	vadd.f32 v21, v6;
	[tilespmem:s2+$0x10540] =	vst v17  }
0xc0: {  	v5 =	vld [tilespmem:s7+$0x510]  }
0xc1: {  	[tilespmem:s1+$0x10550] =	vst v6;
	v22 =	vld [tilespmem:s7+$0x4510];
	v8 =	vmul.f32 v18, v50;
	v25 =	vmul.f32 v20, v4  }
0xc2: {  	v6 =	vld [tilespmem:s5+$0x520]  }
0xc3: {  	v27 =	vld [tilespmem:s5+$0x4520];
	v28 =	vmul.f32 v23, v0;
	v29 =	vmul.f32 v24, v3;
	v8 =	vadd.f32 v25, v8;
	_ =	sdelay $0x1  }
0xc4: {  	v30 =	vadd.f32 v29, v28;
	[tilespmem:s26+$0x10550] =	vst v8  }
0xc5: {  	v5 =	vmul.f32 v5, v1;
	v26 =	vmul.f32 v22, v2;
	v8 =	vld [tilespmem:s16+$0x520]  }
0xc6: {  	v31 =	vld [tilespmem:s16+$0x4520];
	[tilespmem:s12+$0x10560] =	vst v30  }
0xc7: {  	v6 =	vmul.f32 v6, v44;
	v32 =	vmul.f32 v27, v9;
	v5 =	vadd.f32 v26, v5;
	v34 =	vld [tilespmem:s11+$0x530]  }
0xc8: {  	v35 =	vld [tilespmem:s11+$0x4530]  }
0xc9: {  	s6 =	sor.u32 $0x2, s6;
	v6 =	vadd.f32 v32, v6;
	[tilespmem:s2+$0x10550] =	vst v5  }
0xca: {  	v36 =	vmov s6;
	v5 =	vld [tilespmem:s7+$0x520]  }
0xcb: {  	v11 =	vand.u32 $0xFFFFFFF2, v36;
	[tilespmem:s1+$0x10560] =	vst v6;
	v33 =	vld [tilespmem:s7+$0x4520];
	v8 =	vmul.f32 v8, v50;
	v13 =	vmul.f32 v31, v4  }
0xcc: {  	v11 =	vbroadcast v11, $0x0;
	v6 =	vld [tilespmem:s5+$0x530]  }
0xcd: {  	v37 =	vld [tilespmem:s5+$0x4530];
	v0 =	vmul.f32 v34, v0;
	v3 =	vmul.f32 v35, v3;
	v8 =	vadd.f32 v13, v8;
	_ =	sdelay $0x1  }
0xce: {  	v0 =	vadd.f32 v3, v0;
	[tilespmem:s26+$0x10560] =	vst v8  }
0xcf: {  	s13 =	sor.u32 $0x2, s4;
	v5 =	vmul.f32 v5, v1;
	v12 =	vmul.f32 v33, v2;
	v39 =	vld [tilespmem:s16+$0x530]  }
0xd0: {  	v38 =	vmov s13;
	v40 =	vld [tilespmem:s16+$0x4530];
	[tilespmem:s12+$0x10570] =	vst v0  }
0xd1: {  	v43 =	vmul.f32 v6, v44;
	v44 =	vmul.f32 v37, v9;
	v5 =	vadd.f32 v12, v5;
	v9 =	vld.idx.msk [tilespmem:v11+s23+$0x0], $0xffff  }
0xd2: {  	v41 =	vand.u32 $0xFFFFFFF6, v38;
	s16 =	sor.u32 $0x2, s19;
	s19 =	sshll.u32 s6, $0x7;
	v11 =	vld.idx.msk [tilespmem:v11+s24+$0x0], $0xffff  }
0xd3: {  	v3 =	vbroadcast v41, $0x0;
	v45 =	vmov s16;
	v47 =	vld [tilespmem:s19+$0x500];
	[tilespmem:s2+$0x10560] =	vst v5  }
0xd4: {  	v0 =	vadd.f32 v44, v43;
	v46 =	vand.u32 $0xFFFFFFFA, v45;
	v5 =	vld [tilespmem:s7+$0x530]  }
0xd5: {  	v42 =	vld [tilespmem:s7+$0x4530];
	v6 =	vbroadcast v46, $0x0  }
0xd6: {  	s28 =	sor.u32 $0x2, s30;
	s30 =	sshll.u32 s13, $0x7;
	v48 =	vld [tilespmem:s19+$0x4500];
	[tilespmem:s1+$0x10570] =	vst v0;
	v49 =	vmul.f32 v39, v50;
	v4 =	vmul.f32 v40, v4  }
0xd7: {  	v51 =	vld [tilespmem:s30+$0x500]  }
0xd8: {  	v52 =	vld [tilespmem:s30+$0x4500];
	v50 =	vmov s28;
	v0 =	vadd.f32 v4, v49  }
0xd9: {  	v7 =	vld.idx.msk [tilespmem:v3+s23+$0x0], $0xffff;
	v4 =	vbroadcast v50, $0x0  }
0xda: {  	v3 =	vld.idx.msk [tilespmem:v3+s24+$0x0], $0xffff;
	v53 =	vmul.f32 v5, v1;
	v54 =	vmul.f32 v42, v2;
	[tilespmem:s26+$0x10570] =	vst v0  }
0xdb: {  	v2 =	vld.idx.msk [tilespmem:v6+s23+$0x0], $0xffff  }
0xdc: {  	s5 =	sshll.u32 s16, $0x7;
	v55 =	vld.idx.msk [tilespmem:v6+s24+$0x0], $0xffff;
	v0 =	vadd.f32 v54, v53  }
0xdd: {  	v56 =	vld [tilespmem:s5+$0x500]  }
0xde: {  	v57 =	vmul.f32 v47, v9;
	v58 =	vmul.f32 v48, v11;
	v59 =	vld [tilespmem:s5+$0x4500];
	[tilespmem:s2+$0x10570] =	vst v0  }
0xdf: {  	v0 =	vld.idx.msk [tilespmem:v4+s23+$0x0], $0xffff  }
0xe0: {  	s7 =	sshll.u32 s28, $0x7;
	v6 =	vadd.f32 v58, v57;
	v4 =	vld.idx.msk [tilespmem:v4+s24+$0x0], $0xffff  }
0xe1: {  	v60 =	vld [tilespmem:s7+$0x500]  }
0xe2: {  	v61 =	vmul.f32 v51, v7;
	v62 =	vmul.f32 v52, v3;
	[tilespmem:s12+$0x10580] =	vst v6;
	v63 =	vld [tilespmem:s7+$0x4500]  }
0xe3: {  	v18 =	vld [tilespmem:s19+$0x510]  }
0xe4: {  	v6 =	vadd.f32 v62, v61;
	v19 =	vld [tilespmem:s19+$0x4510]  }
0xe5: {  	v1 =	vmul.f32 v56, v2;
	v10 =	vmul.f32 v59, v55  }
0xe6: {  	[tilespmem:s1+$0x10580] =	vst v6  }
0xe7: {  	v6 =	vld [tilespmem:s30+$0x510];
	v1 =	vadd.f32 v10, v1;
	v8 =	vmul.f32 v60, v0;
	v20 =	vmul.f32 v63, v4  }
0xe8: {  	v21 =	vld [tilespmem:s30+$0x4510]  }
0xe9: {  	v22 =	vmul.f32 v18, v9;
	v23 =	vmul.f32 v19, v11;
	[tilespmem:s26+$0x10580] =	vst v1;
	v24 =	vadd.f32 v20, v8  }
0xea: {  	v25 =	vld [tilespmem:s5+$0x510]  }
0xeb: {  	v26 =	vadd.f32 v23, v22;
	v27 =	vld [tilespmem:s5+$0x4510];
	[tilespmem:s2+$0x10580] =	vst v24  }
0xec: {  	v1 =	vld [tilespmem:s7+$0x510]  }
0xed: {  	v6 =	vmul.f32 v6, v7;
	v28 =	vmul.f32 v21, v3;
	[tilespmem:s12+$0x10590] =	vst v26;
	v29 =	vld [tilespmem:s7+$0x4510]  }
0xee: {  	v30 =	vld [tilespmem:s19+$0x520]  }
0xef: {  	v6 =	vadd.f32 v28, v6;
	v31 =	vld [tilespmem:s19+$0x4520]  }
0xf0: {  	v8 =	vmul.f32 v25, v2;
	v32 =	vmul.f32 v27, v55  }
0xf1: {  	[tilespmem:s1+$0x10590] =	vst v6  }
0xf2: {  	v6 =	vld [tilespmem:s30+$0x520];
	v8 =	vadd.f32 v32, v8;
	v1 =	vmul.f32 v1, v0;
	v33 =	vmul.f32 v29, v4  }
0xf3: {  	v34 =	vld [tilespmem:s30+$0x4520]  }
0xf4: {  	v35 =	vmul.f32 v30, v9;
	v36 =	vmul.f32 v31, v11;
	[tilespmem:s26+$0x10590] =	vst v8;
	v1 =	vadd.f32 v33, v1  }
0xf5: {  	v8 =	vld [tilespmem:s5+$0x520]  }
0xf6: {  	v37 =	vadd.f32 v36, v35;
	v38 =	vld [tilespmem:s5+$0x4520];
	[tilespmem:s2+$0x10590] =	vst v1  }
0xf7: {  	v1 =	vld [tilespmem:s7+$0x520]  }
0xf8: {  	v6 =	vmul.f32 v6, v7;
	v39 =	vmul.f32 v34, v3;
	[tilespmem:s12+$0x105A0] =	vst v37;
	v40 =	vld [tilespmem:s7+$0x4520]  }
0xf9: {  	v41 =	vld [tilespmem:s19+$0x530]  }
0xfa: {  	s13 =	sshllo.u32 s14, $0x2;
	v6 =	vadd.f32 v39, v6;
	v42 =	vld [tilespmem:s19+$0x4530]  }
0xfb: {  	v43 =	vmov s13;
	v8 =	vmul.f32 v8, v2;
	v13 =	vmul.f32 v38, v55  }
0xfc: {  	v10 =	vand.u32 $0xFFFFFFF3, v43;
	[tilespmem:s1+$0x105A0] =	vst v6  }
0xfd: {  	v6 =	vld [tilespmem:s30+$0x530];
	v8 =	vadd.f32 v13, v8;
	v1 =	vmul.f32 v1, v0;
	v12 =	vmul.f32 v40, v4  }
0xfe: {  	v10 =	vbroadcast v10, $0x0;
	v44 =	vld [tilespmem:s30+$0x4530]  }
0xff: {  	v9 =	vmul.f32 v41, v9;
	v11 =	vmul.f32 v42, v11;
	[tilespmem:s26+$0x105A0] =	vst v8;
	v1 =	vadd.f32 v12, v1  }
0x100: {  	v46 =	vld [tilespmem:s5+$0x530]  }
0x101: {  	s16 =	sshllo.u32 s29, $0x2;
	v47 =	vld [tilespmem:s5+$0x4530];
	v9 =	vadd.f32 v11, v9;
	[tilespmem:s2+$0x105A0] =	vst v1  }
0x102: {  	v45 =	vmov s16;
	v49 =	vld [tilespmem:s7+$0x530]  }
0x103: {  	s19 =	sshllo.u32 s17, $0x2;
	v8 =	vand.u32 $0xFFFFFFF7, v45;
	v6 =	vmul.f32 v6, v7;
	v3 =	vmul.f32 v44, v3;
	[tilespmem:s12+$0x105B0] =	vst v9;
	v50 =	vld [tilespmem:s7+$0x4530]  }
0x104: {  	v51 =	vmov s19;
	v48 =	vbroadcast v8, $0x0;
	v7 =	vld.idx.msk [tilespmem:v10+s23+$0x0], $0xffff  }
0x105: {  	s4 =	sshll.u32 s13, $0x7;
	v52 =	vand.u32 $0xFFFFFFFB, v51;
	v3 =	vadd.f32 v3, v6;
	v10 =	vld.idx.msk [tilespmem:v10+s24+$0x0], $0xffff  }
0x106: {  	v6 =	vbroadcast v52, $0x0;
	v53 =	vld [tilespmem:s4+$0x500]  }
0x107: {  	s6 =	sshll.u32 s16, $0x7;
	v54 =	vld [tilespmem:s4+$0x4500];
	[tilespmem:s1+$0x105B0] =	vst v3;
	v2 =	vmul.f32 v46, v2;
	v55 =	vmul.f32 v47, v55  }
0x108: {  	v56 =	vld [tilespmem:s6+$0x500]  }
0x109: {  	v57 =	vld [tilespmem:s6+$0x4500];
	v2 =	vadd.f32 v55, v2  }
0x10a: {  	s28 =	sshllo.u32 s15, $0x2;
	v5 =	vld.idx.msk [tilespmem:v48+s23+$0x0], $0xffff  }
0x10b: {  	v59 =	vmov s28;
	v1 =	vld.idx.msk [tilespmem:v48+s24+$0x0], $0xffff;
	v0 =	vmul.f32 v49, v0;
	v58 =	vmul.f32 v50, v4;
	[tilespmem:s26+$0x105B0] =	vst v2  }
0x10c: {  	v8 =	vld.idx.msk [tilespmem:v6+s23+$0x0], $0xffff  }
0x10d: {  	s5 =	sshll.u32 s19, $0x7;
	v6 =	vld.idx.msk [tilespmem:v6+s24+$0x0], $0xffff;
	v0 =	vadd.f32 v58, v0  }
0x10e: {  	v60 =	vld [tilespmem:s5+$0x500]  }
0x10f: {  	v61 =	vld [tilespmem:s5+$0x4500];
	[tilespmem:s2+$0x105B0] =	vst v0  }
0x110: {  	v0 =	vld.idx.msk [tilespmem:v59+s23+$0x0], $0xffff  }
0x111: {  	s29 =	sshll.u32 s28, $0x7;
	v4 =	vld.idx.msk [tilespmem:v59+s24+$0x0], $0xffff  }
0x112: {  	v9 =	vmul.f32 v53, v7;
	v13 =	vmul.f32 v54, v10;
	v62 =	vld [tilespmem:s29+$0x500]  }
0x113: {  	v63 =	vld [tilespmem:s29+$0x4500]  }
0x114: {  	v9 =	vadd.f32 v13, v9;
	v3 =	vmul.f32 v56, v5;
	v12 =	vmul.f32 v57, v1;
	_ =	sdelay $0x1  }
0x115: {  	[tilespmem:s12+$0x105C0] =	vst v9;
	v3 =	vadd.f32 v12, v3;
	v2 =	vmul.f32 v60, v8;
	v18 =	vmul.f32 v61, v6  }
0x116: {  	v19 =	vld [tilespmem:s4+$0x510]  }
0x117: {  	v20 =	vld [tilespmem:s4+$0x4510];
	[tilespmem:s1+$0x105C0] =	vst v3;
	v2 =	vadd.f32 v18, v2;
	v21 =	vmul.f32 v62, v0;
	v22 =	vmul.f32 v63, v4  }
0x118: {  	v23 =	vld [tilespmem:s6+$0x510]  }
0x119: {  	v24 =	vld [tilespmem:s6+$0x4510];
	[tilespmem:s26+$0x105C0] =	vst v2;
	v25 =	vadd.f32 v22, v21  }
0x11a: {  	v26 =	vld [tilespmem:s5+$0x510]  }
0x11b: {  	v27 =	vld [tilespmem:s5+$0x4510];
	[tilespmem:s2+$0x105C0] =	vst v25  }
0x11c: {  	v28 =	vmul.f32 v19, v7;
	v29 =	vmul.f32 v20, v10;
	v30 =	vld [tilespmem:s29+$0x510]  }
0x11d: {  	v31 =	vld [tilespmem:s29+$0x4510]  }
0x11e: {  	v2 =	vadd.f32 v29, v28;
	v32 =	vmul.f32 v23, v5;
	v33 =	vmul.f32 v24, v1;
	_ =	sdelay $0x1  }
0x11f: {  	[tilespmem:s12+$0x105D0] =	vst v2;
	v34 =	vadd.f32 v33, v32;
	v3 =	vmul.f32 v26, v8;
	v9 =	vmul.f32 v27, v6  }
0x120: {  	v35 =	vld [tilespmem:s4+$0x520]  }
0x121: {  	v36 =	vld [tilespmem:s4+$0x4520];
	[tilespmem:s1+$0x105D0] =	vst v34;
	v37 =	vadd.f32 v9, v3;
	v38 =	vmul.f32 v30, v0;
	v39 =	vmul.f32 v31, v4  }
0x122: {  	v40 =	vld [tilespmem:s6+$0x520]  }
0x123: {  	v41 =	vld [tilespmem:s6+$0x4520];
	[tilespmem:s26+$0x105D0] =	vst v37;
	v42 =	vadd.f32 v39, v38  }
0x124: {  	v43 =	vld [tilespmem:s5+$0x520]  }
0x125: {  	v44 =	vld [tilespmem:s5+$0x4520];
	[tilespmem:s2+$0x105D0] =	vst v42  }
0x126: {  	v45 =	vmul.f32 v35, v7;
	v46 =	vmul.f32 v36, v10;
	v47 =	vld [tilespmem:s29+$0x520]  }
0x127: {  	v48 =	vld [tilespmem:s29+$0x4520]  }
0x128: {  	v2 =	vadd.f32 v46, v45;
	v49 =	vmul.f32 v40, v5;
	v50 =	vmul.f32 v41, v1;
	_ =	sdelay $0x1  }
0x129: {  	[tilespmem:s12+$0x105E0] =	vst v2;
	v51 =	vadd.f32 v50, v49;
	v3 =	vmul.f32 v43, v8;
	v9 =	vmul.f32 v44, v6  }
0x12a: {  	v52 =	vld [tilespmem:s4+$0x530]  }
0x12b: {  	v53 =	vld [tilespmem:s4+$0x4530];
	[tilespmem:s1+$0x105E0] =	vst v51;
	v54 =	vadd.f32 v9, v3;
	v55 =	vmul.f32 v47, v0;
	v56 =	vmul.f32 v48, v4  }
0x12c: {  	v57 =	vld [tilespmem:s6+$0x530]  }
0x12d: {  	v58 =	vld [tilespmem:s6+$0x4530];
	[tilespmem:s26+$0x105E0] =	vst v54;
	v59 =	vadd.f32 v56, v55  }
0x12e: {  	v60 =	vld [tilespmem:s5+$0x530]  }
0x12f: {  	v61 =	vld [tilespmem:s5+$0x4530];
	[tilespmem:s2+$0x105E0] =	vst v59  }
0x130: {  	v2 =	vld [tilespmem:s29+$0x530]  }
0x131: {  	v62 =	vld [tilespmem:s29+$0x4530];
	_ =	sdelay $0x1  }
0x132: {  	v7 =	vmul.f32 v52, v7;
	v10 =	vmul.f32 v53, v10  }
0x133: {  	v5 =	vmul.f32 v57, v5;
	v1 =	vmul.f32 v58, v1  }
0x134: {  	p1 =	slt.u32 s14, $0x1C;
	v7 =	vadd.f32 v10, v7;
	v3 =	vmul.f32 v60, v8;
	v6 =	vmul.f32 v61, v6  }
.Ltmp2:
0x135: {  	v1 =	vadd.f32 v1, v5;
	v0 =	vmul.f32 v2, v0;
	v63 =	vmul.f32 v62, v4;
	(pc) =	sbr.rel @p1 .LBB2_3-.Ltmp2, $4  }
0x136: {  	[tilespmem:s12+$0x105F0] =	vst v7;
	v3 =	vadd.f32 v6, v3  }
0x137: {  	s30 =	sadd.s32 $0x4, s14;
	[tilespmem:s1+$0x105F0] =	vst v1;
	v0 =	vadd.f32 v63, v0  }
0x138: {  	s14 =	smov.u32 s30;
	s4 =	simm.s32 $0x14510;
	[tilespmem:s26+$0x105F0] =	vst v3  }
0x139: {  	s5 =	simm.s32 $0x210;
	s1 =	simm.s32 $0x14590;
	[tilespmem:s2+$0x105F0] =	vst v0;
	s2 =	simm.s32 $0x290  }
0x13a: {  	v0 =	vld [tilespmem:s5+$0x0];
	_ =	sdelay $0x1  }
0x13b: {  	v1 =	vld [tilespmem:s5+$0xFFFFFFF0]  }
0x13c: {  	s30 =	simm.s32 $0x230  }
0x13d: {  	v3 =	vld [tilespmem:s30+$0x0]  }
0x13e: {  	[tilespmem:s4+$0x0] =	vst v0  }
0x13f: {  	v0 =	vld [tilespmem:s2+$0x0]  }
0x140: {  	v2 =	vld [tilespmem:s30+$0xFFFFFFF0];
	[tilespmem:s4+$0xFFFFFFF0] =	vst v1  }
0x141: {  	s4 =	simm.s32 $0x14530;
	v1 =	vld [tilespmem:s2+$0xFFFFFFF0]  }
0x142: {  	s6 =	simm.s32 $0x2;
	s11 =	simm.s32 $0x250;
	s5 =	simm.s32 $0x14590;
	[tilespmem:s4+$0x0] =	vst v3  }
.LBB2_5:
0x143: {  	s6 =	sadd.s32 $0x2, s6  }
0x144: {  	v3 =	vld [tilespmem:s11+$0x0];
	[tilespmem:s1+$0x0] =	vst v0;
	s5 =	sadd.s32 $0x20, s5;
	s2 =	sadd.s32 $0x20, s2;
	p1 =	slt.u32 s6, $0x6  }
.Ltmp3:
0x145: {  	[tilespmem:s4+$0xFFFFFFF0] =	vst v2;
	v0 =	vld [tilespmem:s2+$0x0];
	(pc) =	sbr.rel @p1 .LBB2_5-.Ltmp3, $4  }
0x146: {  	v2 =	vld [tilespmem:s11+$0xFFFFFFF0];
	[tilespmem:s1+$0xFFFFFFF0] =	vst v1;
	s1 =	smov.u32 s5  }
0x147: {  	v1 =	vld [tilespmem:s2+$0xFFFFFFF0]  }
0x148: {  	s4 =	sadd.s32 $0x20, s4  }
0x149: {  	s11 =	sadd.s32 $0x20, s11;
	[tilespmem:s4+$0x0] =	vst v3  }
0x14a: {  	s2 =	sadd.s32 $0x20, s2  }
0x14b: {  	[tilespmem:s4+$0xFFFFFFF0] =	vst v2;
	v63 =	vld [tilespmem:s2+$0x0]  }
0x14c: {  	v3 =	vld [tilespmem:s2+$0xFFFFFFF0];
	_ =	sdelay $0x1  }
0x14d: {  	[tilespmem:s1+$0x0] =	vst v0  }
0x14e: {  	s13 =	sadd.s32 $0x20, s5;
	[tilespmem:s1+$0xFFFFFFF0] =	vst v1  }
0x14f: {  	p1 =	seq.s32 s21, $0x0;
	[tilespmem:s13+$0x0] =	vst v63  }
0x150: {  	s1 =	simm.s32 @!p1 $0x5;
	[tilespmem:s13+$0xFFFFFFF0] =	vst v3  }
0x151: {  	_ =	swait.ge @!p1 [sflag:s1], $0x2000  }
0x152: {  	[sflag:s1] =	ssyncset.done @!p1 $0x0  }
0x153: {  	[sflag:s1] =	ssyncadd.s32 @!p1 $0xFFFFE000  }
0x154: {  	_ =	swait.ge @!p1 [sflag:s1], $0x80  }
0x155: {  	[sflag:s1] =	ssyncset.done @!p1 $0x0  }
0x156: {  	[sflag:s1] =	ssyncadd.s32 @!p1 $0xFFFFFF80  }
0x157: {  	_ =	swait.ge @!p1 [sflag:s1], $0x80  }
0x158: {  	s14 =	sshll.u32 s21, $0xE;
	s4 =	sshll.u32 s21, $0x8;
	s15 =	rddreg [dreg:$0xd]  }
0x159: {  	s17 =	simm.s32 $0x10500;
	s16 =	sadd.s32 s10, s4;
	s2 =	sadd.s32 s15, s14  }
0x15a: {  	[sflag:s1] =	ssyncset.done @!p1 $0x0;
	s19 =	rddreg [dreg:$0x8];
	s2 =	sshrl.u32 s2, $0x3  }
0x15b: {  	[sflag:s1] =	ssyncadd.s32 @!p1 $0xFFFFFF80;
	s1 =	sshrl.u32 s16, $0x3;
	s2 =	sadd.s32 s9, s2  }
0x15c: {  	[hbm4b:s2+s3] =	stream.linear.scatter [tilespmem:s17], [sflag:$0x5], $0x2000, $0x38;
	[tilespmem:$0x14700] =	vst v63  }
0x15d: {  	s26 =	simm.s32 $0x14500;
	s29 =	rddreg [dreg:$0xa];
	s2 =	sadd.s32 s19, s1  }
0x15e: {  	[hbm4b:s2+s3] =	stream.linear.scatter [tilespmem:s26], [sflag:$0x5], $0x80, $0x38;
	[tilespmem:$0x14700] =	vst v63  }
0x15f: {  	s30 =	simm.s32 $0x14580;
	s1 =	sadd.s32 s29, s1  }
0x160: {  	[hbm4b:s1+s3] =	stream.linear.scatter [tilespmem:s30], [sflag:$0x5], $0x80, $0x38;
	[tilespmem:$0x14700] =	vst v63  }
0x161: {  	s1 =	simm.s32 @!p0 $0x1  }
0x162: {  	_ =	swait.ge @!p0 [sflag:s1], $0x80  }
0x163: {  	s5 =	simm.s32 @!p0 $0x100;
	s2 =	simm.s32 @!p0 $0x0;
	[sflag:s1] =	ssyncset.done @!p0 $0x0  }
0x164: {  	s6 =	rddreg [dreg:$0x4];
	[sflag:s1] =	ssyncadd.s32 @!p0 $0xFFFFFF80;
	s1 =	simm.s32 @!p0 $0x80  }
0x165: {  	[tilespmem:s5], [sflag:$0x2] =	stream.indirect.gather @!p0 [hbm4b:s6+s1], $0x1, s2, s1, $0xb8;
	[tilespmem:$0x14700] =	vst v63  }
0x166: {  	s22 =	sor.u32 @!p0 $0x1, s22;
	s5 =	simm.s32 @!p0 $0x180;
	s6 =	rddreg [dreg:$0x5]  }
0x167: {  	[tilespmem:s5], [sflag:$0x2] =	stream.indirect.gather @!p0 [hbm4b:s6+s1], $0x1, s2, s1, $0xb8;
	[tilespmem:$0x14700] =	vst v63  }
0x168: {  	p2 =	sgt.u32 @!p0 s22, $0x66;
	s5 =	simm.s32 @!p0 $0x200;
	s6 =	rddreg [dreg:$0x6]  }
0x169: {  	[tilespmem:s5], [sflag:$0x2] =	stream.indirect.gather @!p0 [hbm4b:s6+s1], $0x1, s2, s1, $0xb8;
	[tilespmem:$0x14700] =	vst v63  }
0x16a: {  	p2 =	por p2, p0;
	s5 =	simm.s32 @!p0 $0x280;
	s6 =	rddreg [dreg:$0x7]  }
0x16b: {  	[tilespmem:s5], [sflag:$0x2] =	stream.indirect.gather @!p0 [hbm4b:s6+s1], $0x1, s2, s1, $0xb8;
	[tilespmem:$0x14700] =	vst v63  }
0x16c: {  	s5 =	simm.s32 @!p2 $0x2  }
0x16d: {  	_ =	swait.ge @!p2 [sflag:s5], $0x80  }
0x16e: {  	[sflag:s5] =	ssyncset.done @!p2 $0x0  }
0x16f: {  	[sflag:s5] =	ssyncadd.s32 @!p2 $0xFFFFFF80  }
0x170: {  	_ =	swait.ge @!p2 [sflag:s5], $0x80  }
0x171: {  	[sflag:s5] =	ssyncset.done @!p2 $0x0  }
0x172: {  	[sflag:s5] =	ssyncadd.s32 @!p2 $0xFFFFFF80  }
0x173: {  	_ =	swait.ge @!p2 [sflag:s5], $0x80  }
0x174: {  	[sflag:s5] =	ssyncset.done @!p2 $0x0  }
0x175: {  	[sflag:s5] =	ssyncadd.s32 @!p2 $0xFFFFFF80  }
0x176: {  	_ =	swait.ge @!p2 [sflag:s5], $0x80  }
0x177: {  	s7 =	simm.s32 @!p2 $0x500;
	[sflag:s5] =	ssyncset.done @!p2 $0x0  }
0x178: {  	s6 =	simm.s32 @!p2 $0x100;
	[sflag:s5] =	ssyncadd.s32 @!p2 $0xFFFFFF80;
	s5 =	simm.s32 @!p2 $0x80  }
0x179: {  	[tilespmem:s7], [sflag:$0x3] =	stream.indirect.gather @!p2 [hbm4b:s8+s5], $0x80, s6, s5, $0xb8;
	[tilespmem:$0x14700] =	vst v63  }
0x17a: {  	s6 =	simm.s32 @!p2 $0x180;
	s7 =	simm.s32 @!p2 $0x4500  }
0x17b: {  	[tilespmem:s7], [sflag:$0x3] =	stream.indirect.gather @!p2 [hbm4b:s8+s5], $0x80, s6, s5, $0xb8;
	[tilespmem:$0x14700] =	vst v63  }
0x17c: {  	s5 =	rddreg [dreg:$0xe]  }
0x17d: {  	s4 =	sadd.s32 @!p0 s4, s5  }
0x17e: {  	s5 =	rddreg [dreg:$0x3];
	s4 =	sshrl.u32 @!p0 s4, $0x3  }
0x17f: {  	s4 =	sadd.s32 @!p0 s5, s4  }
0x180: {  	[tilespmem:s1], [sflag:$0x1] =	stream.linear.gather @!p0 [hbm4b:s4+s2], $0x80, $0x38;
	[tilespmem:$0x14700] =	vst v63  }
0x181: {  	_ =	swait.ge [sflag:s18], $0x4000  }
0x182: {  	[sflag:s18] =	ssyncset.done $0x0  }
0x183: {  	[sflag:s18] =	ssyncadd.s32 $0xFFFFC000  }
0x184: {  	_ =	swait.ge [sflag:s18], $0x4000  }
0x185: {  	s28 =	smov.u32 s10;
	s22 =	simm.s32 @p0 $0x67;
	[sflag:s18] =	ssyncset.done $0x0  }
0x186: {  	s10 =	smov.u32 s9;
	s14 =	simm.s32 $0x0;
	[sflag:s18] =	ssyncadd.s32 $0xFFFFC000  }
.LBB2_7:
0x187: {  	s6 =	sshll.u32 s14, $0x2  }
0x188: {  	v0 =	vmov s6  }
0x189: {  	v0 =	vand.u32 $0xFFFFFFF0, v0  }
0x18a: {  	v0 =	vbroadcast v0, $0x0;
	_ =	sdelay $0x2  }
0x18b: {  	s16 =	sshll.u32 s14, $0x9  }
0x18c: {  	s29 =	sor.u32 $0x1, s14;
	v2 =	vld [tilespmem:s16+$0x8500]  }
0x18d: {  	v3 =	vld [tilespmem:s16+$0xC500];
	s4 =	sshll.u32 s29, $0x2  }
0x18e: {  	v4 =	vmov s4;
	v1 =	vld.idx.msk [tilespmem:v0+s31+$0x0], $0xffff  }
0x18f: {  	v4 =	vand.u32 $0xFFFFFFF4, v4;
	v0 =	vld.idx.msk [tilespmem:v0+s0+$0x0], $0xffff  }
0x190: {  	v4 =	vbroadcast v4, $0x0;
	_ =	sdelay $0x2  }
0x191: {  	s5 =	sshll.u32 s29, $0x9  }
0x192: {  	s17 =	sor.u32 $0x2, s14;
	v8 =	vld [tilespmem:s5+$0x8500];
	v2 =	vmul.f32 v2, v1;
	v3 =	vmul.f32 v3, v0  }
0x193: {  	s19 =	sshll.u32 s17, $0x2;
	v9 =	vld [tilespmem:s5+$0xC500]  }
0x194: {  	s1 =	sshll.u32 s14, $0x8;
	v43 =	vmov s19;
	v6 =	vld.idx.msk [tilespmem:v4+s31+$0x0], $0xffff;
	v2 =	vadd.f32 v3, v2  }
0x195: {  	s12 =	sand.u32 $0x3FFFFF00, s1;
	v44 =	vand.u32 $0xFFFFFFF8, v43;
	v4 =	vld.idx.msk [tilespmem:v4+s0+$0x0], $0xffff  }
0x196: {  	[tilespmem:s12+$0x12500] =	vst v2;
	v2 =	vbroadcast v44, $0x0  }
0x197: {  	s11 =	sshll.u32 s17, $0x9  }
0x198: {  	v11 =	vld [tilespmem:s11+$0x8500]  }
0x199: {  	s15 =	sor.u32 $0x3, s14;
	v12 =	vld [tilespmem:s11+$0xC500]  }
0x19a: {  	s30 =	sshll.u32 s15, $0x2;
	v8 =	vmul.f32 v8, v6;
	v9 =	vmul.f32 v9, v4;
	v45 =	vld [tilespmem:s16+$0x8510]  }
0x19b: {  	v7 =	vmov s30;
	v5 =	vld [tilespmem:s16+$0xC510]  }
0x19c: {  	s7 =	sshll.u32 s29, $0x8;
	v7 =	vbroadcast v7, $0x0;
	v8 =	vadd.f32 v9, v8;
	v10 =	vld.idx.msk [tilespmem:v2+s31+$0x0], $0xffff  }
0x19d: {  	s13 =	sshll.u32 s15, $0x9;
	s1 =	sand.u32 $0x3FFFFF00, s7;
	v2 =	vld.idx.msk [tilespmem:v2+s0+$0x0], $0xffff  }
0x19e: {  	v46 =	vld [tilespmem:s13+$0x8500];
	[tilespmem:s1+$0x12500] =	vst v8  }
0x19f: {  	v49 =	vld [tilespmem:s5+$0x8510]  }
0x1a0: {  	v50 =	vld [tilespmem:s5+$0xC510];
	v3 =	vmul.f32 v45, v1;
	v5 =	vmul.f32 v5, v0  }
0x1a1: {  	v14 =	vld [tilespmem:s13+$0xC500]  }
0x1a2: {  	v13 =	vld.idx.msk [tilespmem:v7+s31+$0x0], $0xffff;
	v3 =	vadd.f32 v5, v3;
	v47 =	vmul.f32 v11, v10;
	v48 =	vmul.f32 v12, v2  }
0x1a3: {  	v7 =	vld.idx.msk [tilespmem:v7+s0+$0x0], $0xffff  }
0x1a4: {  	s2 =	sshll.u32 s17, $0x8;
	[tilespmem:s12+$0x12510] =	vst v3;
	v5 =	vadd.f32 v48, v47  }
0x1a5: {  	s26 =	sand.u32 $0x3FFFFF00, s2;
	v56 =	vmul.f32 v49, v6;
	v3 =	vmul.f32 v50, v4;
	v51 =	vld [tilespmem:s16+$0x8520]  }
0x1a6: {  	v52 =	vld [tilespmem:s16+$0xC520];
	[tilespmem:s26+$0x12500] =	vst v5  }
0x1a7: {  	v3 =	vadd.f32 v3, v56;
	v55 =	vld [tilespmem:s11+$0x8510]  }
0x1a8: {  	v53 =	vmul.f32 v46, v13;
	v54 =	vmul.f32 v14, v7;
	v15 =	vld [tilespmem:s11+$0xC510]  }
0x1a9: {  	[tilespmem:s1+$0x12510] =	vst v3  }
0x1aa: {  	s9 =	sshll.u32 s15, $0x8;
	v5 =	vadd.f32 v54, v53;
	v63 =	vld [tilespmem:s5+$0x8520]  }
0x1ab: {  	s2 =	sand.u32 $0x3FFFFF00, s9;
	v18 =	vld [tilespmem:s5+$0xC520];
	v57 =	vmul.f32 v51, v1;
	v58 =	vmul.f32 v52, v0  }
0x1ac: {  	[tilespmem:s2+$0x12500] =	vst v5  }
0x1ad: {  	v59 =	vld [tilespmem:s13+$0x8510];
	v5 =	vadd.f32 v58, v57;
	v61 =	vmul.f32 v55, v10;
	v62 =	vmul.f32 v15, v2  }
0x1ae: {  	v60 =	vld [tilespmem:s13+$0xC510]  }
0x1af: {  	[tilespmem:s12+$0x12520] =	vst v5;
	v3 =	vadd.f32 v62, v61  }
0x1b0: {  	v12 =	vmul.f32 v63, v6;
	v5 =	vmul.f32 v18, v4;
	v19 =	vld [tilespmem:s16+$0x8530]  }
0x1b1: {  	v20 =	vld [tilespmem:s16+$0xC530];
	[tilespmem:s26+$0x12510] =	vst v3  }
0x1b2: {  	v5 =	vadd.f32 v5, v12;
	v23 =	vld [tilespmem:s11+$0x8520]  }
0x1b3: {  	s7 =	sor.u32 $0x1, s6;
	v21 =	vmul.f32 v59, v13;
	v22 =	vmul.f32 v60, v7;
	v24 =	vld [tilespmem:s11+$0xC520]  }
0x1b4: {  	v25 =	vmov s7;
	[tilespmem:s1+$0x12520] =	vst v5  }
0x1b5: {  	v9 =	vand.u32 $0xFFFFFFF1, v25;
	v3 =	vadd.f32 v22, v21;
	v31 =	vld [tilespmem:s5+$0x8530]  }
0x1b6: {  	v26 =	vbroadcast v9, $0x0;
	v32 =	vld [tilespmem:s5+$0xC530]  }
0x1b7: {  	s5 =	sor.u32 $0x1, s4;
	v1 =	vmul.f32 v19, v1;
	v0 =	vmul.f32 v20, v0;
	[tilespmem:s2+$0x12510] =	vst v3  }
0x1b8: {  	v33 =	vmov s5;
	v27 =	vld [tilespmem:s13+$0x8520];
	v29 =	vmul.f32 v23, v10;
	v30 =	vmul.f32 v24, v2  }
0x1b9: {  	v35 =	vand.u32 $0xFFFFFFF5, v33;
	v28 =	vld [tilespmem:s13+$0xC520];
	v0 =	vadd.f32 v0, v1  }
0x1ba: {  	v9 =	vbroadcast v35, $0x0;
	v5 =	vadd.f32 v30, v29  }
0x1bb: {  	[tilespmem:s12+$0x12530] =	vst v0;
	v1 =	vmul.f32 v31, v6;
	v4 =	vmul.f32 v32, v4  }
0x1bc: {  	v0 =	vld.idx.msk [tilespmem:v26+s31+$0x0], $0xffff;
	[tilespmem:s26+$0x12520] =	vst v5  }
0x1bd: {  	v1 =	vadd.f32 v4, v1;
	v36 =	vld [tilespmem:s11+$0x8530]  }
0x1be: {  	v34 =	vmul.f32 v27, v13;
	v8 =	vmul.f32 v28, v7;
	v37 =	vld [tilespmem:s11+$0xC530]  }
0x1bf: {  	s16 =	sor.u32 $0x1, s19;
	v3 =	vld.idx.msk [tilespmem:v26+s0+$0x0], $0xffff;
	[tilespmem:s1+$0x12530] =	vst v1  }
0x1c0: {  	v39 =	vmov s16;
	v5 =	vadd.f32 v8, v34;
	v44 =	vld.idx.msk [tilespmem:v9+s31+$0x0], $0xffff;
	s11 =	sshll.u32 s7, $0x7  }
0x1c1: {  	v40 =	vand.u32 $0xFFFFFFF9, v39;
	v38 =	vld [tilespmem:s11+$0x8500]  }
0x1c2: {  	v4 =	vbroadcast v40, $0x0;
	[tilespmem:s2+$0x12520] =	vst v5;
	v42 =	vld [tilespmem:s11+$0xC500]  }
0x1c3: {  	v5 =	vld [tilespmem:s13+$0x8530];
	v43 =	vmul.f32 v36, v10;
	v2 =	vmul.f32 v37, v2  }
0x1c4: {  	v41 =	vld [tilespmem:s13+$0xC530]  }
0x1c5: {  	s5 =	sshll.u32 s5, $0x7;
	v9 =	vld.idx.msk [tilespmem:v9+s0+$0x0], $0xffff;
	v1 =	vadd.f32 v2, v43  }
0x1c6: {  	v46 =	vld [tilespmem:s5+$0x8500]  }
0x1c7: {  	s9 =	sor.u32 $0x1, s30;
	v47 =	vld [tilespmem:s5+$0xC500];
	v6 =	vmul.f32 v38, v0;
	v52 =	vmul.f32 v42, v3;
	[tilespmem:s26+$0x12530] =	vst v1  }
0x1c8: {  	v45 =	vmov s9;
	v50 =	vld.idx.msk [tilespmem:v4+s31+$0x0], $0xffff  }
0x1c9: {  	s7 =	sshll.u32 s16, $0x7;
	v48 =	vmul.f32 v5, v13;
	v49 =	vmul.f32 v41, v7;
	v6 =	vadd.f32 v52, v6;
	v4 =	vld.idx.msk [tilespmem:v4+s0+$0x0], $0xffff  }
0x1ca: {  	v2 =	vbroadcast v45, $0x0;
	v51 =	vld [tilespmem:s7+$0x8500]  }
0x1cb: {  	v1 =	vadd.f32 v49, v48;
	v53 =	vld [tilespmem:s7+$0xC500];
	[tilespmem:s12+$0x12540] =	vst v6  }
0x1cc: {  	v58 =	vld [tilespmem:s11+$0x8510]  }
0x1cd: {  	s9 =	sshll.u32 s9, $0x7;
	v55 =	vmul.f32 v46, v44;
	v56 =	vmul.f32 v47, v9;
	[tilespmem:s2+$0x12530] =	vst v1;
	v59 =	vld [tilespmem:s11+$0xC510]  }
0x1ce: {  	v54 =	vld [tilespmem:s9+$0x8500]  }
0x1cf: {  	v6 =	vadd.f32 v56, v55;
	v57 =	vld [tilespmem:s9+$0xC500]  }
0x1d0: {  	v1 =	vld.idx.msk [tilespmem:v2+s31+$0x0], $0xffff  }
0x1d1: {  	[tilespmem:s1+$0x12540] =	vst v6;
	v2 =	vld.idx.msk [tilespmem:v2+s0+$0x0], $0xffff;
	v5 =	vmul.f32 v51, v50;
	v60 =	vmul.f32 v53, v4  }
0x1d2: {  	v6 =	vld [tilespmem:s5+$0x8510]  }
0x1d3: {  	v62 =	vld [tilespmem:s5+$0xC510];
	v63 =	vmul.f32 v58, v0;
	v16 =	vmul.f32 v59, v3;
	v5 =	vadd.f32 v60, v5;
	_ =	sdelay $0x1  }
0x1d4: {  	v19 =	vadd.f32 v16, v63;
	[tilespmem:s26+$0x12540] =	vst v5  }
0x1d5: {  	v8 =	vmul.f32 v54, v1;
	v61 =	vmul.f32 v57, v2;
	v18 =	vld [tilespmem:s7+$0x8510]  }
0x1d6: {  	v20 =	vld [tilespmem:s7+$0xC510];
	[tilespmem:s12+$0x12550] =	vst v19  }
0x1d7: {  	v6 =	vmul.f32 v6, v44;
	v21 =	vmul.f32 v62, v9;
	v17 =	vadd.f32 v61, v8;
	v23 =	vld [tilespmem:s11+$0x8520]  }
0x1d8: {  	v24 =	vld [tilespmem:s11+$0xC520]  }
0x1d9: {  	v6 =	vadd.f32 v21, v6;
	[tilespmem:s2+$0x12540] =	vst v17  }
0x1da: {  	v5 =	vld [tilespmem:s9+$0x8510]  }
0x1db: {  	[tilespmem:s1+$0x12550] =	vst v6;
	v22 =	vld [tilespmem:s9+$0xC510];
	v8 =	vmul.f32 v18, v50;
	v25 =	vmul.f32 v20, v4  }
0x1dc: {  	v6 =	vld [tilespmem:s5+$0x8520]  }
0x1dd: {  	v27 =	vld [tilespmem:s5+$0xC520];
	v28 =	vmul.f32 v23, v0;
	v29 =	vmul.f32 v24, v3;
	v8 =	vadd.f32 v25, v8;
	_ =	sdelay $0x1  }
0x1de: {  	v30 =	vadd.f32 v29, v28;
	[tilespmem:s26+$0x12550] =	vst v8  }
0x1df: {  	v5 =	vmul.f32 v5, v1;
	v26 =	vmul.f32 v22, v2;
	v8 =	vld [tilespmem:s7+$0x8520]  }
0x1e0: {  	v31 =	vld [tilespmem:s7+$0xC520];
	[tilespmem:s12+$0x12560] =	vst v30  }
0x1e1: {  	v6 =	vmul.f32 v6, v44;
	v32 =	vmul.f32 v27, v9;
	v5 =	vadd.f32 v26, v5;
	v34 =	vld [tilespmem:s11+$0x8530]  }
0x1e2: {  	v35 =	vld [tilespmem:s11+$0xC530]  }
0x1e3: {  	s6 =	sor.u32 $0x2, s6;
	v6 =	vadd.f32 v32, v6;
	[tilespmem:s2+$0x12550] =	vst v5  }
0x1e4: {  	v36 =	vmov s6;
	v5 =	vld [tilespmem:s9+$0x8520]  }
0x1e5: {  	v11 =	vand.u32 $0xFFFFFFF2, v36;
	[tilespmem:s1+$0x12560] =	vst v6;
	v33 =	vld [tilespmem:s9+$0xC520];
	v8 =	vmul.f32 v8, v50;
	v13 =	vmul.f32 v31, v4  }
0x1e6: {  	v11 =	vbroadcast v11, $0x0;
	v6 =	vld [tilespmem:s5+$0x8530]  }
0x1e7: {  	v37 =	vld [tilespmem:s5+$0xC530];
	v0 =	vmul.f32 v34, v0;
	v3 =	vmul.f32 v35, v3;
	v8 =	vadd.f32 v13, v8;
	_ =	sdelay $0x1  }
0x1e8: {  	v0 =	vadd.f32 v3, v0;
	[tilespmem:s26+$0x12560] =	vst v8  }
0x1e9: {  	s11 =	sor.u32 $0x2, s4;
	v5 =	vmul.f32 v5, v1;
	v12 =	vmul.f32 v33, v2;
	v39 =	vld [tilespmem:s7+$0x8530]  }
0x1ea: {  	v38 =	vmov s11;
	v40 =	vld [tilespmem:s7+$0xC530];
	[tilespmem:s12+$0x12570] =	vst v0  }
0x1eb: {  	v43 =	vmul.f32 v6, v44;
	v44 =	vmul.f32 v37, v9;
	v5 =	vadd.f32 v12, v5;
	v9 =	vld.idx.msk [tilespmem:v11+s31+$0x0], $0xffff  }
0x1ec: {  	s16 =	sshll.u32 s6, $0x7;
	s13 =	sor.u32 $0x2, s19;
	v41 =	vand.u32 $0xFFFFFFF6, v38;
	v11 =	vld.idx.msk [tilespmem:v11+s0+$0x0], $0xffff  }
0x1ed: {  	v45 =	vmov s13;
	v3 =	vbroadcast v41, $0x0;
	v47 =	vld [tilespmem:s16+$0x8500];
	[tilespmem:s2+$0x12560] =	vst v5  }
0x1ee: {  	v46 =	vand.u32 $0xFFFFFFFA, v45;
	v0 =	vadd.f32 v44, v43;
	v5 =	vld [tilespmem:s9+$0x8530]  }
0x1ef: {  	v6 =	vbroadcast v46, $0x0;
	v42 =	vld [tilespmem:s9+$0xC530]  }
0x1f0: {  	s19 =	sor.u32 $0x2, s30;
	s30 =	sshll.u32 s11, $0x7;
	v48 =	vld [tilespmem:s16+$0xC500];
	[tilespmem:s1+$0x12570] =	vst v0;
	v49 =	vmul.f32 v39, v50;
	v4 =	vmul.f32 v40, v4  }
0x1f1: {  	v51 =	vld [tilespmem:s30+$0x8500]  }
0x1f2: {  	v52 =	vld [tilespmem:s30+$0xC500];
	v50 =	vmov s19;
	v0 =	vadd.f32 v4, v49  }
0x1f3: {  	v7 =	vld.idx.msk [tilespmem:v3+s31+$0x0], $0xffff;
	v4 =	vbroadcast v50, $0x0  }
0x1f4: {  	v3 =	vld.idx.msk [tilespmem:v3+s0+$0x0], $0xffff;
	v53 =	vmul.f32 v5, v1;
	v54 =	vmul.f32 v42, v2;
	[tilespmem:s26+$0x12570] =	vst v0  }
0x1f5: {  	v2 =	vld.idx.msk [tilespmem:v6+s31+$0x0], $0xffff  }
0x1f6: {  	s7 =	sshll.u32 s13, $0x7;
	v55 =	vld.idx.msk [tilespmem:v6+s0+$0x0], $0xffff;
	v0 =	vadd.f32 v54, v53  }
0x1f7: {  	v56 =	vld [tilespmem:s7+$0x8500]  }
0x1f8: {  	v57 =	vmul.f32 v47, v9;
	v58 =	vmul.f32 v48, v11;
	v59 =	vld [tilespmem:s7+$0xC500];
	[tilespmem:s2+$0x12570] =	vst v0  }
0x1f9: {  	v0 =	vld.idx.msk [tilespmem:v4+s31+$0x0], $0xffff  }
0x1fa: {  	s9 =	sshll.u32 s19, $0x7;
	v6 =	vadd.f32 v58, v57;
	v4 =	vld.idx.msk [tilespmem:v4+s0+$0x0], $0xffff  }
0x1fb: {  	v60 =	vld [tilespmem:s9+$0x8500]  }
0x1fc: {  	v61 =	vmul.f32 v51, v7;
	v62 =	vmul.f32 v52, v3;
	[tilespmem:s12+$0x12580] =	vst v6;
	v63 =	vld [tilespmem:s9+$0xC500]  }
0x1fd: {  	v18 =	vld [tilespmem:s16+$0x8510]  }
0x1fe: {  	v6 =	vadd.f32 v62, v61;
	v19 =	vld [tilespmem:s16+$0xC510]  }
0x1ff: {  	v1 =	vmul.f32 v56, v2;
	v10 =	vmul.f32 v59, v55  }
0x200: {  	[tilespmem:s1+$0x12580] =	vst v6  }
0x201: {  	v6 =	vld [tilespmem:s30+$0x8510];
	v1 =	vadd.f32 v10, v1;
	v8 =	vmul.f32 v60, v0;
	v20 =	vmul.f32 v63, v4  }
0x202: {  	v21 =	vld [tilespmem:s30+$0xC510]  }
0x203: {  	v22 =	vmul.f32 v18, v9;
	v23 =	vmul.f32 v19, v11;
	[tilespmem:s26+$0x12580] =	vst v1;
	v24 =	vadd.f32 v20, v8  }
0x204: {  	v25 =	vld [tilespmem:s7+$0x8510]  }
0x205: {  	v26 =	vadd.f32 v23, v22;
	v27 =	vld [tilespmem:s7+$0xC510];
	[tilespmem:s2+$0x12580] =	vst v24  }
0x206: {  	v1 =	vld [tilespmem:s9+$0x8510]  }
0x207: {  	v6 =	vmul.f32 v6, v7;
	v28 =	vmul.f32 v21, v3;
	[tilespmem:s12+$0x12590] =	vst v26;
	v29 =	vld [tilespmem:s9+$0xC510]  }
0x208: {  	v30 =	vld [tilespmem:s16+$0x8520]  }
0x209: {  	v6 =	vadd.f32 v28, v6;
	v31 =	vld [tilespmem:s16+$0xC520]  }
0x20a: {  	v8 =	vmul.f32 v25, v2;
	v32 =	vmul.f32 v27, v55  }
0x20b: {  	[tilespmem:s1+$0x12590] =	vst v6  }
0x20c: {  	v6 =	vld [tilespmem:s30+$0x8520];
	v8 =	vadd.f32 v32, v8;
	v1 =	vmul.f32 v1, v0;
	v33 =	vmul.f32 v29, v4  }
0x20d: {  	v34 =	vld [tilespmem:s30+$0xC520]  }
0x20e: {  	v35 =	vmul.f32 v30, v9;
	v36 =	vmul.f32 v31, v11;
	[tilespmem:s26+$0x12590] =	vst v8;
	v1 =	vadd.f32 v33, v1  }
0x20f: {  	v8 =	vld [tilespmem:s7+$0x8520]  }
0x210: {  	v37 =	vadd.f32 v36, v35;
	v38 =	vld [tilespmem:s7+$0xC520];
	[tilespmem:s2+$0x12590] =	vst v1  }
0x211: {  	v1 =	vld [tilespmem:s9+$0x8520]  }
0x212: {  	v6 =	vmul.f32 v6, v7;
	v39 =	vmul.f32 v34, v3;
	[tilespmem:s12+$0x125A0] =	vst v37;
	v40 =	vld [tilespmem:s9+$0xC520]  }
0x213: {  	v41 =	vld [tilespmem:s16+$0x8530]  }
0x214: {  	s13 =	sshllo.u32 s14, $0x2;
	v6 =	vadd.f32 v39, v6;
	v42 =	vld [tilespmem:s16+$0xC530]  }
0x215: {  	v43 =	vmov s13;
	v8 =	vmul.f32 v8, v2;
	v13 =	vmul.f32 v38, v55  }
0x216: {  	v10 =	vand.u32 $0xFFFFFFF3, v43;
	[tilespmem:s1+$0x125A0] =	vst v6  }
0x217: {  	v6 =	vld [tilespmem:s30+$0x8530];
	v8 =	vadd.f32 v13, v8;
	v1 =	vmul.f32 v1, v0;
	v12 =	vmul.f32 v40, v4  }
0x218: {  	v10 =	vbroadcast v10, $0x0;
	v44 =	vld [tilespmem:s30+$0xC530]  }
0x219: {  	v9 =	vmul.f32 v41, v9;
	v11 =	vmul.f32 v42, v11;
	[tilespmem:s26+$0x125A0] =	vst v8;
	v1 =	vadd.f32 v12, v1  }
0x21a: {  	v46 =	vld [tilespmem:s7+$0x8530]  }
0x21b: {  	s16 =	sshllo.u32 s29, $0x2;
	v47 =	vld [tilespmem:s7+$0xC530];
	v9 =	vadd.f32 v11, v9;
	[tilespmem:s2+$0x125A0] =	vst v1  }
0x21c: {  	v45 =	vmov s16;
	v49 =	vld [tilespmem:s9+$0x8530]  }
0x21d: {  	s17 =	sshllo.u32 s17, $0x2;
	v8 =	vand.u32 $0xFFFFFFF7, v45;
	v6 =	vmul.f32 v6, v7;
	v3 =	vmul.f32 v44, v3;
	[tilespmem:s12+$0x125B0] =	vst v9;
	v50 =	vld [tilespmem:s9+$0xC530]  }
0x21e: {  	v51 =	vmov s17;
	v48 =	vbroadcast v8, $0x0;
	v7 =	vld.idx.msk [tilespmem:v10+s31+$0x0], $0xffff  }
0x21f: {  	s4 =	sshll.u32 s13, $0x7;
	v52 =	vand.u32 $0xFFFFFFFB, v51;
	v3 =	vadd.f32 v3, v6;
	v10 =	vld.idx.msk [tilespmem:v10+s0+$0x0], $0xffff  }
0x220: {  	v6 =	vbroadcast v52, $0x0;
	v53 =	vld [tilespmem:s4+$0x8500]  }
0x221: {  	s6 =	sshll.u32 s16, $0x7;
	v54 =	vld [tilespmem:s4+$0xC500];
	[tilespmem:s1+$0x125B0] =	vst v3;
	v2 =	vmul.f32 v46, v2;
	v55 =	vmul.f32 v47, v55  }
0x222: {  	v56 =	vld [tilespmem:s6+$0x8500]  }
0x223: {  	v57 =	vld [tilespmem:s6+$0xC500];
	v2 =	vadd.f32 v55, v2  }
0x224: {  	s19 =	sshllo.u32 s15, $0x2;
	v5 =	vld.idx.msk [tilespmem:v48+s31+$0x0], $0xffff  }
0x225: {  	v59 =	vmov s19;
	v1 =	vld.idx.msk [tilespmem:v48+s0+$0x0], $0xffff;
	v0 =	vmul.f32 v49, v0;
	v58 =	vmul.f32 v50, v4;
	[tilespmem:s26+$0x125B0] =	vst v2  }
0x226: {  	v8 =	vld.idx.msk [tilespmem:v6+s31+$0x0], $0xffff  }
0x227: {  	s5 =	sshll.u32 s17, $0x7;
	v6 =	vld.idx.msk [tilespmem:v6+s0+$0x0], $0xffff;
	v0 =	vadd.f32 v58, v0  }
0x228: {  	v60 =	vld [tilespmem:s5+$0x8500]  }
0x229: {  	v61 =	vld [tilespmem:s5+$0xC500];
	[tilespmem:s2+$0x125B0] =	vst v0  }
0x22a: {  	v0 =	vld.idx.msk [tilespmem:v59+s31+$0x0], $0xffff  }
0x22b: {  	s29 =	sshll.u32 s19, $0x7;
	v4 =	vld.idx.msk [tilespmem:v59+s0+$0x0], $0xffff  }
0x22c: {  	v9 =	vmul.f32 v53, v7;
	v13 =	vmul.f32 v54, v10;
	v62 =	vld [tilespmem:s29+$0x8500]  }
0x22d: {  	v63 =	vld [tilespmem:s29+$0xC500]  }
0x22e: {  	v9 =	vadd.f32 v13, v9;
	v3 =	vmul.f32 v56, v5;
	v12 =	vmul.f32 v57, v1;
	_ =	sdelay $0x1  }
0x22f: {  	[tilespmem:s12+$0x125C0] =	vst v9;
	v3 =	vadd.f32 v12, v3;
	v2 =	vmul.f32 v60, v8;
	v18 =	vmul.f32 v61, v6  }
0x230: {  	v19 =	vld [tilespmem:s4+$0x8510]  }
0x231: {  	v20 =	vld [tilespmem:s4+$0xC510];
	[tilespmem:s1+$0x125C0] =	vst v3;
	v2 =	vadd.f32 v18, v2;
	v21 =	vmul.f32 v62, v0;
	v22 =	vmul.f32 v63, v4  }
0x232: {  	v23 =	vld [tilespmem:s6+$0x8510]  }
0x233: {  	v24 =	vld [tilespmem:s6+$0xC510];
	[tilespmem:s26+$0x125C0] =	vst v2;
	v25 =	vadd.f32 v22, v21  }
0x234: {  	v26 =	vld [tilespmem:s5+$0x8510]  }
0x235: {  	v27 =	vld [tilespmem:s5+$0xC510];
	[tilespmem:s2+$0x125C0] =	vst v25  }
0x236: {  	v28 =	vmul.f32 v19, v7;
	v29 =	vmul.f32 v20, v10;
	v30 =	vld [tilespmem:s29+$0x8510]  }
0x237: {  	v31 =	vld [tilespmem:s29+$0xC510]  }
0x238: {  	v2 =	vadd.f32 v29, v28;
	v32 =	vmul.f32 v23, v5;
	v33 =	vmul.f32 v24, v1;
	_ =	sdelay $0x1  }
0x239: {  	[tilespmem:s12+$0x125D0] =	vst v2;
	v34 =	vadd.f32 v33, v32;
	v3 =	vmul.f32 v26, v8;
	v9 =	vmul.f32 v27, v6  }
0x23a: {  	v35 =	vld [tilespmem:s4+$0x8520]  }
0x23b: {  	v36 =	vld [tilespmem:s4+$0xC520];
	[tilespmem:s1+$0x125D0] =	vst v34;
	v37 =	vadd.f32 v9, v3;
	v38 =	vmul.f32 v30, v0;
	v39 =	vmul.f32 v31, v4  }
0x23c: {  	v40 =	vld [tilespmem:s6+$0x8520]  }
0x23d: {  	v41 =	vld [tilespmem:s6+$0xC520];
	[tilespmem:s26+$0x125D0] =	vst v37;
	v42 =	vadd.f32 v39, v38  }
0x23e: {  	v43 =	vld [tilespmem:s5+$0x8520]  }
0x23f: {  	v44 =	vld [tilespmem:s5+$0xC520];
	[tilespmem:s2+$0x125D0] =	vst v42  }
0x240: {  	v45 =	vmul.f32 v35, v7;
	v46 =	vmul.f32 v36, v10;
	v47 =	vld [tilespmem:s29+$0x8520]  }
0x241: {  	v48 =	vld [tilespmem:s29+$0xC520]  }
0x242: {  	v2 =	vadd.f32 v46, v45;
	v49 =	vmul.f32 v40, v5;
	v50 =	vmul.f32 v41, v1;
	_ =	sdelay $0x1  }
0x243: {  	[tilespmem:s12+$0x125E0] =	vst v2;
	v51 =	vadd.f32 v50, v49;
	v3 =	vmul.f32 v43, v8;
	v9 =	vmul.f32 v44, v6  }
0x244: {  	v52 =	vld [tilespmem:s4+$0x8530]  }
0x245: {  	v53 =	vld [tilespmem:s4+$0xC530];
	[tilespmem:s1+$0x125E0] =	vst v51;
	v54 =	vadd.f32 v9, v3;
	v55 =	vmul.f32 v47, v0;
	v56 =	vmul.f32 v48, v4  }
0x246: {  	v57 =	vld [tilespmem:s6+$0x8530]  }
0x247: {  	v58 =	vld [tilespmem:s6+$0xC530];
	[tilespmem:s26+$0x125E0] =	vst v54;
	v59 =	vadd.f32 v56, v55  }
0x248: {  	v60 =	vld [tilespmem:s5+$0x8530]  }
0x249: {  	v61 =	vld [tilespmem:s5+$0xC530];
	[tilespmem:s2+$0x125E0] =	vst v59  }
0x24a: {  	v2 =	vld [tilespmem:s29+$0x8530]  }
0x24b: {  	v62 =	vld [tilespmem:s29+$0xC530];
	_ =	sdelay $0x1  }
0x24c: {  	v7 =	vmul.f32 v52, v7;
	v10 =	vmul.f32 v53, v10  }
0x24d: {  	v5 =	vmul.f32 v57, v5;
	v1 =	vmul.f32 v58, v1  }
0x24e: {  	p2 =	slt.u32 s14, $0x1C;
	v7 =	vadd.f32 v10, v7;
	v3 =	vmul.f32 v60, v8;
	v6 =	vmul.f32 v61, v6  }
.Ltmp4:
0x24f: {  	v1 =	vadd.f32 v1, v5;
	v0 =	vmul.f32 v2, v0;
	v63 =	vmul.f32 v62, v4;
	(pc) =	sbr.rel @p2 .LBB2_7-.Ltmp4, $4  }
0x250: {  	[tilespmem:s12+$0x125F0] =	vst v7;
	v3 =	vadd.f32 v6, v3  }
0x251: {  	s30 =	sadd.s32 $0x4, s14;
	[tilespmem:s1+$0x125F0] =	vst v1;
	v0 =	vadd.f32 v63, v0  }
0x252: {  	s14 =	smov.u32 s30;
	s4 =	simm.s32 $0x14610;
	[tilespmem:s26+$0x125F0] =	vst v3  }
0x253: {  	s5 =	simm.s32 $0x410;
	s1 =	simm.s32 $0x14690;
	[tilespmem:s2+$0x125F0] =	vst v0;
	s2 =	simm.s32 $0x490  }
0x254: {  	v0 =	vld [tilespmem:s5+$0x0];
	_ =	sdelay $0x1  }
0x255: {  	v1 =	vld [tilespmem:s5+$0xFFFFFFF0]  }
0x256: {  	s30 =	simm.s32 $0x430  }
0x257: {  	v3 =	vld [tilespmem:s30+$0x0]  }
0x258: {  	[tilespmem:s4+$0x0] =	vst v0  }
0x259: {  	v0 =	vld [tilespmem:s2+$0x0]  }
0x25a: {  	v2 =	vld [tilespmem:s30+$0xFFFFFFF0];
	[tilespmem:s4+$0xFFFFFFF0] =	vst v1  }
0x25b: {  	s6 =	simm.s32 $0x2;
	s4 =	simm.s32 $0x14630;
	v1 =	vld [tilespmem:s2+$0xFFFFFFF0]  }
0x25c: {  	s11 =	simm.s32 $0x450;
	s5 =	simm.s32 $0x14690;
	s13 =	simm.s32 $0x300;
	[tilespmem:s4+$0x0] =	vst v3  }
.LBB2_9:
0x25d: {  	s6 =	sadd.s32 $0x2, s6  }
0x25e: {  	v3 =	vld [tilespmem:s11+$0x0];
	[tilespmem:s1+$0x0] =	vst v0;
	s5 =	sadd.s32 $0x20, s5;
	s2 =	sadd.s32 $0x20, s2;
	p2 =	slt.u32 s6, $0x6  }
.Ltmp5:
0x25f: {  	[tilespmem:s4+$0xFFFFFFF0] =	vst v2;
	v0 =	vld [tilespmem:s2+$0x0];
	(pc) =	sbr.rel @p2 .LBB2_9-.Ltmp5, $4  }
0x260: {  	v2 =	vld [tilespmem:s11+$0xFFFFFFF0];
	[tilespmem:s1+$0xFFFFFFF0] =	vst v1;
	s1 =	smov.u32 s5  }
0x261: {  	v1 =	vld [tilespmem:s2+$0xFFFFFFF0]  }
0x262: {  	s4 =	sadd.s32 $0x20, s4  }
0x263: {  	s11 =	sadd.s32 $0x20, s11;
	[tilespmem:s4+$0x0] =	vst v3  }
0x264: {  	s2 =	sadd.s32 $0x20, s2  }
0x265: {  	[tilespmem:s4+$0xFFFFFFF0] =	vst v2;
	v63 =	vld [tilespmem:s2+$0x0]  }
0x266: {  	v3 =	vld [tilespmem:s2+$0xFFFFFFF0];
	_ =	sdelay $0x1  }
0x267: {  	[tilespmem:s1+$0x0] =	vst v0  }
0x268: {  	s14 =	sadd.s32 $0x20, s5;
	[tilespmem:s1+$0xFFFFFFF0] =	vst v1  }
0x269: {  	[tilespmem:s14+$0x0] =	vst v63  }
0x26a: {  	s1 =	simm.s32 @!p1 $0x6;
	[tilespmem:s14+$0xFFFFFFF0] =	vst v3  }
0x26b: {  	_ =	swait.ge @!p1 [sflag:s1], $0x2000  }
0x26c: {  	[sflag:s1] =	ssyncset.done @!p1 $0x0  }
0x26d: {  	[sflag:s1] =	ssyncadd.s32 @!p1 $0xFFFFE000  }
0x26e: {  	_ =	swait.ge @!p1 [sflag:s1], $0x80  }
0x26f: {  	[sflag:s1] =	ssyncset.done @!p1 $0x0  }
0x270: {  	[sflag:s1] =	ssyncadd.s32 @!p1 $0xFFFFFF80  }
0x271: {  	_ =	swait.ge @!p1 [sflag:s1], $0x80  }
0x272: {  	s15 =	sshll.u32 s22, $0xD;
	s9 =	smov.u32 s10;
	s16 =	rddreg [dreg:$0xd]  }
0x273: {  	s19 =	simm.s32 $0x12500;
	s22 =	sshll.u32 s22, $0x7;
	s2 =	sadd.s32 s16, s15  }
0x274: {  	[sflag:s1] =	ssyncset.done @!p1 $0x0;
	s26 =	rddreg [dreg:$0x8];
	s2 =	sshrl.u32 s2, $0x3  }
0x275: {  	[sflag:s1] =	ssyncadd.s32 @!p1 $0xFFFFFF80;
	s1 =	sadd.s32 s28, s22;
	s17 =	sadd.s32 s10, s2  }
0x276: {  	[hbm4b:s17+s3] =	stream.linear.scatter [tilespmem:s19], [sflag:$0x6], $0x2000, $0x38;
	[tilespmem:$0x14700] =	vst v63  }
.Ltmp6:
0x277: {  	s29 =	rddreg [dreg:$0xa];
	s1 =	sshrl.u32 s1, $0x3;
	(pc) =	sbr.rel @p0 .LBB2_12-.Ltmp6, $4  }
0x278: {  	s10 =	smov.u32 s28;
	s2 =	sadd.s32 s26, s1;
	s28 =	simm.s32 $0x14600  }
0x279: {  	[hbm4b:s2+s3] =	stream.linear.scatter [tilespmem:s28], [sflag:$0x6], $0x80, $0x38;
	[tilespmem:$0x14700] =	vst v63  }
0x27a: {  	s30 =	simm.s32 $0x14680;
	s14 =	simm.s32 $0x380;
	s1 =	sadd.s32 s29, s1  }
0x27b: {  	[hbm4b:s1+s3] =	stream.linear.scatter [tilespmem:s30], [sflag:$0x6], $0x80, $0x38;
	[tilespmem:$0x14700] =	vst v63  }
0x27c: {  	s1 =	simm.s32 $0x1  }
0x27d: {  	_ =	swait.ge [sflag:s1], $0x80  }
0x27e: {  	[sflag:s1] =	ssyncset.done $0x0  }
0x27f: {  	s26 =	rddreg [dreg:$0x4];
	[sflag:s1] =	ssyncadd.s32 $0xFFFFFF80  }
0x280: {  	[tilespmem:s13], [sflag:$0x2] =	stream.indirect.gather [hbm4b:s26+s20], $0x1, s20, s20, $0xb8;
	[tilespmem:$0x14700] =	vst v63  }
0x281: {  	s28 =	rddreg [dreg:$0x5]  }
0x282: {  	[tilespmem:s14], [sflag:$0x2] =	stream.indirect.gather [hbm4b:s28+s20], $0x1, s20, s20, $0xb8;
	[tilespmem:$0x14700] =	vst v63  }
.Ltmp7:
0x283: {  	_ = 	snop;
	(pc) =	sbr.rel .LBB2_2-.Ltmp7, $4  }
0x284: {  	s29 =	rddreg [dreg:$0x6]  }
0x285: {  	[tilespmem:s31], [sflag:$0x2] =	stream.indirect.gather [hbm4b:s29+s20], $0x1, s20, s20, $0xb8;
	[tilespmem:$0x14700] =	vst v63  }
0x286: {  	s21 =	sadd.s32 $0x1, s21;
	s30 =	rddreg [dreg:$0x7]  }
0x287: {  	[tilespmem:s0], [sflag:$0x2] =	stream.indirect.gather [hbm4b:s30+s20], $0x1, s20, s20, $0xb8;
	[tilespmem:$0x14700] =	vst v63  }
.LBB2_13:
0x288: {  	_ =	sfence.sel $0x180000  }
0x289: {  	[bflag:$0x0] =	sbarrier.arrive $0xFFFF  }
0x28a: {  	_ =	strace $0x90000047  }
0x28b: {  	s0 =	stileid.u32;
	[bflag:$0x2] =	sbarrier.arrive $0xFFFF  }
0x28c: {  	p0 =	sne.s32 s0, $0x0;
	s0 =	rddreg [dreg:$0x2]  }
0x28d: {  	s0 =	sadd.s32 @!p0 $0x100000, s0  }
0x28e: {  	[sflag:s0] =	ssyncadd.tile.s32 @!p0 $0x1;
	_ =	shalt  }
.Lfunc_end2:
_tile_overlayer_lowered:
.L_overlay_start_2:
0x28f: {  	(tag) =	ssettag $0x2  }
0x290: {  	s0 =	rddreg [dreg:$0x0];
	s2 =	stileid.u32  }
0x291: {  	s1 =	rddreg [dreg:$0x1];
	p0 =	sne.s32 s2, $0x0  }
0x292: {  	s3 =	rddreg [dreg:$0x2];
	[bflag:$0x3] =	sbarrier.arrive $0xFFFF;
	s2 =	simm.s32 @!p0 $0x1C07  }
0x293: {  	[timem:s3], [sflag:s2] =	dma.local @!p0 [hbm:s0], s1  }
0x294: {  	s0 =	simm.s32 @!p0 $0x7  }
0x295: {  	_ =	swait.ge @!p0 [sflag:s0], s1  }
0x296: {  	s1 =	ssub.s32 @!p0 $0x0, s1;
	[sflag:s0] =	ssyncset.done @!p0 $0x0  }
0x297: {  	[sflag:s0] =	ssyncadd.s32 @!p0 s1  }
0x298: {  	[bflag:$0x3] =	sbarrier.arrive $0xFFFF  }
0x299: {  	_ =	shalt  }

// kernel: sparse-core-data-format-call.cloned.1.call-start
scs
called_computation_lowered:
.L_overlay_start_0:
0x0: {  	s1 =	sld [smem:$0x3FD9]  }
0x1: {  	s2 =	sld [smem:$0x3FFE];
	_ =	sdelay $0x1  }
0x2: {  	s3 =	srdreg.scid  }
0x3: {  	s0 =	sand.u32 $0x1, s3  }
0x4: {  	s17 =	sshll.u32 s0, $0xA;
	s1 =	sadd.s32 s2, s1  }
0x5: {  	s1 =	sadd.s32 s1, s17  }
0x6: {  	[smem:$0x3FC5] =	sst s1  }
0x7: {  	_ = 	snop  }
0x8: {  	(tm) =	ssettm $0x1  }
0x9: {  	s18 =	sld [smem:$0x3FFB];
	_ =	sdelay $0x3  }
0xa: {  	_ =	strace s18  }
0xb: {  	s1 =	sld [smem:$0x3FFC];
	_ =	sdelay $0x3  }
0xc: {  	_ =	strace s1  }
0xd: {  	s1 =	sld [smem:$0x3FFD];
	_ =	sdelay $0x3  }
0xe: {  	_ =	strace s1  }
0xf: {  	_ =	strace $0x8FFFFFFF  }
0x10: {  	s19 =	sld [smem:$0x3FDB];
	_ =	sdelay $0x1  }
0x11: {  	s20 =	simm.s32 $_scs_section_size  }
0x12: {  	s4 =	simm.s32 $_size__tile_overlayer_lowered;
	s5 =	simm.s32 $_tile_overlayer_lowered  }
0x13: {  	s23 =	simm.s32 $0x1BFF;
	s22 =	sshll.u32 s5, $0x1;
	s1 =	sadd.s32 s20, s19  }
0x14: {  	s6 =	simm.s32 $0x0;
	s21 =	sshll.u32 s4, $0x1;
	s4 =	sadd.s32 s22, s1  }
0x15: {  	[timem:s6], [sflag:s23] =	dma.local [hbm:s4], s21  }
0x16: {  	_ =	swait.ge [sflag:s23], s21  }
0x17: {  	s2 =	ssub.s32 $0x0, s21;
	[sflag:s23] =	ssyncset.done $0x0  }
0x18: {  	[sflag:s23] =	ssyncadd.s32 s2;
	_ =	sdelay $0x1  }
0x19: {  	s24 =	simm.s32 $0x1B8B  }
0x1a: {  	_ =	swait.ge [sflag:s24], $0x1  }
0x1b: {  	[sflag:s24] =	ssyncset.done $0x0  }
0x1c: {  	s26 =	simm.s32 $0x1B8E;
	s25 =	sld [smem:$0x3FFE];
	[sflag:s24] =	ssyncadd.s32 $0xFFFFFFFF  }
0x1d: {  	s27 =	simm.s32 $execute0_lowered;
	[smem:$0x3FD2] =	sst s26  }
0x1e: {  	s4 =	sshll.u32 s27, $0x1;
	_ =	strace $0x80000049;
	[dreg:$0x1] =	wrdreg $0xFFFFFFFF  }
0x1f: {  	s28 =	simm.s32 $_size_execute0_lowered;
	s1 =	sadd.s32 s1, s4;
	[dreg:$0x0] =	wrdreg $0x0  }
0x20: {  	s4 =	sshll.u32 s28, $0x1;
	[dreg:$0x2] =	wrdreg s1  }
0x21: {  	[dreg:$0x3] =	wrdreg s4  }
0x22: {  	[dreg:$0x4] =	wrdreg $0xC0  }
0x23: {  	_ =	task [dreg:s6], $0x5FFFF  }
0x24: {  	[dreg:$0x1] =	wrdreg $0xFFFFFFFF  }
0x25: {  	[dreg:$0x0] =	wrdreg $0x60  }
0x26: {  	[dreg:$0x2] =	wrdreg s25  }
0x27: {  	[dreg:$0x3] =	wrdreg $0x9  }
0x28: {  	_ =	task.clear_ibuf [dreg:s6], $0x4FFFF;
	_ =	strace $0x90000049  }
0x29: {  	s29 =	simm.s32 $0x9;
	_ =	strace $0x8000004B  }
0x2a: {  	_ =	swait.ge [sflag:s29], $0x1  }
0x2b: {  	[sflag:s29] =	ssyncadd.s32 $0xFFFFFFFF  }
0x2c: {  	_ =	strace $0x9000004B  }
0x2d: {  	_ =	sfence  }
0x2e: {  	s30 =	sld [smem:$0x0];
	_ =	sdelay $0x2  }
0x2f: {  	s31 =	sshll.u32 s3, $0xD;
	s3 =	sshrl.u32 s3, $0x2  }
0x30: {  	s2 =	sand.u32 $0x4000, s31;
	s1 =	sadd.s32 s3, s30  }
0x31: {  	s0 =	sor.u32 s2, s0;
	s1 =	sshll.u32 s1, $0x11  }
0x32: {  	s0 =	sor.u32 s1, s0  }
0x33: {  	s0 =	sadd.s32 $0x8F2B, s0  }
0x34: {  	[sflag:s0] =	ssyncadd.remote.s32 $0x1  }
0x35: {  	_ =	sfence.sel $0xFFFF  }
0x36: {  	[dreg:$0x0] =	wrdreg $0xFFFFFFFF;
	(pc) =	sbr.abs _section_cstart, $3  }
0x37: {  	[dreg:$0x1] =	wrdreg $0xFFFFFFFF  }
0x38: {  	_ =	task.clear_ibuf [dreg:s6], $0x2FFFF;
	_ =	strace $0x9FFFFFFF  }
0x39: {  	(tm) =	ssettm $0x7FFFFFFF  }
tec
execute0_lowered:
.L_overlay_start_1:
0x0: {  	(tag) =	ssettag $0x1  }
0x1: {  	s0 =	srdreg.scid  }
0x2: {  	s1 =	sshll.u32 s0, $0x4  }
0x3: {  	s0 =	stileid.u32;
	s1 =	sand.u32 $0x10, s1  }
0x4: {  	s1 =	sor.u32 s0, s1  }
0x5: {  	s6 =	rddreg [dreg:$0x0];
	s7 =	simm.s32 $0x2;
	s2 =	sshll.u32 s1, $0x7  }
0x6: {  	s12 =	simm.s32 $0x0;
	s8 =	simm.s32 $0x20000;
	s1 =	ssub.s32 $0x4000, s2  }
0x7: {  	s13 =	simm.s32 $0x0;
	s9 =	simm.s32 $0x0;
	s3 =	sand.u32 $0xF80, s1  }
0x8: {  	s11 =	simm.s32 $0x0;
	p0 =	sne.s32 s3, $0x0;
	s3 =	simm.s32 $0x1  }
.Ltmp0:
0x9: {  	s4 =	sshrl.u32 s1, $0xC;
	s3 =	simm.s32 @!p0 $0x0;
	(pc) =	sbr.rel .LBB1_1-.Ltmp0, $4  }
0xa: {  	s5 =	sadd.s32 $0x229600, s6;
	s1 =	rddreg [dreg:$0x1];
	s4 =	sadd.s32 s3, s4  }
0xb: {  	_ =	strace $0x8000004A;
	s3 =	simm.s32 $0x1;
	s4 =	smul.u32 $0x1A, s4  }
0xc: {  	s6 =	sadd.s32 $0xA29600, s6;
	s10 =	smov.u32 s2;
	[sflag:s3] =	ssyncpa.u1 $0x0  }
0xd: {  	p0 =	por $0x0, $0x0;
	[sflag:s7] =	ssyncpa.u1 $0x0;
	s7 =	sor.u32 $0x1, s4  }
.LBB1_4:
0xe: {  	s16 =	sshll.u32 s13, $0x3;
	s17 =	sand.u32 $0x78, s13  }
0xf: {  	s30 =	sand.u32 $0x1F800, s13;
	s12 =	sshll.u32 s12, $0x11;
	s16 =	sand.u32 $0x3C00, s16  }
0x10: {  	[tilespmem:s15+$0x810 ss:$0x81] =	vst.msk $0xffff, v2;
	s31 =	sand.u32 $0x7, s13;
	s16 =	sor.u32 s17, s16;
	s17 =	sadd.s32 s6, s30  }
0x11: {  	[tilespmem:s15+$0x1020 ss:$0x81] =	vst.msk $0xffff, v0;
	s13 =	sshll.u32 s31, $0x12;
	s12 =	sadd.s32 s12, s17;
	s16 =	sshrl.u32 s16, $0x3  }
0x12: {  	[tilespmem:s15+$0x0 ss:$0x81] =	vst.msk $0xffff, v1;
	s13 =	sor.u32 $0x400, s13;
	s12 =	sadd.s32 s16, s12  }
0x13: {  	[hbm4b:s12+s13] =	stream.strided.scatter [tilespmem:s14], [sflag:$0x2], $0x2000, s8, s13, $0x20;
	[tilespmem:$0x8080] =	vst v63  }
.LBB1_5:
0x14: {  	s14 =	sadd.s32 $0x1, s9  }
0x15: {  	s12 =	sadd.s32 $0x1000, s10;
	s16 =	smov.u32 s10;
	p2 =	sgt.s32 s14, $0x19  }
0x16: {  	s16 =	smov.u32 @p2 s12  }
0x17: {  	s14 =	simm.s32 @p2 $0x0;
	p2 =	sgt.s32 s16, $0x3FFF  }
0x18: {  	s16 =	smov.u32 @p2 s2;
	p2 =	sne.s32 s11, s7  }
.Ltmp1:
0x19: {  	p1 =	slt.u32 s11, $0x2;
	(pc) =	sbr.rel @!p2 .LBB1_6-.Ltmp1, $4  }
0x1a: {  	s15 =	simm.s32 @!p1 $0x2  }
0x1b: {  	s13 =	smov.u32 s10;
	p0 =	por !p0, !p0;
	_ =	swait.ge @!p1 [sflag:s15], $0x2000  }
0x1c: {  	s12 =	smov.u32 s9;
	[sflag:s15] =	ssyncset.done @!p1 $0x0;
	s9 =	smov.u32 s14  }
0x1d: {  	s11 =	sadd.s32 $0x1, s11;
	[sflag:s15] =	ssyncadd.s32 @!p1 $0xFFFFE000;
	s10 =	smov.u32 s16  }
.LBB1_1:
0x1e: {  	p1 =	sge.u32 s11, s4  }
0x1f: {  	s31 =	sadd.s32 $0xFFFFFFFF, s11;
	s14 =	sxor.u32 @!p1 $0xFFFFFFFF, s11  }
0x20: {  	s15 =	sshll.u32 @!p1 s10, $0x9;
	s16 =	sshll.u32 @!p1 s9, $0x4;
	s17 =	simm.s32 @!p1 $0x1000  }
0x21: {  	s14 =	sshll.u32 @!p1 s14, $0xD;
	s16 =	sand.u32 @!p1 $0x1F0, s16;
	s15 =	sadd.s32 @!p1 s5, s15  }
0x22: {  	s14 =	sand.u32 @!p1 $0x2000, s14;
	s15 =	sadd.s32 @!p1 s16, s15;
	s16 =	simm.s32 @!p1 $0x40  }
0x23: {  	[tilespmem:s14], [sflag:$0x1] =	stream.strided.gather @!p1 [hbm4b:s15+s16], $0x2000, s17, s16, $0x38;
	[tilespmem:$0x8080] =	vst v63  }
0x24: {  	p1 =	sge.u32 s31, s4  }
.Ltmp2:
0x25: {  	_ = 	snop;
	(pc) =	sbr.rel @p1 .LBB1_5-.Ltmp2, $1  }
0x26: {  	_ =	sdelay $0x3  }
0x27: {  	s14 =	simm.s32 $0x1  }
0x28: {  	_ =	swait.ge [sflag:s3], $0x2000;
	s14 =	simm.s32 @!p0 $0x0  }
0x29: {  	[sflag:s3] =	ssyncset.done $0x0;
	s15 =	sshll.u32 s14, $0xD  }
0x2a: {  	[sflag:s3] =	ssyncadd.s32 $0xFFFFE000;
	s18 =	sor.u32 $0x20, s15  }
0x2b: {  	s14 =	smul.u32 $0x8100, s14;
	v3 =	vld [tilespmem:s18+$0x10]  }
0x2c: {  	s30 =	sand.u32 $0x1, s11;
	v2 =	vld [tilespmem:s18+$0xFFFFFFF0]  }
0x2d: {  	s15 =	smul.u32 $0x8100, s30;
	s14 =	sshrl.u32 s14, $0x2;
	v0 =	vld [tilespmem:s18+$0x0]  }
0x2e: {  	v1 =	vld [tilespmem:s18+$0xFFFFFFE0];
	s16 =	sor.u32 $0x4000, s14  }
0x2f: {  	s31 =	sshrl.u32 s15, $0x2;
	s15 =	sadd.s32 $0x0, s16  }
0x30: {  	s17 =	simm.s32 $0x4;
	s18 =	sadd.s32 $0x40, s18;
	s14 =	sor.u32 $0x4000, s31;
	[tilespmem:s15+$0x1830 ss:$0x81] =	vst.msk $0xffff, v3  }
.LBB1_3:
0x31: {  	v3 =	vld [tilespmem:s18+$0x10];
	p1 =	sne.s32 s17, $0x1FC;
	[tilespmem:s15+$0x810 ss:$0x81] =	vst.msk $0xffff, v2;
	s19 =	smov.u32 s17;
	s17 =	sadd.s32 $0x4, s17  }
.Ltmp3:
0x32: {  	v2 =	vld [tilespmem:s18+$0xFFFFFFF0];
	[tilespmem:s15+$0x1020 ss:$0x81] =	vst.msk $0xffff, v0;
	(pc) =	sbr.rel @p1 .LBB1_3-.Ltmp3, $4  }
0x33: {  	v0 =	vld [tilespmem:s18+$0x0];
	[tilespmem:s15+$0x0 ss:$0x81] =	vst.msk $0xffff, v1  }
0x34: {  	s15 =	sshra.s32 s19, $0x2;
	v1 =	vld [tilespmem:s18+$0xFFFFFFE0]  }
0x35: {  	s15 =	sadd.s32 s15, s16  }
0x36: {  	s18 =	sadd.s32 $0x40, s18;
	[tilespmem:s15+$0x1830 ss:$0x81] =	vst.msk $0xffff, v3  }
.Ltmp4:
0x37: {  	_ = 	snop;
	(pc) =	sbr.rel .LBB1_4-.Ltmp4, $1  }
0x38: {  	_ =	sdelay $0x3  }
.LBB1_6:
0x39: {  	_ =	sfence.sel $0x180000  }
0x3a: {  	s2 =	simm.s32 $0x1;
	[bflag:$0x0] =	sbarrier.arrive $0xFFFF  }
0x3b: {  	s31 =	simm.s32 $0x2;
	[sflag:s2] =	ssyncpa.u1 $0x1  }
0x3c: {  	[sflag:s31] =	ssyncpa.u1 $0x1  }
0x3d: {  	p0 =	sne.s32 s0, $0x0;
	_ =	strace $0x9000004A  }
0x3e: {  	s0 =	sadd.s32 @!p0 $0x100000, s1;
	[bflag:$0x2] =	sbarrier.arrive $0xFFFF  }
0x3f: {  	[sflag:s0] =	ssyncadd.tile.s32 @!p0 $0x1;
	_ =	shalt  }
.Lfunc_end1:
_tile_overlayer_lowered:
.L_overlay_start_2:
0x40: {  	(tag) =	ssettag $0x2  }
0x41: {  	s0 =	rddreg [dreg:$0x0];
	s2 =	stileid.u32  }
0x42: {  	s1 =	rddreg [dreg:$0x1];
	p0 =	sne.s32 s2, $0x0  }
0x43: {  	s3 =	rddreg [dreg:$0x2];
	[bflag:$0x3] =	sbarrier.arrive $0xFFFF;
	s2 =	simm.s32 @!p0 $0x1C01  }
0x44: {  	[timem:s3], [sflag:s2] =	dma.local @!p0 [hbm:s0], s1  }
0x45: {  	s0 =	simm.s32 @!p0 $0x1  }
0x46: {  	_ =	swait.ge @!p0 [sflag:s0], s1  }
0x47: {  	s1 =	ssub.s32 @!p0 $0x0, s1;
	[sflag:s0] =	ssyncset.done @!p0 $0x0  }
0x48: {  	[sflag:s0] =	ssyncadd.s32 @!p0 s1  }
0x49: {  	[bflag:$0x3] =	sbarrier.arrive $0xFFFF  }
0x4a: {  	_ =	shalt  }

</sc_bundles>
